<compile_context>
chip_gen: v7x
topology: tpu7x:2x2x1
jax: 0.10.2.dev20260603
libtpu: 0.0.44.dev20260713+nightly
codegen_flags: <defaults>
</compile_context>

<pallas_src>
import jax
import jax.numpy as jnp
from jax import lax
from jax.experimental import pallas as pl
from jax.experimental.pallas import tpu as pltpu
from jax.experimental.pallas import tpu_sc as plsc

N = 10000
E = 320000
D = 128
H = 128
C = 40

NC = 2
NS = 16
EPT = E // NS
K = 80
NCH = EPT // K
DCH = NCH // 2
NP = 10240
RPT = NP // NS
ZR = 128
NZ = RPT // ZR
HD = 64
NB = 5


def _make_agg_body(interleaved):
  def _sc_agg_body(h, srcb, dbase, part, sidx, didx, r0, r1, r2, r3, r4,
                     zbuf, aggsh, g0, g1, g2, g3, g4, s0, s1, s2, s3, s4):
      rows = (r0, r1, r2, r3, r4)
      gsem = (g0, g1, g2, g3, g4)
      ssem = (s0, s1, s2, s3, s4)

      c = lax.axis_index("c")
      s = lax.axis_index("s")
      w = c * NS + s

      zero16 = jnp.zeros((16,), jnp.float32)

      def zb(i, carry):
          r = i // (HD // 16)
          k = i % (HD // 16)
          zbuf[r, pl.ds(k * 16, 16)] = zero16
          return carry
      lax.fori_loop(0, ZR * (HD // 16), zb, 0)

      for z in range(NZ):
          pltpu.sync_copy(zbuf, aggsh.at[pl.ds(s * RPT + z * ZR, ZR)])
      plsc.subcore_barrier()

      pltpu.sync_copy(srcb.at[s], sidx)
      pltpu.sync_copy(dbase.at[s], didx)

      if interleaved:
          cvec = jnp.zeros((16,), jnp.int32) + c

          def fx(i, carry):
              r = i // (K // 16)
              k = i % (K // 16)
              v = sidx[r, pl.ds(k * 16, 16)]
              sidx[r, pl.ds(k * 16, 16)] = v + v + cvec
              return carry
          lax.fori_loop(0, NCH * (K // 16), fx, 0)
          tbl = h
      else:
          tbl = h.at[pl.ds(c * N, N)]

      for b in range(2):
          pltpu.async_copy(tbl.at[sidx.at[b]], rows[b], gsem[b])

      def pipe(j, carry):
          for b in range(NB):
              t = j * NB + b
              b2 = (b + 2) % NB
              pltpu.make_async_copy(tbl.at[sidx.at[t]], rows[b],
                                    gsem[b]).wait()
              pltpu.async_copy(rows[b], aggsh.at[didx.at[t]], ssem[b],
                               add=True)

              @pl.when(t >= 3)
              def _():
                  pltpu.make_async_copy(rows[b2], aggsh.at[didx.at[t - 3]],
                                        ssem[b2]).wait()

              @pl.when(t + 2 < NCH)
              def _():
                  pltpu.async_copy(tbl.at[sidx.at[t + 2]], rows[b2], gsem[b2])
          return carry
      lax.fori_loop(0, NCH // NB, pipe, 0)

      for k in range(3):
          t = NCH - 3 + k
          pltpu.make_async_copy(rows[t % NB], aggsh.at[didx.at[t]],
                                ssem[t % NB]).wait()

      plsc.subcore_barrier()

      for z in range(NZ):
          sl = pl.ds(s * RPT + z * ZR, ZR)
          pltpu.sync_copy(aggsh.at[sl], zbuf)
          pltpu.sync_copy(zbuf, part.at[pl.ds(c * NP + s * RPT + z * ZR, ZR)])


  return _sc_agg_body


def _sc_deg_body(dbase, degout, didx, ones16, zdeg, degsh, dsem):
    c = lax.axis_index("c")
    s = lax.axis_index("s")

    zero16 = jnp.zeros((16,), jnp.float32)
    one16 = jnp.ones((16,), jnp.float32)

    def zd(i, carry):
        zdeg[i, :] = zero16
        return carry
    lax.fori_loop(0, RPT, zd, 0)

    def ob(i, carry):
        ones16[i, :] = one16
        return carry
    lax.fori_loop(0, K, ob, 0)

    pltpu.sync_copy(zdeg, degsh.at[pl.ds(s * RPT, RPT)])
    plsc.subcore_barrier()

    pltpu.sync_copy(dbase.at[s], didx)

    def outer(j, carry):
        def fire(k, carry2):
            ci = c * DCH + j * 25 + k
            pltpu.async_copy(ones16, degsh.at[didx.at[ci]], dsem, add=True)
            return carry2
        lax.fori_loop(0, 25, fire, 0)

        def drain(k, carry2):
            ci = c * DCH + j * 25 + k
            pltpu.make_async_copy(ones16, degsh.at[didx.at[ci]],
                                  dsem).wait()
            return carry2
        lax.fori_loop(0, 25, drain, 0)
        return carry
    lax.fori_loop(0, DCH // 25, outer, 0)

    plsc.subcore_barrier()

    pltpu.sync_copy(degsh.at[pl.ds(s * RPT, RPT)], zdeg)
    pltpu.sync_copy(zdeg, degout.at[pl.ds(c * NP + s * RPT, RPT)])


def _sc_mesh():
    return plsc.VectorSubcoreMesh(core_axis_name="c", subcore_axis_name="s",
                                  num_cores=NC, num_subcores=NS)


_SC_PARAMS = pltpu.CompilerParams(use_tc_tiling_on_sc=False)

_agg_scratch = [
    pltpu.VMEM((NCH, K), jnp.int32),
    pltpu.VMEM((NCH, K), jnp.int32),
    pltpu.VMEM((K, HD), jnp.float32),
    pltpu.VMEM((K, HD), jnp.float32),
    pltpu.VMEM((K, HD), jnp.float32),
    pltpu.VMEM((K, HD), jnp.float32),
    pltpu.VMEM((K, HD), jnp.float32),
    pltpu.VMEM((ZR, HD), jnp.float32),
    pltpu.VMEM_SHARED((NP, HD), jnp.float32),
    pltpu.SemaphoreType.DMA,
    pltpu.SemaphoreType.DMA,
    pltpu.SemaphoreType.DMA,
    pltpu.SemaphoreType.DMA,
    pltpu.SemaphoreType.DMA,
    pltpu.SemaphoreType.DMA,
    pltpu.SemaphoreType.DMA,
    pltpu.SemaphoreType.DMA,
    pltpu.SemaphoreType.DMA,
    pltpu.SemaphoreType.DMA,
]

_sc_agg_i = pl.kernel(
    _make_agg_body(True),
    out_type=jax.ShapeDtypeStruct((2 * NP, HD), jnp.float32),
    mesh=_sc_mesh(),
    compiler_params=_SC_PARAMS,
    scratch_types=_agg_scratch,
)

_sc_agg = pl.kernel(
    _make_agg_body(False),
    out_type=jax.ShapeDtypeStruct((2 * NP, HD), jnp.float32),
    mesh=_sc_mesh(),
    compiler_params=_SC_PARAMS,
    scratch_types=[
        pltpu.VMEM((NCH, K), jnp.int32),
        pltpu.VMEM((NCH, K), jnp.int32),
        pltpu.VMEM((K, HD), jnp.float32),
        pltpu.VMEM((K, HD), jnp.float32),
        pltpu.VMEM((K, HD), jnp.float32),
        pltpu.VMEM((K, HD), jnp.float32),
        pltpu.VMEM((K, HD), jnp.float32),
        pltpu.VMEM((ZR, HD), jnp.float32),
        pltpu.VMEM_SHARED((NP, HD), jnp.float32),
        pltpu.SemaphoreType.DMA,
        pltpu.SemaphoreType.DMA,
        pltpu.SemaphoreType.DMA,
        pltpu.SemaphoreType.DMA,
        pltpu.SemaphoreType.DMA,
        pltpu.SemaphoreType.DMA,
        pltpu.SemaphoreType.DMA,
        pltpu.SemaphoreType.DMA,
        pltpu.SemaphoreType.DMA,
        pltpu.SemaphoreType.DMA,
    ],
)

_sc_deg = pl.kernel(
    _sc_deg_body,
    out_type=jax.ShapeDtypeStruct((2 * NP, 16), jnp.float32),
    mesh=_sc_mesh(),
    compiler_params=_SC_PARAMS,
    scratch_types=[
        pltpu.VMEM((NCH, K), jnp.int32),
        pltpu.VMEM((K, 16), jnp.float32),
        pltpu.VMEM((RPT, 16), jnp.float32),
        pltpu.VMEM_SHARED((NP, 16), jnp.float32),
        pltpu.SemaphoreType.DMA,
    ],
)

R = 2048
GRID = NP // R


def _norm_layer(a0, a1, d0, d1, W, b, g, be):
    inv = 1.0 / jnp.maximum(d0[:, 0:1] + d1[:, 0:1], 1.0)
    hh = (jnp.dot(a0[...], W[:HD, :], preferred_element_type=jnp.float32,
                  precision=lax.Precision.DEFAULT)
          + jnp.dot(a1[...], W[HD:, :], preferred_element_type=jnp.float32,
                    precision=lax.Precision.DEFAULT)) * inv + b[...]
    hh = jnp.maximum(hh, 0.0)
    mu = jnp.mean(hh, axis=-1, keepdims=True)
    var = jnp.mean((hh - mu) ** 2, axis=-1, keepdims=True)
    return (hh - mu) / jnp.sqrt(var + 1e-5) * g[...] + be[...]


def _tc_layer_body(a0, a1, d0, d1, W, b, g, be, out):
    hn = _norm_layer(a0, a1, d0, d1, W, b, g, be)
    out[0] = hn[:, :HD]
    out[1] = hn[:, HD:]


def _tc_out_body(a0, a1, d0, d1, W, b, g, be, Wo, bo, out):
    hn = _norm_layer(a0, a1, d0, d1, W, b, g, be)
    o = lax.dot_general(Wo[...], hn, (((0,), (1,)), ((), ())),
                        preferred_element_type=jnp.float32,
                        precision=lax.Precision.DEFAULT) + bo[...]
    m = jnp.max(o, axis=0, keepdims=True)
    lse = jnp.log(jnp.sum(jnp.exp(o - m), axis=0, keepdims=True)) + m
    out[...] = o - lse


_spec_a0 = pl.BlockSpec((R, HD), lambda i: (i, 0))
_spec_a1 = pl.BlockSpec((R, HD), lambda i: (i + GRID, 0))
_spec_d0 = pl.BlockSpec((R, 16), lambda i: (i, 0))
_spec_d1 = pl.BlockSpec((R, 16), lambda i: (i + GRID, 0))
_spec_w = pl.BlockSpec((128, 128), lambda i: (0, 0))
_spec_v = pl.BlockSpec((1, 128), lambda i: (0, 0))

_tc_layer = pl.pallas_call(
    _tc_layer_body,
    grid=(GRID,),
    in_specs=[_spec_a0, _spec_a1, _spec_d0, _spec_d1,
              _spec_w, _spec_v, _spec_v, _spec_v],
    out_specs=pl.BlockSpec((2, R, HD), lambda i: (0, i, 0)),
    out_shape=jax.ShapeDtypeStruct((2, N, HD), jnp.float32),
)

_tc_out = pl.pallas_call(
    _tc_out_body,
    grid=(GRID,),
    in_specs=[_spec_a0, _spec_a1, _spec_d0, _spec_d1,
              _spec_w, _spec_v, _spec_v, _spec_v,
              pl.BlockSpec((128, C), lambda i: (0, 0)),
              pl.BlockSpec((C, 1), lambda i: (0, 0))],
    out_specs=pl.BlockSpec((C, R), lambda i: (0, i)),
    out_shape=jax.ShapeDtypeStruct((C, N), jnp.float32),
)


def kernel(x, edge_index, W1, b1, g1, be1, W2, b2, g2, be2, Wo, bo):
    ei = edge_index.astype(jnp.int32)
    sbase = ei[0].reshape(NS, NCH, K)
    dbase = ei[1].reshape(NS, NCH, K)

    xs = x.reshape(2 * N, HD)

    deg = _sc_deg(dbase)
    part1 = _sc_agg_i(xs, sbase, dbase)
    h1 = _tc_layer(part1, part1, deg, deg,
                   W1, b1.reshape(1, H), g1.reshape(1, H), be1.reshape(1, H))
    part2 = _sc_agg(h1.reshape(2 * N, HD), sbase, dbase)
    out_t = _tc_out(part2, part2, deg, deg,
                    W2, b2.reshape(1, H), g2.reshape(1, H), be2.reshape(1, H),
                    Wo, bo.reshape(C, 1))
    return out_t.T

# --- scband reference (transcript-rebuilt; emitter-appended) ---
"""Pipeline reference for scband-gnnmodel-24567212933604 (READ-ONLY COPY).

The authoritative reference and input builder live on the scoring server;
editing this copy changes nothing except your own understanding.
"""

import jax, jax.numpy as jnp
import numpy as np

N = 10000
E = 320000
D = 128
H = 128
C = 40


def setup_inputs(seed: int = 0) -> dict:
    key = jax.random.key(seed)
    ks = jax.random.split(key, 12)
    x = jax.random.normal(ks[0], (N, D), dtype=jnp.float32)
    edge_index = jax.random.randint(ks[1], (2, E), 0, N, dtype=jnp.int64)
    W1 = jax.random.normal(ks[2], (D, H), dtype=jnp.float32) * 0.05
    b1 = jnp.zeros((H,), dtype=jnp.float32)
    g1 = jnp.ones((H,), dtype=jnp.float32)
    be1 = jnp.zeros((H,), dtype=jnp.float32)
    W2 = jax.random.normal(ks[3], (H, H), dtype=jnp.float32) * 0.05
    b2 = jnp.zeros((H,), dtype=jnp.float32)
    g2 = jnp.ones((H,), dtype=jnp.float32)
    be2 = jnp.zeros((H,), dtype=jnp.float32)
    Wo = jax.random.normal(ks[4], (H, C), dtype=jnp.float32) * 0.05
    bo = jnp.zeros((C,), dtype=jnp.float32)
    return {"x": x, "edge_index": edge_index, "W1": W1, "b1": b1, "g1": g1, "be1": be1,
            "W2": W2, "b2": b2, "g2": g2, "be2": be2, "Wo": Wo, "bo": bo}


def _layernorm(h, g, be):
    mu = jnp.mean(h, axis=-1, keepdims=True)
    var = jnp.var(h, axis=-1, keepdims=True)
    return (h - mu) / jnp.sqrt(var + 1e-5) * g + be


def reference(x, edge_index, W1, b1, g1, be1, W2, b2, g2, be2, Wo, bo):
    src = edge_index[0]
    dst = edge_index[1]

    def conv(h, W, b):
        # gather messages from source nodes (SparseCore gather)
        msgs = jnp.take(h, src, axis=0)
        # scatter-add to destination nodes, then mean-normalize by degree
        agg = jax.ops.segment_sum(msgs, dst, num_segments=N)
        deg = jax.ops.segment_sum(jnp.ones((E,), dtype=h.dtype), dst, num_segments=N)
        agg = agg / jnp.clip(deg, 1.0, None)[:, None]
        return agg @ W + b

    # layer 1: gnn -> act -> norm (dropout is identity in eval)
    h = conv(x, W1, b1)
    h = jax.nn.relu(h)
    h = _layernorm(h, g1, be1)
    # layer 2 ('plain' layer aggregation: feed last hidden)
    h = conv(h, W2, b2)
    h = jax.nn.relu(h)
    h = _layernorm(h, g2, be2)
    out = h @ Wo + bo
    return jax.nn.log_softmax(out, axis=1)

if __name__ == "__main__":
    import jax
    _d = setup_inputs()
    print(jax.jit(kernel)(*tuple(_d.values())))

</pallas_src>

<mosaic_0001>
#map = affine_map<(d0, d1) -> (0, 0)>
#map1 = affine_map<(d0, d1) -> (0, 0, 0)>
module attributes {stable_mosaic.version = 14 : i64} {
  func.func @_sc_agg_body(%arg0: i32, %arg1: i32, %arg2: memref<20000x64xf32, #tpu.memory_space<hbm>>, %arg3: memref<16x250x80xi32, #tpu.memory_space<hbm>>, %arg4: memref<16x250x80xi32, #tpu.memory_space<hbm>>, %arg5: memref<20480x64xf32, #tpu.memory_space<hbm>>, %arg6: memref<250x80xi32, #tpu.memory_space<vmem>>, %arg7: memref<250x80xi32, #tpu.memory_space<vmem>>, %arg8: memref<80x64xf32, #tpu.memory_space<vmem>>, %arg9: memref<80x64xf32, #tpu.memory_space<vmem>>, %arg10: memref<80x64xf32, #tpu.memory_space<vmem>>, %arg11: memref<80x64xf32, #tpu.memory_space<vmem>>, %arg12: memref<80x64xf32, #tpu.memory_space<vmem>>, %arg13: memref<128x64xf32, #tpu.memory_space<vmem>>, %arg14: memref<10240x64xf32, #tpu.memory_space<vmem_shared>>, %arg15: memref<!tpu.dma_semaphore, #tpu.memory_space<semaphore_mem>>, %arg16: memref<!tpu.dma_semaphore, #tpu.memory_space<semaphore_mem>>, %arg17: memref<!tpu.dma_semaphore, #tpu.memory_space<semaphore_mem>>, %arg18: memref<!tpu.dma_semaphore, #tpu.memory_space<semaphore_mem>>, %arg19: memref<!tpu.dma_semaphore, #tpu.memory_space<semaphore_mem>>, %arg20: memref<!tpu.dma_semaphore, #tpu.memory_space<semaphore_mem>>, %arg21: memref<!tpu.dma_semaphore, #tpu.memory_space<semaphore_mem>>, %arg22: memref<!tpu.dma_semaphore, #tpu.memory_space<semaphore_mem>>, %arg23: memref<!tpu.dma_semaphore, #tpu.memory_space<semaphore_mem>>, %arg24: memref<!tpu.dma_semaphore, #tpu.memory_space<semaphore_mem>>) attributes {dimension_semantics = [#tpu.dimension_semantics<core_parallel>, #tpu.dimension_semantics<subcore_parallel>], iteration_bounds = array<i64: 2, 16>, scalar_prefetch = 0 : i64, scratch_operands = 19 : i64, tpu.core_type = #tpu.core_type<sc_vector_subcore>, window_params = [{transform_indices = #map}, {transform_indices = #map1}, {transform_indices = #map1}, {transform_indices = #map}]} {
    %mul3A = arith.constant 16 : i32
    %mul3A_0 = arith.muli %arg0, %mul3A : i32
    %add3A = arith.addi %mul3A_0, %arg1 : i32
    %broadcast_in_dim3A = arith.constant 0.000000e+00 : f32
    %broadcast_in_dim3A_1 = vector.broadcast %broadcast_in_dim3A : f32 to vector<16xf32>
    %scan3A = arith.constant 0 : i32
    %scan3A_2 = arith.constant 0 : i32
    %scan3A_3 = arith.constant 512 : i32
    %scan3A_4 = arith.addi %scan3A_2, %scan3A_3 : i32
    %scan3A_5 = arith.constant 1 : i32
    scf.for %scan3A_128 = %scan3A_2 to %scan3A_4 step %scan3A_5  : i32 {
      %jit3A = arith.constant 4 : i32
      %div3A = arith.divsi %scan3A_128, %jit3A : i32
      %sign3A = arith.constant 0 : i32
      %sign3A_129 = arith.cmpi sgt, %scan3A_128, %sign3A : i32
      %sign3A_130 = arith.extui %sign3A_129 : i1 to i32
      %sign3A_131 = arith.constant 0 : i32
      %sign3A_132 = arith.cmpi slt, %scan3A_128, %sign3A_131 : i32
      %sign3A_133 = arith.extui %sign3A_132 : i1 to i32
      %sign3A_134 = arith.subi %sign3A_130, %sign3A_133 : i32
      %sign3A_135 = arith.constant 0 : i32
      %sign3A_136 = arith.cmpi sgt, %jit3A, %sign3A_135 : i32
      %sign3A_137 = arith.extui %sign3A_136 : i1 to i32
      %sign3A_138 = arith.constant 0 : i32
      %sign3A_139 = arith.cmpi slt, %jit3A, %sign3A_138 : i32
      %sign3A_140 = arith.extui %sign3A_139 : i1 to i32
      %sign3A_141 = arith.subi %sign3A_137, %sign3A_140 : i32
      %ne3A = arith.cmpi ne, %sign3A_134, %sign3A_141 : i32
      %rem3A = arith.remsi %scan3A_128, %jit3A : i32
      %ne3A_142 = arith.constant 0 : i32
      %ne3A_143 = arith.cmpi ne, %rem3A, %ne3A_142 : i32
      %and3A = arith.andi %ne3A, %ne3A_143 : i1
      %sub3A = arith.constant 1 : i32
      %sub3A_144 = arith.subi %div3A, %sub3A : i32
      %select_n3A = arith.select %and3A, %sub3A_144, %div3A : i32
      %jit3A_145 = arith.constant 4 : i32
      %eq3A = arith.constant 0 : i32
      %eq3A_146 = arith.cmpi eq, %jit3A_145, %eq3A : i32
      %jit3A_147 = arith.constant 1 : i32
      %select_n3A_148 = arith.select %eq3A_146, %jit3A_147, %jit3A_145 : i32
      %rem3A_149 = arith.remsi %scan3A_128, %select_n3A_148 : i32
      %ne3A_150 = arith.constant 0 : i32
      %ne3A_151 = arith.cmpi ne, %rem3A_149, %ne3A_150 : i32
      %lt3A = arith.constant 0 : i32
      %lt3A_152 = arith.cmpi slt, %rem3A_149, %lt3A : i32
      %lt3A_153 = arith.constant 0 : i32
      %lt3A_154 = arith.cmpi slt, %select_n3A_148, %lt3A_153 : i32
      %ne3A_155 = arith.xori %lt3A_152, %lt3A_154 : i1
      %and3A_156 = arith.andi %ne3A_155, %ne3A_151 : i1
      %add3A_157 = arith.addi %rem3A_149, %select_n3A_148 : i32
      %select_n3A_158 = arith.select %and3A_156, %add3A_157, %rem3A_149 : i32
      %mul3A_159 = arith.constant 16 : i32
      %mul3A_160 = arith.muli %select_n3A_158, %mul3A_159 : i32
      %swap3A = arith.index_cast %select_n3A : i32 to index
      %swap3A_161 = arith.index_cast %mul3A_160 : i32 to index
      %swap3A_162 = tpu.vector_load %arg13[%swap3A, %swap3A_161] {strides = array<i32>} : memref<128x64xf32, #tpu.memory_space<vmem>>, vector<1x16xf32>,
      %swap3A_163 = vector.shape_cast %swap3A_162 : vector<1x16xf32> to vector<16xf32>
      %swap3A_164 = vector.shape_cast %broadcast_in_dim3A_1 : vector<16xf32> to vector<1x16xf32>
      tpu.vector_store %arg13[%swap3A, %swap3A_161], %swap3A_164 {strides = array<i32>} : memref<128x64xf32, #tpu.memory_space<vmem>>, vector<1x16xf32>,
    }
    %scan3A_6 = arith.constant 512 : i32
    %mul3A_7 = arith.constant 640 : i32
    %mul3A_8 = arith.muli %arg1, %mul3A_7 : i32
    %add3A_9 = arith.constant 0 : i32
    %add3A_10 = arith.addi %mul3A_8, %add3A_9 : i32
    "tpu.region"() ({
      %run_scoped3A = tpu.sem_alloc : memref<!tpu.dma_semaphore, #tpu.memory_space<semaphore_mem>>
      %dma_start3A_128 = arith.constant 0 : i32
      %dma_start3A_129 = tpu.memref_slice %arg14[%add3A_10, %dma_start3A_128] : memref<10240x64xf32, #tpu.memory_space<vmem_shared>> -> memref<128x64xf32, #tpu.memory_space<vmem_shared>>
      %dma_start3A_130 = arith.constant 0 : i32
      %dma_start3A_131 = tpu.memref_slice %arg14[%add3A_10, %dma_start3A_130] : memref<10240x64xf32, #tpu.memory_space<vmem_shared>> -> memref<128x64xf32, #tpu.memory_space<vmem_shared>>
      tpu.enqueue_dma source(%arg13 : memref<128x64xf32, #tpu.memory_space<vmem>>) target(%dma_start3A_131 : memref<128x64xf32, #tpu.memory_space<vmem_shared>>) target_semaphore(%run_scoped3A : memref<!tpu.dma_semaphore, #tpu.memory_space<semaphore_mem>>)
      %dma_wait3A_132 = arith.constant 0 : i32
      %dma_wait3A_133 = tpu.memref_slice %arg14[%add3A_10, %dma_wait3A_132] : memref<10240x64xf32, #tpu.memory_space<vmem_shared>> -> memref<128x64xf32, #tpu.memory_space<vmem_shared>>
      %dma_wait3A_134 = arith.constant 0 : i32
      %dma_wait3A_135 = tpu.memref_slice %arg14[%add3A_10, %dma_wait3A_134] : memref<10240x64xf32, #tpu.memory_space<vmem_shared>> -> memref<128x64xf32, #tpu.memory_space<vmem_shared>>
      tpu.wait_dma2 semaphore(%run_scoped3A : memref<!tpu.dma_semaphore, #tpu.memory_space<semaphore_mem>>) src(%arg13 : memref<128x64xf32, #tpu.memory_space<vmem>>) dst(%dma_wait3A_135 : memref<128x64xf32, #tpu.memory_space<vmem_shared>>)
      tpu.yield
    }) : () -> ()
    %mul3A_11 = arith.constant 640 : i32
    %mul3A_12 = arith.muli %arg1, %mul3A_11 : i32
    %add3A_13 = arith.constant 128 : i32
    %add3A_14 = arith.addi %mul3A_12, %add3A_13 : i32
    "tpu.region"() ({
      %run_scoped3A = tpu.sem_alloc : memref<!tpu.dma_semaphore, #tpu.memory_space<semaphore_mem>>
      %dma_start3A_128 = arith.constant 0 : i32
      %dma_start3A_129 = tpu.memref_slice %arg14[%add3A_14, %dma_start3A_128] : memref<10240x64xf32, #tpu.memory_space<vmem_shared>> -> memref<128x64xf32, #tpu.memory_space<vmem_shared>>
      %dma_start3A_130 = arith.constant 0 : i32
      %dma_start3A_131 = tpu.memref_slice %arg14[%add3A_14, %dma_start3A_130] : memref<10240x64xf32, #tpu.memory_space<vmem_shared>> -> memref<128x64xf32, #tpu.memory_space<vmem_shared>>
      tpu.enqueue_dma source(%arg13 : memref<128x64xf32, #tpu.memory_space<vmem>>) target(%dma_start3A_131 : memref<128x64xf32, #tpu.memory_space<vmem_shared>>) target_semaphore(%run_scoped3A : memref<!tpu.dma_semaphore, #tpu.memory_space<semaphore_mem>>)
      %dma_wait3A_132 = arith.constant 0 : i32
      %dma_wait3A_133 = tpu.memref_slice %arg14[%add3A_14, %dma_wait3A_132] : memref<10240x64xf32, #tpu.memory_space<vmem_shared>> -> memref<128x64xf32, #tpu.memory_space<vmem_shared>>
      %dma_wait3A_134 = arith.constant 0 : i32
      %dma_wait3A_135 = tpu.memref_slice %arg14[%add3A_14, %dma_wait3A_134] : memref<10240x64xf32, #tpu.memory_space<vmem_shared>> -> memref<128x64xf32, #tpu.memory_space<vmem_shared>>
      tpu.wait_dma2 semaphore(%run_scoped3A : memref<!tpu.dma_semaphore, #tpu.memory_space<semaphore_mem>>) src(%arg13 : memref<128x64xf32, #tpu.memory_space<vmem>>) dst(%dma_wait3A_135 : memref<128x64xf32, #tpu.memory_space<vmem_shared>>)
      tpu.yield
    }) : () -> ()
    %mul3A_15 = arith.constant 640 : i32
    %mul3A_16 = arith.muli %arg1, %mul3A_15 : i32
    %add3A_17 = arith.constant 256 : i32
    %add3A_18 = arith.addi %mul3A_16, %add3A_17 : i32
    "tpu.region"() ({
      %run_scoped3A = tpu.sem_alloc : memref<!tpu.dma_semaphore, #tpu.memory_space<semaphore_mem>>
      %dma_start3A_128 = arith.constant 0 : i32
      %dma_start3A_129 = tpu.memref_slice %arg14[%add3A_18, %dma_start3A_128] : memref<10240x64xf32, #tpu.memory_space<vmem_shared>> -> memref<128x64xf32, #tpu.memory_space<vmem_shared>>
      %dma_start3A_130 = arith.constant 0 : i32
      %dma_start3A_131 = tpu.memref_slice %arg14[%add3A_18, %dma_start3A_130] : memref<10240x64xf32, #tpu.memory_space<vmem_shared>> -> memref<128x64xf32, #tpu.memory_space<vmem_shared>>
      tpu.enqueue_dma source(%arg13 : memref<128x64xf32, #tpu.memory_space<vmem>>) target(%dma_start3A_131 : memref<128x64xf32, #tpu.memory_space<vmem_shared>>) target_semaphore(%run_scoped3A : memref<!tpu.dma_semaphore, #tpu.memory_space<semaphore_mem>>)
      %dma_wait3A_132 = arith.constant 0 : i32
      %dma_wait3A_133 = tpu.memref_slice %arg14[%add3A_18, %dma_wait3A_132] : memref<10240x64xf32, #tpu.memory_space<vmem_shared>> -> memref<128x64xf32, #tpu.memory_space<vmem_shared>>
      %dma_wait3A_134 = arith.constant 0 : i32
      %dma_wait3A_135 = tpu.memref_slice %arg14[%add3A_18, %dma_wait3A_134] : memref<10240x64xf32, #tpu.memory_space<vmem_shared>> -> memref<128x64xf32, #tpu.memory_space<vmem_shared>>
      tpu.wait_dma2 semaphore(%run_scoped3A : memref<!tpu.dma_semaphore, #tpu.memory_space<semaphore_mem>>) src(%arg13 : memref<128x64xf32, #tpu.memory_space<vmem>>) dst(%dma_wait3A_135 : memref<128x64xf32, #tpu.memory_space<vmem_shared>>)
      tpu.yield
    }) : () -> ()
    %mul3A_19 = arith.constant 640 : i32
    %mul3A_20 = arith.muli %arg1, %mul3A_19 : i32
    %add3A_21 = arith.constant 384 : i32
    %add3A_22 = arith.addi %mul3A_20, %add3A_21 : i32
    "tpu.region"() ({
      %run_scoped3A = tpu.sem_alloc : memref<!tpu.dma_semaphore, #tpu.memory_space<semaphore_mem>>
      %dma_start3A_128 = arith.constant 0 : i32
      %dma_start3A_129 = tpu.memref_slice %arg14[%add3A_22, %dma_start3A_128] : memref<10240x64xf32, #tpu.memory_space<vmem_shared>> -> memref<128x64xf32, #tpu.memory_space<vmem_shared>>
      %dma_start3A_130 = arith.constant 0 : i32
      %dma_start3A_131 = tpu.memref_slice %arg14[%add3A_22, %dma_start3A_130] : memref<10240x64xf32, #tpu.memory_space<vmem_shared>> -> memref<128x64xf32, #tpu.memory_space<vmem_shared>>
      tpu.enqueue_dma source(%arg13 : memref<128x64xf32, #tpu.memory_space<vmem>>) target(%dma_start3A_131 : memref<128x64xf32, #tpu.memory_space<vmem_shared>>) target_semaphore(%run_scoped3A : memref<!tpu.dma_semaphore, #tpu.memory_space<semaphore_mem>>)
      %dma_wait3A_132 = arith.constant 0 : i32
      %dma_wait3A_133 = tpu.memref_slice %arg14[%add3A_22, %dma_wait3A_132] : memref<10240x64xf32, #tpu.memory_space<vmem_shared>> -> memref<128x64xf32, #tpu.memory_space<vmem_shared>>
      %dma_wait3A_134 = arith.constant 0 : i32
      %dma_wait3A_135 = tpu.memref_slice %arg14[%add3A_22, %dma_wait3A_134] : memref<10240x64xf32, #tpu.memory_space<vmem_shared>> -> memref<128x64xf32, #tpu.memory_space<vmem_shared>>
      tpu.wait_dma2 semaphore(%run_scoped3A : memref<!tpu.dma_semaphore, #tpu.memory_space<semaphore_mem>>) src(%arg13 : memref<128x64xf32, #tpu.memory_space<vmem>>) dst(%dma_wait3A_135 : memref<128x64xf32, #tpu.memory_space<vmem_shared>>)
      tpu.yield
    }) : () -> ()
    %mul3A_23 = arith.constant 640 : i32
    %mul3A_24 = arith.muli %arg1, %mul3A_23 : i32
    %add3A_25 = arith.constant 512 : i32
    %add3A_26 = arith.addi %mul3A_24, %add3A_25 : i32
    "tpu.region"() ({
      %run_scoped3A = tpu.sem_alloc : memref<!tpu.dma_semaphore, #tpu.memory_space<semaphore_mem>>
      %dma_start3A_128 = arith.constant 0 : i32
      %dma_start3A_129 = tpu.memref_slice %arg14[%add3A_26, %dma_start3A_128] : memref<10240x64xf32, #tpu.memory_space<vmem_shared>> -> memref<128x64xf32, #tpu.memory_space<vmem_shared>>
      %dma_start3A_130 = arith.constant 0 : i32
      %dma_start3A_131 = tpu.memref_slice %arg14[%add3A_26, %dma_start3A_130] : memref<10240x64xf32, #tpu.memory_space<vmem_shared>> -> memref<128x64xf32, #tpu.memory_space<vmem_shared>>
      tpu.enqueue_dma source(%arg13 : memref<128x64xf32, #tpu.memory_space<vmem>>) target(%dma_start3A_131 : memref<128x64xf32, #tpu.memory_space<vmem_shared>>) target_semaphore(%run_scoped3A : memref<!tpu.dma_semaphore, #tpu.memory_space<semaphore_mem>>)
      %dma_wait3A_132 = arith.constant 0 : i32
      %dma_wait3A_133 = tpu.memref_slice %arg14[%add3A_26, %dma_wait3A_132] : memref<10240x64xf32, #tpu.memory_space<vmem_shared>> -> memref<128x64xf32, #tpu.memory_space<vmem_shared>>
      %dma_wait3A_134 = arith.constant 0 : i32
      %dma_wait3A_135 = tpu.memref_slice %arg14[%add3A_26, %dma_wait3A_134] : memref<10240x64xf32, #tpu.memory_space<vmem_shared>> -> memref<128x64xf32, #tpu.memory_space<vmem_shared>>
      tpu.wait_dma2 semaphore(%run_scoped3A : memref<!tpu.dma_semaphore, #tpu.memory_space<semaphore_mem>>) src(%arg13 : memref<128x64xf32, #tpu.memory_space<vmem>>) dst(%dma_wait3A_135 : memref<128x64xf32, #tpu.memory_space<vmem_shared>>)
      tpu.yield
    }) : () -> ()
    %barrier3A = arith.constant 0 : index
    tpu.barrier barrier_id(%barrier3A)
    "tpu.region"() ({
      %run_scoped3A = tpu.sem_alloc : memref<!tpu.dma_semaphore, #tpu.memory_space<semaphore_mem>>
      %dma_start3A_128 = arith.constant 0 : i32
      %dma_start3A_129 = arith.constant 0 : i32
      %dma_start3A_130 = tpu.memref_slice %arg3[%arg1, %dma_start3A_128, %dma_start3A_129] : memref<16x250x80xi32, #tpu.memory_space<hbm>> -> memref<1x250x80xi32, #tpu.memory_space<hbm>>
      %dma_start3A_131 = tpu.memref_squeeze %dma_start3A_130 : memref<1x250x80xi32, #tpu.memory_space<hbm>> -> memref<250x80xi32, #tpu.memory_space<hbm>>
      %dma_start3A_132 = arith.constant 0 : i32
      %dma_start3A_133 = arith.constant 0 : i32
      %dma_start3A_134 = tpu.memref_slice %arg3[%arg1, %dma_start3A_132, %dma_start3A_133] : memref<16x250x80xi32, #tpu.memory_space<hbm>> -> memref<1x250x80xi32, #tpu.memory_space<hbm>>
      %dma_start3A_135 = tpu.memref_squeeze %dma_start3A_134 : memref<1x250x80xi32, #tpu.memory_space<hbm>> -> memref<250x80xi32, #tpu.memory_space<hbm>>
      tpu.enqueue_dma source(%dma_start3A_135 : memref<250x80xi32, #tpu.memory_space<hbm>>) target(%arg6 : memref<250x80xi32, #tpu.memory_space<vmem>>) target_semaphore(%run_scoped3A : memref<!tpu.dma_semaphore, #tpu.memory_space<semaphore_mem>>)
      %dma_wait3A_136 = arith.constant 0 : i32
      %dma_wait3A_137 = arith.constant 0 : i32
      %dma_wait3A_138 = tpu.memref_slice %arg3[%arg1, %dma_wait3A_136, %dma_wait3A_137] : memref<16x250x80xi32, #tpu.memory_space<hbm>> -> memref<1x250x80xi32, #tpu.memory_space<hbm>>
      %dma_wait3A_139 = tpu.memref_squeeze %dma_wait3A_138 : memref<1x250x80xi32, #tpu.memory_space<hbm>> -> memref<250x80xi32, #tpu.memory_space<hbm>>
      %dma_wait3A_140 = arith.constant 0 : i32
      %dma_wait3A_141 = arith.constant 0 : i32
      %dma_wait3A_142 = tpu.memref_slice %arg3[%arg1, %dma_wait3A_140, %dma_wait3A_141] : memref<16x250x80xi32, #tpu.memory_space<hbm>> -> memref<1x250x80xi32, #tpu.memory_space<hbm>>
      %dma_wait3A_143 = tpu.memref_squeeze %dma_wait3A_142 : memref<1x250x80xi32, #tpu.memory_space<hbm>> -> memref<250x80xi32, #tpu.memory_space<hbm>>
      tpu.wait_dma2 semaphore(%run_scoped3A : memref<!tpu.dma_semaphore, #tpu.memory_space<semaphore_mem>>) src(%dma_wait3A_143 : memref<250x80xi32, #tpu.memory_space<hbm>>) dst(%arg6 : memref<250x80xi32, #tpu.memory_space<vmem>>)
      tpu.yield
    }) : () -> ()
    "tpu.region"() ({
      %run_scoped3A = tpu.sem_alloc : memref<!tpu.dma_semaphore, #tpu.memory_space<semaphore_mem>>
      %dma_start3A_128 = arith.constant 0 : i32
      %dma_start3A_129 = arith.constant 0 : i32
      %dma_start3A_130 = tpu.memref_slice %arg4[%arg1, %dma_start3A_128, %dma_start3A_129] : memref<16x250x80xi32, #tpu.memory_space<hbm>> -> memref<1x250x80xi32, #tpu.memory_space<hbm>>
      %dma_start3A_131 = tpu.memref_squeeze %dma_start3A_130 : memref<1x250x80xi32, #tpu.memory_space<hbm>> -> memref<250x80xi32, #tpu.memory_space<hbm>>
      %dma_start3A_132 = arith.constant 0 : i32
      %dma_start3A_133 = arith.constant 0 : i32
      %dma_start3A_134 = tpu.memref_slice %arg4[%arg1, %dma_start3A_132, %dma_start3A_133] : memref<16x250x80xi32, #tpu.memory_space<hbm>> -> memref<1x250x80xi32, #tpu.memory_space<hbm>>
      %dma_start3A_135 = tpu.memref_squeeze %dma_start3A_134 : memref<1x250x80xi32, #tpu.memory_space<hbm>> -> memref<250x80xi32, #tpu.memory_space<hbm>>
      tpu.enqueue_dma source(%dma_start3A_135 : memref<250x80xi32, #tpu.memory_space<hbm>>) target(%arg7 : memref<250x80xi32, #tpu.memory_space<vmem>>) target_semaphore(%run_scoped3A : memref<!tpu.dma_semaphore, #tpu.memory_space<semaphore_mem>>)
      %dma_wait3A_136 = arith.constant 0 : i32
      %dma_wait3A_137 = arith.constant 0 : i32
      %dma_wait3A_138 = tpu.memref_slice %arg4[%arg1, %dma_wait3A_136, %dma_wait3A_137] : memref<16x250x80xi32, #tpu.memory_space<hbm>> -> memref<1x250x80xi32, #tpu.memory_space<hbm>>
      %dma_wait3A_139 = tpu.memref_squeeze %dma_wait3A_138 : memref<1x250x80xi32, #tpu.memory_space<hbm>> -> memref<250x80xi32, #tpu.memory_space<hbm>>
      %dma_wait3A_140 = arith.constant 0 : i32
      %dma_wait3A_141 = arith.constant 0 : i32
      %dma_wait3A_142 = tpu.memref_slice %arg4[%arg1, %dma_wait3A_140, %dma_wait3A_141] : memref<16x250x80xi32, #tpu.memory_space<hbm>> -> memref<1x250x80xi32, #tpu.memory_space<hbm>>
      %dma_wait3A_143 = tpu.memref_squeeze %dma_wait3A_142 : memref<1x250x80xi32, #tpu.memory_space<hbm>> -> memref<250x80xi32, #tpu.memory_space<hbm>>
      tpu.wait_dma2 semaphore(%run_scoped3A : memref<!tpu.dma_semaphore, #tpu.memory_space<semaphore_mem>>) src(%dma_wait3A_143 : memref<250x80xi32, #tpu.memory_space<hbm>>) dst(%arg7 : memref<250x80xi32, #tpu.memory_space<vmem>>)
      tpu.yield
    }) : () -> ()
    %mul3A_27 = arith.constant 10000 : i32
    %mul3A_28 = arith.muli %arg0, %mul3A_27 : i32
    %dma_start3A = arith.constant 0 : i32
    %dma_start3A_29 = arith.constant 0 : i32
    %dma_start3A_30 = tpu.memref_slice %arg6[%dma_start3A, %dma_start3A_29] : memref<250x80xi32, #tpu.memory_space<vmem>> -> memref<1x80xi32, #tpu.memory_space<vmem>>
    %dma_start3A_31 = tpu.memref_squeeze %dma_start3A_30 : memref<1x80xi32, #tpu.memory_space<vmem>> -> memref<80xi32, #tpu.memory_space<vmem>>
    %dma_start3A_32 = arith.constant 0 : i32
    %dma_start3A_33 = tpu.memref_slice %arg2[%mul3A_28, %dma_start3A_32] : memref<20000x64xf32, #tpu.memory_space<hbm>> -> memref<10000x64xf32, #tpu.memory_space<hbm>>
    %dma_start3A_34 = arith.constant 0 : i32
    %dma_start3A_35 = arith.constant 0 : i32
    %dma_start3A_36 = tpu.memref_slice %dma_start3A_33[%dma_start3A_34, %dma_start3A_35] : memref<10000x64xf32, #tpu.memory_space<hbm>> -> memref<10000x64xf32, #tpu.memory_space<hbm>>
    tpu.enqueue_indirect_dma source(%dma_start3A_36 : memref<10000x64xf32, #tpu.memory_space<hbm>>) target(%arg8 : memref<80x64xf32, #tpu.memory_space<vmem>>) offsets(%dma_start3A_31 : memref<80xi32, #tpu.memory_space<vmem>>) semaphore(%arg15 : memref<!tpu.dma_semaphore, #tpu.memory_space<semaphore_mem>>)
    %dma_start3A_37 = arith.constant 1 : i32
    %dma_start3A_38 = arith.constant 0 : i32
    %dma_start3A_39 = tpu.memref_slice %arg6[%dma_start3A_37, %dma_start3A_38] : memref<250x80xi32, #tpu.memory_space<vmem>> -> memref<1x80xi32, #tpu.memory_space<vmem>>
    %dma_start3A_40 = tpu.memref_squeeze %dma_start3A_39 : memref<1x80xi32, #tpu.memory_space<vmem>> -> memref<80xi32, #tpu.memory_space<vmem>>
    %dma_start3A_41 = arith.constant 0 : i32
    %dma_start3A_42 = tpu.memref_slice %arg2[%mul3A_28, %dma_start3A_41] : memref<20000x64xf32, #tpu.memory_space<hbm>> -> memref<10000x64xf32, #tpu.memory_space<hbm>>
    %dma_start3A_43 = arith.constant 0 : i32
    %dma_start3A_44 = arith.constant 0 : i32
    %dma_start3A_45 = tpu.memref_slice %dma_start3A_42[%dma_start3A_43, %dma_start3A_44] : memref<10000x64xf32, #tpu.memory_space<hbm>> -> memref<10000x64xf32, #tpu.memory_space<hbm>>
    tpu.enqueue_indirect_dma source(%dma_start3A_45 : memref<10000x64xf32, #tpu.memory_space<hbm>>) target(%arg9 : memref<80x64xf32, #tpu.memory_space<vmem>>) offsets(%dma_start3A_40 : memref<80xi32, #tpu.memory_space<vmem>>) semaphore(%arg16 : memref<!tpu.dma_semaphore, #tpu.memory_space<semaphore_mem>>)
    %scan3A_46 = arith.constant 0 : i32
    %scan3A_47 = arith.constant 0 : i32
    %scan3A_48 = arith.constant 50 : i32
    %scan3A_49 = arith.addi %scan3A_47, %scan3A_48 : i32
    %scan3A_50 = arith.constant 1 : i32
    scf.for %scan3A_128 = %scan3A_47 to %scan3A_49 step %scan3A_50  : i32 {
      %mul3A_129 = arith.constant 5 : i32
      %mul3A_130 = arith.muli %scan3A_128, %mul3A_129 : i32
      %add3A_131 = arith.constant 0 : i32
      %add3A_132 = arith.addi %mul3A_130, %add3A_131 : i32
      %dma_wait3A_133 = arith.constant 0 : i32
      %dma_wait3A_134 = tpu.memref_slice %arg6[%add3A_132, %dma_wait3A_133] : memref<250x80xi32, #tpu.memory_space<vmem>> -> memref<1x80xi32, #tpu.memory_space<vmem>>
      %dma_wait3A_135 = tpu.memref_squeeze %dma_wait3A_134 : memref<1x80xi32, #tpu.memory_space<vmem>> -> memref<80xi32, #tpu.memory_space<vmem>>
      %dma_wait3A_136 = arith.constant 0 : i32
      %dma_wait3A_137 = tpu.memref_slice %arg2[%mul3A_28, %dma_wait3A_136] : memref<20000x64xf32, #tpu.memory_space<hbm>> -> memref<10000x64xf32, #tpu.memory_space<hbm>>
      %dma_wait3A_138 = arith.constant 0 : i32
      %dma_wait3A_139 = arith.constant 0 : i32
      %dma_wait3A_140 = tpu.memref_slice %dma_wait3A_137[%dma_wait3A_138, %dma_wait3A_139] : memref<10000x64xf32, #tpu.memory_space<hbm>> -> memref<10000x64xf32, #tpu.memory_space<hbm>>
      tpu.wait_indirect_dma semaphore(%arg15 : memref<!tpu.dma_semaphore, #tpu.memory_space<semaphore_mem>>) src(%dma_wait3A_140 : memref<10000x64xf32, #tpu.memory_space<hbm>>) dst(%arg8 : memref<80x64xf32, #tpu.memory_space<vmem>>)
      %dma_start3A_141 = arith.constant 0 : i32
      %dma_start3A_142 = tpu.memref_slice %arg7[%add3A_132, %dma_start3A_141] : memref<250x80xi32, #tpu.memory_space<vmem>> -> memref<1x80xi32, #tpu.memory_space<vmem>>
      %dma_start3A_143 = tpu.memref_squeeze %dma_start3A_142 : memref<1x80xi32, #tpu.memory_space<vmem>> -> memref<80xi32, #tpu.memory_space<vmem>>
      %dma_start3A_144 = arith.constant 0 : i32
      %dma_start3A_145 = arith.constant 0 : i32
      %dma_start3A_146 = tpu.memref_slice %arg14[%dma_start3A_144, %dma_start3A_145] : memref<10240x64xf32, #tpu.memory_space<vmem_shared>> -> memref<10240x64xf32, #tpu.memory_space<vmem_shared>>
      tpu.enqueue_indirect_dma source(%arg8 : memref<80x64xf32, #tpu.memory_space<vmem>>) target(%dma_start3A_146 : memref<10240x64xf32, #tpu.memory_space<vmem_shared>>) offsets(%dma_start3A_143 : memref<80xi32, #tpu.memory_space<vmem>>) semaphore(%arg20 : memref<!tpu.dma_semaphore, #tpu.memory_space<semaphore_mem>>) {add = true}
      %ge3A = arith.constant 3 : i32
      %ge3A_147 = arith.cmpi sge, %add3A_132, %ge3A : i32
      %convert_element_type3A = arith.extui %ge3A_147 : i1 to i32
      %cond3A = arith.constant 0 : i32
      %cond3A_148 = arith.cmpi ne, %convert_element_type3A, %cond3A : i32
      scf.if %cond3A_148 {
        %sub3A = arith.constant 3 : i32
        %sub3A_275 = arith.subi %add3A_132, %sub3A : i32
        %dma_wait3A_276 = arith.constant 0 : i32
        %dma_wait3A_277 = tpu.memref_slice %arg7[%sub3A_275, %dma_wait3A_276] : memref<250x80xi32, #tpu.memory_space<vmem>> -> memref<1x80xi32, #tpu.memory_space<vmem>>
        %dma_wait3A_278 = tpu.memref_squeeze %dma_wait3A_277 : memref<1x80xi32, #tpu.memory_space<vmem>> -> memref<80xi32, #tpu.memory_space<vmem>>
        %dma_wait3A_279 = arith.constant 0 : i32
        %dma_wait3A_280 = arith.constant 0 : i32
        %dma_wait3A_281 = tpu.memref_slice %arg14[%dma_wait3A_279, %dma_wait3A_280] : memref<10240x64xf32, #tpu.memory_space<vmem_shared>> -> memref<10240x64xf32, #tpu.memory_space<vmem_shared>>
        tpu.wait_indirect_dma semaphore(%arg22 : memref<!tpu.dma_semaphore, #tpu.memory_space<semaphore_mem>>) src(%arg10 : memref<80x64xf32, #tpu.memory_space<vmem>>) dst(%dma_wait3A_281 : memref<10240x64xf32, #tpu.memory_space<vmem_shared>>)
      } else {
      }
      %add3A_149 = arith.constant 2 : i32
      %add3A_150 = arith.addi %add3A_132, %add3A_149 : i32
      %lt3A = arith.constant 250 : i32
      %lt3A_151 = arith.cmpi slt, %add3A_150, %lt3A : i32
      %convert_element_type3A_152 = arith.extui %lt3A_151 : i1 to i32
      %cond3A_153 = arith.constant 0 : i32
      %cond3A_154 = arith.cmpi ne, %convert_element_type3A_152, %cond3A_153 : i32
      scf.if %cond3A_154 {
        %add3A_275 = arith.constant 2 : i32
        %add3A_276 = arith.addi %add3A_132, %add3A_275 : i32
        %dma_start3A_277 = arith.constant 0 : i32
        %dma_start3A_278 = tpu.memref_slice %arg6[%add3A_276, %dma_start3A_277] : memref<250x80xi32, #tpu.memory_space<vmem>> -> memref<1x80xi32, #tpu.memory_space<vmem>>
        %dma_start3A_279 = tpu.memref_squeeze %dma_start3A_278 : memref<1x80xi32, #tpu.memory_space<vmem>> -> memref<80xi32, #tpu.memory_space<vmem>>
        %dma_start3A_280 = arith.constant 0 : i32
        %dma_start3A_281 = tpu.memref_slice %arg2[%mul3A_28, %dma_start3A_280] : memref<20000x64xf32, #tpu.memory_space<hbm>> -> memref<10000x64xf32, #tpu.memory_space<hbm>>
        %dma_start3A_282 = arith.constant 0 : i32
        %dma_start3A_283 = arith.constant 0 : i32
        %dma_start3A_284 = tpu.memref_slice %dma_start3A_281[%dma_start3A_282, %dma_start3A_283] : memref<10000x64xf32, #tpu.memory_space<hbm>> -> memref<10000x64xf32, #tpu.memory_space<hbm>>
        tpu.enqueue_indirect_dma source(%dma_start3A_284 : memref<10000x64xf32, #tpu.memory_space<hbm>>) target(%arg10 : memref<80x64xf32, #tpu.memory_space<vmem>>) offsets(%dma_start3A_279 : memref<80xi32, #tpu.memory_space<vmem>>) semaphore(%arg17 : memref<!tpu.dma_semaphore, #tpu.memory_space<semaphore_mem>>)
      } else {
      }
      %mul3A_155 = arith.constant 5 : i32
      %mul3A_156 = arith.muli %scan3A_128, %mul3A_155 : i32
      %add3A_157 = arith.constant 1 : i32
      %add3A_158 = arith.addi %mul3A_156, %add3A_157 : i32
      %dma_wait3A_159 = arith.constant 0 : i32
      %dma_wait3A_160 = tpu.memref_slice %arg6[%add3A_158, %dma_wait3A_159] : memref<250x80xi32, #tpu.memory_space<vmem>> -> memref<1x80xi32, #tpu.memory_space<vmem>>
      %dma_wait3A_161 = tpu.memref_squeeze %dma_wait3A_160 : memref<1x80xi32, #tpu.memory_space<vmem>> -> memref<80xi32, #tpu.memory_space<vmem>>
      %dma_wait3A_162 = arith.constant 0 : i32
      %dma_wait3A_163 = tpu.memref_slice %arg2[%mul3A_28, %dma_wait3A_162] : memref<20000x64xf32, #tpu.memory_space<hbm>> -> memref<10000x64xf32, #tpu.memory_space<hbm>>
      %dma_wait3A_164 = arith.constant 0 : i32
      %dma_wait3A_165 = arith.constant 0 : i32
      %dma_wait3A_166 = tpu.memref_slice %dma_wait3A_163[%dma_wait3A_164, %dma_wait3A_165] : memref<10000x64xf32, #tpu.memory_space<hbm>> -> memref<10000x64xf32, #tpu.memory_space<hbm>>
      tpu.wait_indirect_dma semaphore(%arg16 : memref<!tpu.dma_semaphore, #tpu.memory_space<semaphore_mem>>) src(%dma_wait3A_166 : memref<10000x64xf32, #tpu.memory_space<hbm>>) dst(%arg9 : memref<80x64xf32, #tpu.memory_space<vmem>>)
      %dma_start3A_167 = arith.constant 0 : i32
      %dma_start3A_168 = tpu.memref_slice %arg7[%add3A_158, %dma_start3A_167] : memref<250x80xi32, #tpu.memory_space<vmem>> -> memref<1x80xi32, #tpu.memory_space<vmem>>
      %dma_start3A_169 = tpu.memref_squeeze %dma_start3A_168 : memref<1x80xi32, #tpu.memory_space<vmem>> -> memref<80xi32, #tpu.memory_space<vmem>>
      %dma_start3A_170 = arith.constant 0 : i32
      %dma_start3A_171 = arith.constant 0 : i32
      %dma_start3A_172 = tpu.memref_slice %arg14[%dma_start3A_170, %dma_start3A_171] : memref<10240x64xf32, #tpu.memory_space<vmem_shared>> -> memref<10240x64xf32, #tpu.memory_space<vmem_shared>>
      tpu.enqueue_indirect_dma source(%arg9 : memref<80x64xf32, #tpu.memory_space<vmem>>) target(%dma_start3A_172 : memref<10240x64xf32, #tpu.memory_space<vmem_shared>>) offsets(%dma_start3A_169 : memref<80xi32, #tpu.memory_space<vmem>>) semaphore(%arg21 : memref<!tpu.dma_semaphore, #tpu.memory_space<semaphore_mem>>) {add = true}
      %ge3A_173 = arith.constant 3 : i32
      %ge3A_174 = arith.cmpi sge, %add3A_158, %ge3A_173 : i32
      %convert_element_type3A_175 = arith.extui %ge3A_174 : i1 to i32
      %cond3A_176 = arith.constant 0 : i32
      %cond3A_177 = arith.cmpi ne, %convert_element_type3A_175, %cond3A_176 : i32
      scf.if %cond3A_177 {
        %sub3A = arith.constant 3 : i32
        %sub3A_275 = arith.subi %add3A_158, %sub3A : i32
        %dma_wait3A_276 = arith.constant 0 : i32
        %dma_wait3A_277 = tpu.memref_slice %arg7[%sub3A_275, %dma_wait3A_276] : memref<250x80xi32, #tpu.memory_space<vmem>> -> memref<1x80xi32, #tpu.memory_space<vmem>>
        %dma_wait3A_278 = tpu.memref_squeeze %dma_wait3A_277 : memref<1x80xi32, #tpu.memory_space<vmem>> -> memref<80xi32, #tpu.memory_space<vmem>>
        %dma_wait3A_279 = arith.constant 0 : i32
        %dma_wait3A_280 = arith.constant 0 : i32
        %dma_wait3A_281 = tpu.memref_slice %arg14[%dma_wait3A_279, %dma_wait3A_280] : memref<10240x64xf32, #tpu.memory_space<vmem_shared>> -> memref<10240x64xf32, #tpu.memory_space<vmem_shared>>
        tpu.wait_indirect_dma semaphore(%arg23 : memref<!tpu.dma_semaphore, #tpu.memory_space<semaphore_mem>>) src(%arg11 : memref<80x64xf32, #tpu.memory_space<vmem>>) dst(%dma_wait3A_281 : memref<10240x64xf32, #tpu.memory_space<vmem_shared>>)
      } else {
      }
      %add3A_178 = arith.constant 2 : i32
      %add3A_179 = arith.addi %add3A_158, %add3A_178 : i32
      %lt3A_180 = arith.constant 250 : i32
      %lt3A_181 = arith.cmpi slt, %add3A_179, %lt3A_180 : i32
      %convert_element_type3A_182 = arith.extui %lt3A_181 : i1 to i32
      %cond3A_183 = arith.constant 0 : i32
      %cond3A_184 = arith.cmpi ne, %convert_element_type3A_182, %cond3A_183 : i32
      scf.if %cond3A_184 {
        %add3A_275 = arith.constant 2 : i32
        %add3A_276 = arith.addi %add3A_158, %add3A_275 : i32
        %dma_start3A_277 = arith.constant 0 : i32
        %dma_start3A_278 = tpu.memref_slice %arg6[%add3A_276, %dma_start3A_277] : memref<250x80xi32, #tpu.memory_space<vmem>> -> memref<1x80xi32, #tpu.memory_space<vmem>>
        %dma_start3A_279 = tpu.memref_squeeze %dma_start3A_278 : memref<1x80xi32, #tpu.memory_space<vmem>> -> memref<80xi32, #tpu.memory_space<vmem>>
        %dma_start3A_280 = arith.constant 0 : i32
        %dma_start3A_281 = tpu.memref_slice %arg2[%mul3A_28, %dma_start3A_280] : memref<20000x64xf32, #tpu.memory_space<hbm>> -> memref<10000x64xf32, #tpu.memory_space<hbm>>
        %dma_start3A_282 = arith.constant 0 : i32
        %dma_start3A_283 = arith.constant 0 : i32
        %dma_start3A_284 = tpu.memref_slice %dma_start3A_281[%dma_start3A_282, %dma_start3A_283] : memref<10000x64xf32, #tpu.memory_space<hbm>> -> memref<10000x64xf32, #tpu.memory_space<hbm>>
        tpu.enqueue_indirect_dma source(%dma_start3A_284 : memref<10000x64xf32, #tpu.memory_space<hbm>>) target(%arg11 : memref<80x64xf32, #tpu.memory_space<vmem>>) offsets(%dma_start3A_279 : memref<80xi32, #tpu.memory_space<vmem>>) semaphore(%arg18 : memref<!tpu.dma_semaphore, #tpu.memory_space<semaphore_mem>>)
      } else {
      }
      %mul3A_185 = arith.constant 5 : i32
      %mul3A_186 = arith.muli %scan3A_128, %mul3A_185 : i32
      %add3A_187 = arith.constant 2 : i32
      %add3A_188 = arith.addi %mul3A_186, %add3A_187 : i32
      %dma_wait3A_189 = arith.constant 0 : i32
      %dma_wait3A_190 = tpu.memref_slice %arg6[%add3A_188, %dma_wait3A_189] : memref<250x80xi32, #tpu.memory_space<vmem>> -> memref<1x80xi32, #tpu.memory_space<vmem>>
      %dma_wait3A_191 = tpu.memref_squeeze %dma_wait3A_190 : memref<1x80xi32, #tpu.memory_space<vmem>> -> memref<80xi32, #tpu.memory_space<vmem>>
      %dma_wait3A_192 = arith.constant 0 : i32
      %dma_wait3A_193 = tpu.memref_slice %arg2[%mul3A_28, %dma_wait3A_192] : memref<20000x64xf32, #tpu.memory_space<hbm>> -> memref<10000x64xf32, #tpu.memory_space<hbm>>
      %dma_wait3A_194 = arith.constant 0 : i32
      %dma_wait3A_195 = arith.constant 0 : i32
      %dma_wait3A_196 = tpu.memref_slice %dma_wait3A_193[%dma_wait3A_194, %dma_wait3A_195] : memref<10000x64xf32, #tpu.memory_space<hbm>> -> memref<10000x64xf32, #tpu.memory_space<hbm>>
      tpu.wait_indirect_dma semaphore(%arg17 : memref<!tpu.dma_semaphore, #tpu.memory_space<semaphore_mem>>) src(%dma_wait3A_196 : memref<10000x64xf32, #tpu.memory_space<hbm>>) dst(%arg10 : memref<80x64xf32, #tpu.memory_space<vmem>>)
      %dma_start3A_197 = arith.constant 0 : i32
      %dma_start3A_198 = tpu.memref_slice %arg7[%add3A_188, %dma_start3A_197] : memref<250x80xi32, #tpu.memory_space<vmem>> -> memref<1x80xi32, #tpu.memory_space<vmem>>
      %dma_start3A_199 = tpu.memref_squeeze %dma_start3A_198 : memref<1x80xi32, #tpu.memory_space<vmem>> -> memref<80xi32, #tpu.memory_space<vmem>>
      %dma_start3A_200 = arith.constant 0 : i32
      %dma_start3A_201 = arith.constant 0 : i32
      %dma_start3A_202 = tpu.memref_slice %arg14[%dma_start3A_200, %dma_start3A_201] : memref<10240x64xf32, #tpu.memory_space<vmem_shared>> -> memref<10240x64xf32, #tpu.memory_space<vmem_shared>>
      tpu.enqueue_indirect_dma source(%arg10 : memref<80x64xf32, #tpu.memory_space<vmem>>) target(%dma_start3A_202 : memref<10240x64xf32, #tpu.memory_space<vmem_shared>>) offsets(%dma_start3A_199 : memref<80xi32, #tpu.memory_space<vmem>>) semaphore(%arg22 : memref<!tpu.dma_semaphore, #tpu.memory_space<semaphore_mem>>) {add = true}
      %ge3A_203 = arith.constant 3 : i32
      %ge3A_204 = arith.cmpi sge, %add3A_188, %ge3A_203 : i32
      %convert_element_type3A_205 = arith.extui %ge3A_204 : i1 to i32
      %cond3A_206 = arith.constant 0 : i32
      %cond3A_207 = arith.cmpi ne, %convert_element_type3A_205, %cond3A_206 : i32
      scf.if %cond3A_207 {
        %sub3A = arith.constant 3 : i32
        %sub3A_275 = arith.subi %add3A_188, %sub3A : i32
        %dma_wait3A_276 = arith.constant 0 : i32
        %dma_wait3A_277 = tpu.memref_slice %arg7[%sub3A_275, %dma_wait3A_276] : memref<250x80xi32, #tpu.memory_space<vmem>> -> memref<1x80xi32, #tpu.memory_space<vmem>>
        %dma_wait3A_278 = tpu.memref_squeeze %dma_wait3A_277 : memref<1x80xi32, #tpu.memory_space<vmem>> -> memref<80xi32, #tpu.memory_space<vmem>>
        %dma_wait3A_279 = arith.constant 0 : i32
        %dma_wait3A_280 = arith.constant 0 : i32
        %dma_wait3A_281 = tpu.memref_slice %arg14[%dma_wait3A_279, %dma_wait3A_280] : memref<10240x64xf32, #tpu.memory_space<vmem_shared>> -> memref<10240x64xf32, #tpu.memory_space<vmem_shared>>
        tpu.wait_indirect_dma semaphore(%arg24 : memref<!tpu.dma_semaphore, #tpu.memory_space<semaphore_mem>>) src(%arg12 : memref<80x64xf32, #tpu.memory_space<vmem>>) dst(%dma_wait3A_281 : memref<10240x64xf32, #tpu.memory_space<vmem_shared>>)
      } else {
      }
      %add3A_208 = arith.constant 2 : i32
      %add3A_209 = arith.addi %add3A_188, %add3A_208 : i32
      %lt3A_210 = arith.constant 250 : i32
      %lt3A_211 = arith.cmpi slt, %add3A_209, %lt3A_210 : i32
      %convert_element_type3A_212 = arith.extui %lt3A_211 : i1 to i32
      %cond3A_213 = arith.constant 0 : i32
      %cond3A_214 = arith.cmpi ne, %convert_element_type3A_212, %cond3A_213 : i32
      scf.if %cond3A_214 {
        %add3A_275 = arith.constant 2 : i32
        %add3A_276 = arith.addi %add3A_188, %add3A_275 : i32
        %dma_start3A_277 = arith.constant 0 : i32
        %dma_start3A_278 = tpu.memref_slice %arg6[%add3A_276, %dma_start3A_277] : memref<250x80xi32, #tpu.memory_space<vmem>> -> memref<1x80xi32, #tpu.memory_space<vmem>>
        %dma_start3A_279 = tpu.memref_squeeze %dma_start3A_278 : memref<1x80xi32, #tpu.memory_space<vmem>> -> memref<80xi32, #tpu.memory_space<vmem>>
        %dma_start3A_280 = arith.constant 0 : i32
        %dma_start3A_281 = tpu.memref_slice %arg2[%mul3A_28, %dma_start3A_280] : memref<20000x64xf32, #tpu.memory_space<hbm>> -> memref<10000x64xf32, #tpu.memory_space<hbm>>
        %dma_start3A_282 = arith.constant 0 : i32
        %dma_start3A_283 = arith.constant 0 : i32
        %dma_start3A_284 = tpu.memref_slice %dma_start3A_281[%dma_start3A_282, %dma_start3A_283] : memref<10000x64xf32, #tpu.memory_space<hbm>> -> memref<10000x64xf32, #tpu.memory_space<hbm>>
        tpu.enqueue_indirect_dma source(%dma_start3A_284 : memref<10000x64xf32, #tpu.memory_space<hbm>>) target(%arg12 : memref<80x64xf32, #tpu.memory_space<vmem>>) offsets(%dma_start3A_279 : memref<80xi32, #tpu.memory_space<vmem>>) semaphore(%arg19 : memref<!tpu.dma_semaphore, #tpu.memory_space<semaphore_mem>>)
      } else {
      }
      %mul3A_215 = arith.constant 5 : i32
      %mul3A_216 = arith.muli %scan3A_128, %mul3A_215 : i32
      %add3A_217 = arith.constant 3 : i32
      %add3A_218 = arith.addi %mul3A_216, %add3A_217 : i32
      %dma_wait3A_219 = arith.constant 0 : i32
      %dma_wait3A_220 = tpu.memref_slice %arg6[%add3A_218, %dma_wait3A_219] : memref<250x80xi32, #tpu.memory_space<vmem>> -> memref<1x80xi32, #tpu.memory_space<vmem>>
      %dma_wait3A_221 = tpu.memref_squeeze %dma_wait3A_220 : memref<1x80xi32, #tpu.memory_space<vmem>> -> memref<80xi32, #tpu.memory_space<vmem>>
      %dma_wait3A_222 = arith.constant 0 : i32
      %dma_wait3A_223 = tpu.memref_slice %arg2[%mul3A_28, %dma_wait3A_222] : memref<20000x64xf32, #tpu.memory_space<hbm>> -> memref<10000x64xf32, #tpu.memory_space<hbm>>
      %dma_wait3A_224 = arith.constant 0 : i32
      %dma_wait3A_225 = arith.constant 0 : i32
      %dma_wait3A_226 = tpu.memref_slice %dma_wait3A_223[%dma_wait3A_224, %dma_wait3A_225] : memref<10000x64xf32, #tpu.memory_space<hbm>> -> memref<10000x64xf32, #tpu.memory_space<hbm>>
      tpu.wait_indirect_dma semaphore(%arg18 : memref<!tpu.dma_semaphore, #tpu.memory_space<semaphore_mem>>) src(%dma_wait3A_226 : memref<10000x64xf32, #tpu.memory_space<hbm>>) dst(%arg11 : memref<80x64xf32, #tpu.memory_space<vmem>>)
      %dma_start3A_227 = arith.constant 0 : i32
      %dma_start3A_228 = tpu.memref_slice %arg7[%add3A_218, %dma_start3A_227] : memref<250x80xi32, #tpu.memory_space<vmem>> -> memref<1x80xi32, #tpu.memory_space<vmem>>
      %dma_start3A_229 = tpu.memref_squeeze %dma_start3A_228 : memref<1x80xi32, #tpu.memory_space<vmem>> -> memref<80xi32, #tpu.memory_space<vmem>>
      %dma_start3A_230 = arith.constant 0 : i32
      %dma_start3A_231 = arith.constant 0 : i32
      %dma_start3A_232 = tpu.memref_slice %arg14[%dma_start3A_230, %dma_start3A_231] : memref<10240x64xf32, #tpu.memory_space<vmem_shared>> -> memref<10240x64xf32, #tpu.memory_space<vmem_shared>>
      tpu.enqueue_indirect_dma source(%arg11 : memref<80x64xf32, #tpu.memory_space<vmem>>) target(%dma_start3A_232 : memref<10240x64xf32, #tpu.memory_space<vmem_shared>>) offsets(%dma_start3A_229 : memref<80xi32, #tpu.memory_space<vmem>>) semaphore(%arg23 : memref<!tpu.dma_semaphore, #tpu.memory_space<semaphore_mem>>) {add = true}
      %ge3A_233 = arith.constant 3 : i32
      %ge3A_234 = arith.cmpi sge, %add3A_218, %ge3A_233 : i32
      %convert_element_type3A_235 = arith.extui %ge3A_234 : i1 to i32
      %cond3A_236 = arith.constant 0 : i32
      %cond3A_237 = arith.cmpi ne, %convert_element_type3A_235, %cond3A_236 : i32
      scf.if %cond3A_237 {
        %sub3A = arith.constant 3 : i32
        %sub3A_275 = arith.subi %add3A_218, %sub3A : i32
        %dma_wait3A_276 = arith.constant 0 : i32
        %dma_wait3A_277 = tpu.memref_slice %arg7[%sub3A_275, %dma_wait3A_276] : memref<250x80xi32, #tpu.memory_space<vmem>> -> memref<1x80xi32, #tpu.memory_space<vmem>>
        %dma_wait3A_278 = tpu.memref_squeeze %dma_wait3A_277 : memref<1x80xi32, #tpu.memory_space<vmem>> -> memref<80xi32, #tpu.memory_space<vmem>>
        %dma_wait3A_279 = arith.constant 0 : i32
        %dma_wait3A_280 = arith.constant 0 : i32
        %dma_wait3A_281 = tpu.memref_slice %arg14[%dma_wait3A_279, %dma_wait3A_280] : memref<10240x64xf32, #tpu.memory_space<vmem_shared>> -> memref<10240x64xf32, #tpu.memory_space<vmem_shared>>
        tpu.wait_indirect_dma semaphore(%arg20 : memref<!tpu.dma_semaphore, #tpu.memory_space<semaphore_mem>>) src(%arg8 : memref<80x64xf32, #tpu.memory_space<vmem>>) dst(%dma_wait3A_281 : memref<10240x64xf32, #tpu.memory_space<vmem_shared>>)
      } else {
      }
      %add3A_238 = arith.constant 2 : i32
      %add3A_239 = arith.addi %add3A_218, %add3A_238 : i32
      %lt3A_240 = arith.constant 250 : i32
      %lt3A_241 = arith.cmpi slt, %add3A_239, %lt3A_240 : i32
      %convert_element_type3A_242 = arith.extui %lt3A_241 : i1 to i32
      %cond3A_243 = arith.constant 0 : i32
      %cond3A_244 = arith.cmpi ne, %convert_element_type3A_242, %cond3A_243 : i32
      scf.if %cond3A_244 {
        %add3A_275 = arith.constant 2 : i32
        %add3A_276 = arith.addi %add3A_218, %add3A_275 : i32
        %dma_start3A_277 = arith.constant 0 : i32
        %dma_start3A_278 = tpu.memref_slice %arg6[%add3A_276, %dma_start3A_277] : memref<250x80xi32, #tpu.memory_space<vmem>> -> memref<1x80xi32, #tpu.memory_space<vmem>>
        %dma_start3A_279 = tpu.memref_squeeze %dma_start3A_278 : memref<1x80xi32, #tpu.memory_space<vmem>> -> memref<80xi32, #tpu.memory_space<vmem>>
        %dma_start3A_280 = arith.constant 0 : i32
        %dma_start3A_281 = tpu.memref_slice %arg2[%mul3A_28, %dma_start3A_280] : memref<20000x64xf32, #tpu.memory_space<hbm>> -> memref<10000x64xf32, #tpu.memory_space<hbm>>
        %dma_start3A_282 = arith.constant 0 : i32
        %dma_start3A_283 = arith.constant 0 : i32
        %dma_start3A_284 = tpu.memref_slice %dma_start3A_281[%dma_start3A_282, %dma_start3A_283] : memref<10000x64xf32, #tpu.memory_space<hbm>> -> memref<10000x64xf32, #tpu.memory_space<hbm>>
        tpu.enqueue_indirect_dma source(%dma_start3A_284 : memref<10000x64xf32, #tpu.memory_space<hbm>>) target(%arg8 : memref<80x64xf32, #tpu.memory_space<vmem>>) offsets(%dma_start3A_279 : memref<80xi32, #tpu.memory_space<vmem>>) semaphore(%arg15 : memref<!tpu.dma_semaphore, #tpu.memory_space<semaphore_mem>>)
      } else {
      }
      %mul3A_245 = arith.constant 5 : i32
      %mul3A_246 = arith.muli %scan3A_128, %mul3A_245 : i32
      %add3A_247 = arith.constant 4 : i32
      %add3A_248 = arith.addi %mul3A_246, %add3A_247 : i32
      %dma_wait3A_249 = arith.constant 0 : i32
      %dma_wait3A_250 = tpu.memref_slice %arg6[%add3A_248, %dma_wait3A_249] : memref<250x80xi32, #tpu.memory_space<vmem>> -> memref<1x80xi32, #tpu.memory_space<vmem>>
      %dma_wait3A_251 = tpu.memref_squeeze %dma_wait3A_250 : memref<1x80xi32, #tpu.memory_space<vmem>> -> memref<80xi32, #tpu.memory_space<vmem>>
      %dma_wait3A_252 = arith.constant 0 : i32
      %dma_wait3A_253 = tpu.memref_slice %arg2[%mul3A_28, %dma_wait3A_252] : memref<20000x64xf32, #tpu.memory_space<hbm>> -> memref<10000x64xf32, #tpu.memory_space<hbm>>
      %dma_wait3A_254 = arith.constant 0 : i32
      %dma_wait3A_255 = arith.constant 0 : i32
      %dma_wait3A_256 = tpu.memref_slice %dma_wait3A_253[%dma_wait3A_254, %dma_wait3A_255] : memref<10000x64xf32, #tpu.memory_space<hbm>> -> memref<10000x64xf32, #tpu.memory_space<hbm>>
      tpu.wait_indirect_dma semaphore(%arg19 : memref<!tpu.dma_semaphore, #tpu.memory_space<semaphore_mem>>) src(%dma_wait3A_256 : memref<10000x64xf32, #tpu.memory_space<hbm>>) dst(%arg12 : memref<80x64xf32, #tpu.memory_space<vmem>>)
      %dma_start3A_257 = arith.constant 0 : i32
      %dma_start3A_258 = tpu.memref_slice %arg7[%add3A_248, %dma_start3A_257] : memref<250x80xi32, #tpu.memory_space<vmem>> -> memref<1x80xi32, #tpu.memory_space<vmem>>
      %dma_start3A_259 = tpu.memref_squeeze %dma_start3A_258 : memref<1x80xi32, #tpu.memory_space<vmem>> -> memref<80xi32, #tpu.memory_space<vmem>>
      %dma_start3A_260 = arith.constant 0 : i32
      %dma_start3A_261 = arith.constant 0 : i32
      %dma_start3A_262 = tpu.memref_slice %arg14[%dma_start3A_260, %dma_start3A_261] : memref<10240x64xf32, #tpu.memory_space<vmem_shared>> -> memref<10240x64xf32, #tpu.memory_space<vmem_shared>>
      tpu.enqueue_indirect_dma source(%arg12 : memref<80x64xf32, #tpu.memory_space<vmem>>) target(%dma_start3A_262 : memref<10240x64xf32, #tpu.memory_space<vmem_shared>>) offsets(%dma_start3A_259 : memref<80xi32, #tpu.memory_space<vmem>>) semaphore(%arg24 : memref<!tpu.dma_semaphore, #tpu.memory_space<semaphore_mem>>) {add = true}
      %ge3A_263 = arith.constant 3 : i32
      %ge3A_264 = arith.cmpi sge, %add3A_248, %ge3A_263 : i32
      %convert_element_type3A_265 = arith.extui %ge3A_264 : i1 to i32
      %cond3A_266 = arith.constant 0 : i32
      %cond3A_267 = arith.cmpi ne, %convert_element_type3A_265, %cond3A_266 : i32
      scf.if %cond3A_267 {
        %sub3A = arith.constant 3 : i32
        %sub3A_275 = arith.subi %add3A_248, %sub3A : i32
        %dma_wait3A_276 = arith.constant 0 : i32
        %dma_wait3A_277 = tpu.memref_slice %arg7[%sub3A_275, %dma_wait3A_276] : memref<250x80xi32, #tpu.memory_space<vmem>> -> memref<1x80xi32, #tpu.memory_space<vmem>>
        %dma_wait3A_278 = tpu.memref_squeeze %dma_wait3A_277 : memref<1x80xi32, #tpu.memory_space<vmem>> -> memref<80xi32, #tpu.memory_space<vmem>>
        %dma_wait3A_279 = arith.constant 0 : i32
        %dma_wait3A_280 = arith.constant 0 : i32
        %dma_wait3A_281 = tpu.memref_slice %arg14[%dma_wait3A_279, %dma_wait3A_280] : memref<10240x64xf32, #tpu.memory_space<vmem_shared>> -> memref<10240x64xf32, #tpu.memory_space<vmem_shared>>
        tpu.wait_indirect_dma semaphore(%arg21 : memref<!tpu.dma_semaphore, #tpu.memory_space<semaphore_mem>>) src(%arg9 : memref<80x64xf32, #tpu.memory_space<vmem>>) dst(%dma_wait3A_281 : memref<10240x64xf32, #tpu.memory_space<vmem_shared>>)
      } else {
      }
      %add3A_268 = arith.constant 2 : i32
      %add3A_269 = arith.addi %add3A_248, %add3A_268 : i32
      %lt3A_270 = arith.constant 250 : i32
      %lt3A_271 = arith.cmpi slt, %add3A_269, %lt3A_270 : i32
      %convert_element_type3A_272 = arith.extui %lt3A_271 : i1 to i32
      %cond3A_273 = arith.constant 0 : i32
      %cond3A_274 = arith.cmpi ne, %convert_element_type3A_272, %cond3A_273 : i32
      scf.if %cond3A_274 {
        %add3A_275 = arith.constant 2 : i32
        %add3A_276 = arith.addi %add3A_248, %add3A_275 : i32
        %dma_start3A_277 = arith.constant 0 : i32
        %dma_start3A_278 = tpu.memref_slice %arg6[%add3A_276, %dma_start3A_277] : memref<250x80xi32, #tpu.memory_space<vmem>> -> memref<1x80xi32, #tpu.memory_space<vmem>>
        %dma_start3A_279 = tpu.memref_squeeze %dma_start3A_278 : memref<1x80xi32, #tpu.memory_space<vmem>> -> memref<80xi32, #tpu.memory_space<vmem>>
        %dma_start3A_280 = arith.constant 0 : i32
        %dma_start3A_281 = tpu.memref_slice %arg2[%mul3A_28, %dma_start3A_280] : memref<20000x64xf32, #tpu.memory_space<hbm>> -> memref<10000x64xf32, #tpu.memory_space<hbm>>
        %dma_start3A_282 = arith.constant 0 : i32
        %dma_start3A_283 = arith.constant 0 : i32
        %dma_start3A_284 = tpu.memref_slice %dma_start3A_281[%dma_start3A_282, %dma_start3A_283] : memref<10000x64xf32, #tpu.memory_space<hbm>> -> memref<10000x64xf32, #tpu.memory_space<hbm>>
        tpu.enqueue_indirect_dma source(%dma_start3A_284 : memref<10000x64xf32, #tpu.memory_space<hbm>>) target(%arg9 : memref<80x64xf32, #tpu.memory_space<vmem>>) offsets(%dma_start3A_279 : memref<80xi32, #tpu.memory_space<vmem>>) semaphore(%arg16 : memref<!tpu.dma_semaphore, #tpu.memory_space<semaphore_mem>>)
      } else {
      }
    }
    %scan3A_51 = arith.constant 50 : i32
    %dma_wait3A = arith.constant 247 : i32
    %dma_wait3A_52 = arith.constant 0 : i32
    %dma_wait3A_53 = tpu.memref_slice %arg7[%dma_wait3A, %dma_wait3A_52] : memref<250x80xi32, #tpu.memory_space<vmem>> -> memref<1x80xi32, #tpu.memory_space<vmem>>
    %dma_wait3A_54 = tpu.memref_squeeze %dma_wait3A_53 : memref<1x80xi32, #tpu.memory_space<vmem>> -> memref<80xi32, #tpu.memory_space<vmem>>
    %dma_wait3A_55 = arith.constant 0 : i32
    %dma_wait3A_56 = arith.constant 0 : i32
    %dma_wait3A_57 = tpu.memref_slice %arg14[%dma_wait3A_55, %dma_wait3A_56] : memref<10240x64xf32, #tpu.memory_space<vmem_shared>> -> memref<10240x64xf32, #tpu.memory_space<vmem_shared>>
    tpu.wait_indirect_dma semaphore(%arg22 : memref<!tpu.dma_semaphore, #tpu.memory_space<semaphore_mem>>) src(%arg10 : memref<80x64xf32, #tpu.memory_space<vmem>>) dst(%dma_wait3A_57 : memref<10240x64xf32, #tpu.memory_space<vmem_shared>>)
    %dma_wait3A_58 = arith.constant 248 : i32
    %dma_wait3A_59 = arith.constant 0 : i32
    %dma_wait3A_60 = tpu.memref_slice %arg7[%dma_wait3A_58, %dma_wait3A_59] : memref<250x80xi32, #tpu.memory_space<vmem>> -> memref<1x80xi32, #tpu.memory_space<vmem>>
    %dma_wait3A_61 = tpu.memref_squeeze %dma_wait3A_60 : memref<1x80xi32, #tpu.memory_space<vmem>> -> memref<80xi32, #tpu.memory_space<vmem>>
    %dma_wait3A_62 = arith.constant 0 : i32
    %dma_wait3A_63 = arith.constant 0 : i32
    %dma_wait3A_64 = tpu.memref_slice %arg14[%dma_wait3A_62, %dma_wait3A_63] : memref<10240x64xf32, #tpu.memory_space<vmem_shared>> -> memref<10240x64xf32, #tpu.memory_space<vmem_shared>>
    tpu.wait_indirect_dma semaphore(%arg23 : memref<!tpu.dma_semaphore, #tpu.memory_space<semaphore_mem>>) src(%arg11 : memref<80x64xf32, #tpu.memory_space<vmem>>) dst(%dma_wait3A_64 : memref<10240x64xf32, #tpu.memory_space<vmem_shared>>)
    %dma_wait3A_65 = arith.constant 249 : i32
    %dma_wait3A_66 = arith.constant 0 : i32
    %dma_wait3A_67 = tpu.memref_slice %arg7[%dma_wait3A_65, %dma_wait3A_66] : memref<250x80xi32, #tpu.memory_space<vmem>> -> memref<1x80xi32, #tpu.memory_space<vmem>>
    %dma_wait3A_68 = tpu.memref_squeeze %dma_wait3A_67 : memref<1x80xi32, #tpu.memory_space<vmem>> -> memref<80xi32, #tpu.memory_space<vmem>>
    %dma_wait3A_69 = arith.constant 0 : i32
    %dma_wait3A_70 = arith.constant 0 : i32
    %dma_wait3A_71 = tpu.memref_slice %arg14[%dma_wait3A_69, %dma_wait3A_70] : memref<10240x64xf32, #tpu.memory_space<vmem_shared>> -> memref<10240x64xf32, #tpu.memory_space<vmem_shared>>
    tpu.wait_indirect_dma semaphore(%arg24 : memref<!tpu.dma_semaphore, #tpu.memory_space<semaphore_mem>>) src(%arg12 : memref<80x64xf32, #tpu.memory_space<vmem>>) dst(%dma_wait3A_71 : memref<10240x64xf32, #tpu.memory_space<vmem_shared>>)
    %barrier3A_72 = arith.constant 0 : index
    tpu.barrier barrier_id(%barrier3A_72)
    %mul3A_73 = arith.constant 640 : i32
    %mul3A_74 = arith.muli %arg1, %mul3A_73 : i32
    %add3A_75 = arith.constant 0 : i32
    %add3A_76 = arith.addi %mul3A_74, %add3A_75 : i32
    "tpu.region"() ({
      %run_scoped3A = tpu.sem_alloc : memref<!tpu.dma_semaphore, #tpu.memory_space<semaphore_mem>>
      %dma_start3A_128 = arith.constant 0 : i32
      %dma_start3A_129 = tpu.memref_slice %arg14[%add3A_76, %dma_start3A_128] : memref<10240x64xf32, #tpu.memory_space<vmem_shared>> -> memref<128x64xf32, #tpu.memory_space<vmem_shared>>
      %dma_start3A_130 = arith.constant 0 : i32
      %dma_start3A_131 = tpu.memref_slice %arg14[%add3A_76, %dma_start3A_130] : memref<10240x64xf32, #tpu.memory_space<vmem_shared>> -> memref<128x64xf32, #tpu.memory_space<vmem_shared>>
      tpu.enqueue_dma source(%dma_start3A_131 : memref<128x64xf32, #tpu.memory_space<vmem_shared>>) target(%arg13 : memref<128x64xf32, #tpu.memory_space<vmem>>) target_semaphore(%run_scoped3A : memref<!tpu.dma_semaphore, #tpu.memory_space<semaphore_mem>>)
      %dma_wait3A_132 = arith.constant 0 : i32
      %dma_wait3A_133 = tpu.memref_slice %arg14[%add3A_76, %dma_wait3A_132] : memref<10240x64xf32, #tpu.memory_space<vmem_shared>> -> memref<128x64xf32, #tpu.memory_space<vmem_shared>>
      %dma_wait3A_134 = arith.constant 0 : i32
      %dma_wait3A_135 = tpu.memref_slice %arg14[%add3A_76, %dma_wait3A_134] : memref<10240x64xf32, #tpu.memory_space<vmem_shared>> -> memref<128x64xf32, #tpu.memory_space<vmem_shared>>
      tpu.wait_dma2 semaphore(%run_scoped3A : memref<!tpu.dma_semaphore, #tpu.memory_space<semaphore_mem>>) src(%dma_wait3A_135 : memref<128x64xf32, #tpu.memory_space<vmem_shared>>) dst(%arg13 : memref<128x64xf32, #tpu.memory_space<vmem>>)
      tpu.yield
    }) : () -> ()
    %mul3A_77 = arith.constant 10240 : i32
    %mul3A_78 = arith.muli %arg0, %mul3A_77 : i32
    %mul3A_79 = arith.constant 640 : i32
    %mul3A_80 = arith.muli %arg1, %mul3A_79 : i32
    %add3A_81 = arith.addi %mul3A_78, %mul3A_80 : i32
    %add3A_82 = arith.constant 0 : i32
    %add3A_83 = arith.addi %add3A_81, %add3A_82 : i32
    "tpu.region"() ({
      %run_scoped3A = tpu.sem_alloc : memref<!tpu.dma_semaphore, #tpu.memory_space<semaphore_mem>>
      %dma_start3A_128 = arith.constant 0 : i32
      %dma_start3A_129 = tpu.memref_slice %arg5[%add3A_83, %dma_start3A_128] : memref<20480x64xf32, #tpu.memory_space<hbm>> -> memref<128x64xf32, #tpu.memory_space<hbm>>
      %dma_start3A_130 = arith.constant 0 : i32
      %dma_start3A_131 = tpu.memref_slice %arg5[%add3A_83, %dma_start3A_130] : memref<20480x64xf32, #tpu.memory_space<hbm>> -> memref<128x64xf32, #tpu.memory_space<hbm>>
      tpu.enqueue_dma source(%arg13 : memref<128x64xf32, #tpu.memory_space<vmem>>) target(%dma_start3A_131 : memref<128x64xf32, #tpu.memory_space<hbm>>) target_semaphore(%run_scoped3A : memref<!tpu.dma_semaphore, #tpu.memory_space<semaphore_mem>>)
      %dma_wait3A_132 = arith.constant 0 : i32
      %dma_wait3A_133 = tpu.memref_slice %arg5[%add3A_83, %dma_wait3A_132] : memref<20480x64xf32, #tpu.memory_space<hbm>> -> memref<128x64xf32, #tpu.memory_space<hbm>>
      %dma_wait3A_134 = arith.constant 0 : i32
      %dma_wait3A_135 = tpu.memref_slice %arg5[%add3A_83, %dma_wait3A_134] : memref<20480x64xf32, #tpu.memory_space<hbm>> -> memref<128x64xf32, #tpu.memory_space<hbm>>
      tpu.wait_dma2 semaphore(%run_scoped3A : memref<!tpu.dma_semaphore, #tpu.memory_space<semaphore_mem>>) src(%arg13 : memref<128x64xf32, #tpu.memory_space<vmem>>) dst(%dma_wait3A_135 : memref<128x64xf32, #tpu.memory_space<hbm>>)
      tpu.yield
    }) : () -> ()
    %mul3A_84 = arith.constant 640 : i32
    %mul3A_85 = arith.muli %arg1, %mul3A_84 : i32
    %add3A_86 = arith.constant 128 : i32
    %add3A_87 = arith.addi %mul3A_85, %add3A_86 : i32
    "tpu.region"() ({
      %run_scoped3A = tpu.sem_alloc : memref<!tpu.dma_semaphore, #tpu.memory_space<semaphore_mem>>
      %dma_start3A_128 = arith.constant 0 : i32
      %dma_start3A_129 = tpu.memref_slice %arg14[%add3A_87, %dma_start3A_128] : memref<10240x64xf32, #tpu.memory_space<vmem_shared>> -> memref<128x64xf32, #tpu.memory_space<vmem_shared>>
      %dma_start3A_130 = arith.constant 0 : i32
      %dma_start3A_131 = tpu.memref_slice %arg14[%add3A_87, %dma_start3A_130] : memref<10240x64xf32, #tpu.memory_space<vmem_shared>> -> memref<128x64xf32, #tpu.memory_space<vmem_shared>>
      tpu.enqueue_dma source(%dma_start3A_131 : memref<128x64xf32, #tpu.memory_space<vmem_shared>>) target(%arg13 : memref<128x64xf32, #tpu.memory_space<vmem>>) target_semaphore(%run_scoped3A : memref<!tpu.dma_semaphore, #tpu.memory_space<semaphore_mem>>)
      %dma_wait3A_132 = arith.constant 0 : i32
      %dma_wait3A_133 = tpu.memref_slice %arg14[%add3A_87, %dma_wait3A_132] : memref<10240x64xf32, #tpu.memory_space<vmem_shared>> -> memref<128x64xf32, #tpu.memory_space<vmem_shared>>
      %dma_wait3A_134 = arith.constant 0 : i32
      %dma_wait3A_135 = tpu.memref_slice %arg14[%add3A_87, %dma_wait3A_134] : memref<10240x64xf32, #tpu.memory_space<vmem_shared>> -> memref<128x64xf32, #tpu.memory_space<vmem_shared>>
      tpu.wait_dma2 semaphore(%run_scoped3A : memref<!tpu.dma_semaphore, #tpu.memory_space<semaphore_mem>>) src(%dma_wait3A_135 : memref<128x64xf32, #tpu.memory_space<vmem_shared>>) dst(%arg13 : memref<128x64xf32, #tpu.memory_space<vmem>>)
      tpu.yield
    }) : () -> ()
    %mul3A_88 = arith.constant 10240 : i32
    %mul3A_89 = arith.muli %arg0, %mul3A_88 : i32
    %mul3A_90 = arith.constant 640 : i32
    %mul3A_91 = arith.muli %arg1, %mul3A_90 : i32
    %add3A_92 = arith.addi %mul3A_89, %mul3A_91 : i32
    %add3A_93 = arith.constant 128 : i32
    %add3A_94 = arith.addi %add3A_92, %add3A_93 : i32
    "tpu.region"() ({
      %run_scoped3A = tpu.sem_alloc : memref<!tpu.dma_semaphore, #tpu.memory_space<semaphore_mem>>
      %dma_start3A_128 = arith.constant 0 : i32
      %dma_start3A_129 = tpu.memref_slice %arg5[%add3A_94, %dma_start3A_128] : memref<20480x64xf32, #tpu.memory_space<hbm>> -> memref<128x64xf32, #tpu.memory_space<hbm>>
      %dma_start3A_130 = arith.constant 0 : i32
      %dma_start3A_131 = tpu.memref_slice %arg5[%add3A_94, %dma_start3A_130] : memref<20480x64xf32, #tpu.memory_space<hbm>> -> memref<128x64xf32, #tpu.memory_space<hbm>>
      tpu.enqueue_dma source(%arg13 : memref<128x64xf32, #tpu.memory_space<vmem>>) target(%dma_start3A_131 : memref<128x64xf32, #tpu.memory_space<hbm>>) target_semaphore(%run_scoped3A : memref<!tpu.dma_semaphore, #tpu.memory_space<semaphore_mem>>)
      %dma_wait3A_132 = arith.constant 0 : i32
      %dma_wait3A_133 = tpu.memref_slice %arg5[%add3A_94, %dma_wait3A_132] : memref<20480x64xf32, #tpu.memory_space<hbm>> -> memref<128x64xf32, #tpu.memory_space<hbm>>
      %dma_wait3A_134 = arith.constant 0 : i32
      %dma_wait3A_135 = tpu.memref_slice %arg5[%add3A_94, %dma_wait3A_134] : memref<20480x64xf32, #tpu.memory_space<hbm>> -> memref<128x64xf32, #tpu.memory_space<hbm>>
      tpu.wait_dma2 semaphore(%run_scoped3A : memref<!tpu.dma_semaphore, #tpu.memory_space<semaphore_mem>>) src(%arg13 : memref<128x64xf32, #tpu.memory_space<vmem>>) dst(%dma_wait3A_135 : memref<128x64xf32, #tpu.memory_space<hbm>>)
      tpu.yield
    }) : () -> ()
    %mul3A_95 = arith.constant 640 : i32
    %mul3A_96 = arith.muli %arg1, %mul3A_95 : i32
    %add3A_97 = arith.constant 256 : i32
    %add3A_98 = arith.addi %mul3A_96, %add3A_97 : i32
    "tpu.region"() ({
      %run_scoped3A = tpu.sem_alloc : memref<!tpu.dma_semaphore, #tpu.memory_space<semaphore_mem>>
      %dma_start3A_128 = arith.constant 0 : i32
      %dma_start3A_129 = tpu.memref_slice %arg14[%add3A_98, %dma_start3A_128] : memref<10240x64xf32, #tpu.memory_space<vmem_shared>> -> memref<128x64xf32, #tpu.memory_space<vmem_shared>>
      %dma_start3A_130 = arith.constant 0 : i32
      %dma_start3A_131 = tpu.memref_slice %arg14[%add3A_98, %dma_start3A_130] : memref<10240x64xf32, #tpu.memory_space<vmem_shared>> -> memref<128x64xf32, #tpu.memory_space<vmem_shared>>
      tpu.enqueue_dma source(%dma_start3A_131 : memref<128x64xf32, #tpu.memory_space<vmem_shared>>) target(%arg13 : memref<128x64xf32, #tpu.memory_space<vmem>>) target_semaphore(%run_scoped3A : memref<!tpu.dma_semaphore, #tpu.memory_space<semaphore_mem>>)
      %dma_wait3A_132 = arith.constant 0 : i32
      %dma_wait3A_133 = tpu.memref_slice %arg14[%add3A_98, %dma_wait3A_132] : memref<10240x64xf32, #tpu.memory_space<vmem_shared>> -> memref<128x64xf32, #tpu.memory_space<vmem_shared>>
      %dma_wait3A_134 = arith.constant 0 : i32
      %dma_wait3A_135 = tpu.memref_slice %arg14[%add3A_98, %dma_wait3A_134] : memref<10240x64xf32, #tpu.memory_space<vmem_shared>> -> memref<128x64xf32, #tpu.memory_space<vmem_shared>>
      tpu.wait_dma2 semaphore(%run_scoped3A : memref<!tpu.dma_semaphore, #tpu.memory_space<semaphore_mem>>) src(%dma_wait3A_135 : memref<128x64xf32, #tpu.memory_space<vmem_shared>>) dst(%arg13 : memref<128x64xf32, #tpu.memory_space<vmem>>)
      tpu.yield
    }) : () -> ()
    %mul3A_99 = arith.constant 10240 : i32
    %mul3A_100 = arith.muli %arg0, %mul3A_99 : i32
    %mul3A_101 = arith.constant 640 : i32
    %mul3A_102 = arith.muli %arg1, %mul3A_101 : i32
    %add3A_103 = arith.addi %mul3A_100, %mul3A_102 : i32
    %add3A_104 = arith.constant 256 : i32
    %add3A_105 = arith.addi %add3A_103, %add3A_104 : i32
    "tpu.region"() ({
      %run_scoped3A = tpu.sem_alloc : memref<!tpu.dma_semaphore, #tpu.memory_space<semaphore_mem>>
      %dma_start3A_128 = arith.constant 0 : i32
      %dma_start3A_129 = tpu.memref_slice %arg5[%add3A_105, %dma_start3A_128] : memref<20480x64xf32, #tpu.memory_space<hbm>> -> memref<128x64xf32, #tpu.memory_space<hbm>>
      %dma_start3A_130 = arith.constant 0 : i32
      %dma_start3A_131 = tpu.memref_slice %arg5[%add3A_105, %dma_start3A_130] : memref<20480x64xf32, #tpu.memory_space<hbm>> -> memref<128x64xf32, #tpu.memory_space<hbm>>
      tpu.enqueue_dma source(%arg13 : memref<128x64xf32, #tpu.memory_space<vmem>>) target(%dma_start3A_131 : memref<128x64xf32, #tpu.memory_space<hbm>>) target_semaphore(%run_scoped3A : memref<!tpu.dma_semaphore, #tpu.memory_space<semaphore_mem>>)
      %dma_wait3A_132 = arith.constant 0 : i32
      %dma_wait3A_133 = tpu.memref_slice %arg5[%add3A_105, %dma_wait3A_132] : memref<20480x64xf32, #tpu.memory_space<hbm>> -> memref<128x64xf32, #tpu.memory_space<hbm>>
      %dma_wait3A_134 = arith.constant 0 : i32
      %dma_wait3A_135 = tpu.memref_slice %arg5[%add3A_105, %dma_wait3A_134] : memref<20480x64xf32, #tpu.memory_space<hbm>> -> memref<128x64xf32, #tpu.memory_space<hbm>>
      tpu.wait_dma2 semaphore(%run_scoped3A : memref<!tpu.dma_semaphore, #tpu.memory_space<semaphore_mem>>) src(%arg13 : memref<128x64xf32, #tpu.memory_space<vmem>>) dst(%dma_wait3A_135 : memref<128x64xf32, #tpu.memory_space<hbm>>)
      tpu.yield
    }) : () -> ()
    %mul3A_106 = arith.constant 640 : i32
    %mul3A_107 = arith.muli %arg1, %mul3A_106 : i32
    %add3A_108 = arith.constant 384 : i32
    %add3A_109 = arith.addi %mul3A_107, %add3A_108 : i32
    "tpu.region"() ({
      %run_scoped3A = tpu.sem_alloc : memref<!tpu.dma_semaphore, #tpu.memory_space<semaphore_mem>>
      %dma_start3A_128 = arith.constant 0 : i32
      %dma_start3A_129 = tpu.memref_slice %arg14[%add3A_109, %dma_start3A_128] : memref<10240x64xf32, #tpu.memory_space<vmem_shared>> -> memref<128x64xf32, #tpu.memory_space<vmem_shared>>
      %dma_start3A_130 = arith.constant 0 : i32
      %dma_start3A_131 = tpu.memref_slice %arg14[%add3A_109, %dma_start3A_130] : memref<10240x64xf32, #tpu.memory_space<vmem_shared>> -> memref<128x64xf32, #tpu.memory_space<vmem_shared>>
      tpu.enqueue_dma source(%dma_start3A_131 : memref<128x64xf32, #tpu.memory_space<vmem_shared>>) target(%arg13 : memref<128x64xf32, #tpu.memory_space<vmem>>) target_semaphore(%run_scoped3A : memref<!tpu.dma_semaphore, #tpu.memory_space<semaphore_mem>>)
      %dma_wait3A_132 = arith.constant 0 : i32
      %dma_wait3A_133 = tpu.memref_slice %arg14[%add3A_109, %dma_wait3A_132] : memref<10240x64xf32, #tpu.memory_space<vmem_shared>> -> memref<128x64xf32, #tpu.memory_space<vmem_shared>>
      %dma_wait3A_134 = arith.constant 0 : i32
      %dma_wait3A_135 = tpu.memref_slice %arg14[%add3A_109, %dma_wait3A_134] : memref<10240x64xf32, #tpu.memory_space<vmem_shared>> -> memref<128x64xf32, #tpu.memory_space<vmem_shared>>
      tpu.wait_dma2 semaphore(%run_scoped3A : memref<!tpu.dma_semaphore, #tpu.memory_space<semaphore_mem>>) src(%dma_wait3A_135 : memref<128x64xf32, #tpu.memory_space<vmem_shared>>) dst(%arg13 : memref<128x64xf32, #tpu.memory_space<vmem>>)
      tpu.yield
    }) : () -> ()
    %mul3A_110 = arith.constant 10240 : i32
    %mul3A_111 = arith.muli %arg0, %mul3A_110 : i32
    %mul3A_112 = arith.constant 640 : i32
    %mul3A_113 = arith.muli %arg1, %mul3A_112 : i32
    %add3A_114 = arith.addi %mul3A_111, %mul3A_113 : i32
    %add3A_115 = arith.constant 384 : i32
    %add3A_116 = arith.addi %add3A_114, %add3A_115 : i32
    "tpu.region"() ({
      %run_scoped3A = tpu.sem_alloc : memref<!tpu.dma_semaphore, #tpu.memory_space<semaphore_mem>>
      %dma_start3A_128 = arith.constant 0 : i32
      %dma_start3A_129 = tpu.memref_slice %arg5[%add3A_116, %dma_start3A_128] : memref<20480x64xf32, #tpu.memory_space<hbm>> -> memref<128x64xf32, #tpu.memory_space<hbm>>
      %dma_start3A_130 = arith.constant 0 : i32
      %dma_start3A_131 = tpu.memref_slice %arg5[%add3A_116, %dma_start3A_130] : memref<20480x64xf32, #tpu.memory_space<hbm>> -> memref<128x64xf32, #tpu.memory_space<hbm>>
      tpu.enqueue_dma source(%arg13 : memref<128x64xf32, #tpu.memory_space<vmem>>) target(%dma_start3A_131 : memref<128x64xf32, #tpu.memory_space<hbm>>) target_semaphore(%run_scoped3A : memref<!tpu.dma_semaphore, #tpu.memory_space<semaphore_mem>>)
      %dma_wait3A_132 = arith.constant 0 : i32
      %dma_wait3A_133 = tpu.memref_slice %arg5[%add3A_116, %dma_wait3A_132] : memref<20480x64xf32, #tpu.memory_space<hbm>> -> memref<128x64xf32, #tpu.memory_space<hbm>>
      %dma_wait3A_134 = arith.constant 0 : i32
      %dma_wait3A_135 = tpu.memref_slice %arg5[%add3A_116, %dma_wait3A_134] : memref<20480x64xf32, #tpu.memory_space<hbm>> -> memref<128x64xf32, #tpu.memory_space<hbm>>
      tpu.wait_dma2 semaphore(%run_scoped3A : memref<!tpu.dma_semaphore, #tpu.memory_space<semaphore_mem>>) src(%arg13 : memref<128x64xf32, #tpu.memory_space<vmem>>) dst(%dma_wait3A_135 : memref<128x64xf32, #tpu.memory_space<hbm>>)
      tpu.yield
    }) : () -> ()
    %mul3A_117 = arith.constant 640 : i32
    %mul3A_118 = arith.muli %arg1, %mul3A_117 : i32
    %add3A_119 = arith.constant 512 : i32
    %add3A_120 = arith.addi %mul3A_118, %add3A_119 : i32
    "tpu.region"() ({
      %run_scoped3A = tpu.sem_alloc : memref<!tpu.dma_semaphore, #tpu.memory_space<semaphore_mem>>
      %dma_start3A_128 = arith.constant 0 : i32
      %dma_start3A_129 = tpu.memref_slice %arg14[%add3A_120, %dma_start3A_128] : memref<10240x64xf32, #tpu.memory_space<vmem_shared>> -> memref<128x64xf32, #tpu.memory_space<vmem_shared>>
      %dma_start3A_130 = arith.constant 0 : i32
      %dma_start3A_131 = tpu.memref_slice %arg14[%add3A_120, %dma_start3A_130] : memref<10240x64xf32, #tpu.memory_space<vmem_shared>> -> memref<128x64xf32, #tpu.memory_space<vmem_shared>>
      tpu.enqueue_dma source(%dma_start3A_131 : memref<128x64xf32, #tpu.memory_space<vmem_shared>>) target(%arg13 : memref<128x64xf32, #tpu.memory_space<vmem>>) target_semaphore(%run_scoped3A : memref<!tpu.dma_semaphore, #tpu.memory_space<semaphore_mem>>)
      %dma_wait3A_132 = arith.constant 0 : i32
      %dma_wait3A_133 = tpu.memref_slice %arg14[%add3A_120, %dma_wait3A_132] : memref<10240x64xf32, #tpu.memory_space<vmem_shared>> -> memref<128x64xf32, #tpu.memory_space<vmem_shared>>
      %dma_wait3A_134 = arith.constant 0 : i32
      %dma_wait3A_135 = tpu.memref_slice %arg14[%add3A_120, %dma_wait3A_134] : memref<10240x64xf32, #tpu.memory_space<vmem_shared>> -> memref<128x64xf32, #tpu.memory_space<vmem_shared>>
      tpu.wait_dma2 semaphore(%run_scoped3A : memref<!tpu.dma_semaphore, #tpu.memory_space<semaphore_mem>>) src(%dma_wait3A_135 : memref<128x64xf32, #tpu.memory_space<vmem_shared>>) dst(%arg13 : memref<128x64xf32, #tpu.memory_space<vmem>>)
      tpu.yield
    }) : () -> ()
    %mul3A_121 = arith.constant 10240 : i32
    %mul3A_122 = arith.muli %arg0, %mul3A_121 : i32
    %mul3A_123 = arith.constant 640 : i32
    %mul3A_124 = arith.muli %arg1, %mul3A_123 : i32
    %add3A_125 = arith.addi %mul3A_122, %mul3A_124 : i32
    %add3A_126 = arith.constant 512 : i32
    %add3A_127 = arith.addi %add3A_125, %add3A_126 : i32
    "tpu.region"() ({
      %run_scoped3A = tpu.sem_alloc : memref<!tpu.dma_semaphore, #tpu.memory_space<semaphore_mem>>
      %dma_start3A_128 = arith.constant 0 : i32
      %dma_start3A_129 = tpu.memref_slice %arg5[%add3A_127, %dma_start3A_128] : memref<20480x64xf32, #tpu.memory_space<hbm>> -> memref<128x64xf32, #tpu.memory_space<hbm>>
      %dma_start3A_130 = arith.constant 0 : i32
      %dma_start3A_131 = tpu.memref_slice %arg5[%add3A_127, %dma_start3A_130] : memref<20480x64xf32, #tpu.memory_space<hbm>> -> memref<128x64xf32, #tpu.memory_space<hbm>>
      tpu.enqueue_dma source(%arg13 : memref<128x64xf32, #tpu.memory_space<vmem>>) target(%dma_start3A_131 : memref<128x64xf32, #tpu.memory_space<hbm>>) target_semaphore(%run_scoped3A : memref<!tpu.dma_semaphore, #tpu.memory_space<semaphore_mem>>)
      %dma_wait3A_132 = arith.constant 0 : i32
      %dma_wait3A_133 = tpu.memref_slice %arg5[%add3A_127, %dma_wait3A_132] : memref<20480x64xf32, #tpu.memory_space<hbm>> -> memref<128x64xf32, #tpu.memory_space<hbm>>
      %dma_wait3A_134 = arith.constant 0 : i32
      %dma_wait3A_135 = tpu.memref_slice %arg5[%add3A_127, %dma_wait3A_134] : memref<20480x64xf32, #tpu.memory_space<hbm>> -> memref<128x64xf32, #tpu.memory_space<hbm>>
      tpu.wait_dma2 semaphore(%run_scoped3A : memref<!tpu.dma_semaphore, #tpu.memory_space<semaphore_mem>>) src(%arg13 : memref<128x64xf32, #tpu.memory_space<vmem>>) dst(%dma_wait3A_135 : memref<128x64xf32, #tpu.memory_space<hbm>>)
      tpu.yield
    }) : () -> ()
    return
  }
}

#map = affine_map<(d0, d1) -> (0, 0)>
#map1 = affine_map<(d0, d1) -> (0, 0, 0)>
module attributes {stable_mosaic.version = 14 : i64} {
  func.func @_sc_agg_body(%arg0: i32, %arg1: i32, %arg2: memref<20000x64xf32, #tpu.memory_space<hbm>>, %arg3: memref<16x250x80xi32, #tpu.memory_space<hbm>>, %arg4: memref<16x250x80xi32, #tpu.memory_space<hbm>>, %arg5: memref<20480x64xf32, #tpu.memory_space<hbm>>, %arg6: memref<250x80xi32, #tpu.memory_space<vmem>>, %arg7: memref<250x80xi32, #tpu.memory_space<vmem>>, %arg8: memref<80x64xf32, #tpu.memory_space<vmem>>, %arg9: memref<80x64xf32, #tpu.memory_space<vmem>>, %arg10: memref<80x64xf32, #tpu.memory_space<vmem>>, %arg11: memref<80x64xf32, #tpu.memory_space<vmem>>, %arg12: memref<80x64xf32, #tpu.memory_space<vmem>>, %arg13: memref<128x64xf32, #tpu.memory_space<vmem>>, %arg14: memref<10240x64xf32, #tpu.memory_space<vmem_shared>>, %arg15: memref<!tpu.dma_semaphore, #tpu.memory_space<semaphore_mem>>, %arg16: memref<!tpu.dma_semaphore, #tpu.memory_space<semaphore_mem>>, %arg17: memref<!tpu.dma_semaphore, #tpu.memory_space<semaphore_mem>>, %arg18: memref<!tpu.dma_semaphore, #tpu.memory_space<semaphore_mem>>, %arg19: memref<!tpu.dma_semaphore, #tpu.memory_space<semaphore_mem>>, %arg20: memref<!tpu.dma_semaphore, #tpu.memory_space<semaphore_mem>>, %arg21: memref<!tpu.dma_semaphore, #tpu.memory_space<semaphore_mem>>, %arg22: memref<!tpu.dma_semaphore, #tpu.memory_space<semaphore_mem>>, %arg23: memref<!tpu.dma_semaphore, #tpu.memory_space<semaphore_mem>>, %arg24: memref<!tpu.dma_semaphore, #tpu.memory_space<semaphore_mem>>) attributes {dimension_semantics = [#tpu.dimension_semantics<core_parallel>, #tpu.dimension_semantics<subcore_parallel>], iteration_bounds = array<i64: 2, 16>, scalar_prefetch = 0 : i64, scratch_operands = 19 : i64, tpu.core_type = #tpu.core_type<sc_vector_subcore>, window_params = [{transform_indices = #map}, {transform_indices = #map1}, {transform_indices = #map1}, {transform_indices = #map}]} {
    %mul3A = arith.constant 16 : i32
    %mul3A_0 = arith.muli %arg0, %mul3A : i32
    %add3A = arith.addi %mul3A_0, %arg1 : i32
    %broadcast_in_dim3A = arith.constant 0.000000e+00 : f32
    %broadcast_in_dim3A_1 = vector.broadcast %broadcast_in_dim3A : f32 to vector<16xf32>
    %scan3A = arith.constant 0 : i32
    %scan3A_2 = arith.constant 0 : i32
    %scan3A_3 = arith.constant 512 : i32
    %scan3A_4 = arith.addi %scan3A_2, %scan3A_3 : i32
    %scan3A_5 = arith.constant 1 : i32
    scf.for %scan3A_132 = %scan3A_2 to %scan3A_4 step %scan3A_5  : i32 {
      %jit3A = arith.constant 4 : i32
      %div3A = arith.divsi %scan3A_132, %jit3A : i32
      %sign3A = arith.constant 0 : i32
      %sign3A_133 = arith.cmpi sgt, %scan3A_132, %sign3A : i32
      %sign3A_134 = arith.extui %sign3A_133 : i1 to i32
      %sign3A_135 = arith.constant 0 : i32
      %sign3A_136 = arith.cmpi slt, %scan3A_132, %sign3A_135 : i32
      %sign3A_137 = arith.extui %sign3A_136 : i1 to i32
      %sign3A_138 = arith.subi %sign3A_134, %sign3A_137 : i32
      %sign3A_139 = arith.constant 0 : i32
      %sign3A_140 = arith.cmpi sgt, %jit3A, %sign3A_139 : i32
      %sign3A_141 = arith.extui %sign3A_140 : i1 to i32
      %sign3A_142 = arith.constant 0 : i32
      %sign3A_143 = arith.cmpi slt, %jit3A, %sign3A_142 : i32
      %sign3A_144 = arith.extui %sign3A_143 : i1 to i32
      %sign3A_145 = arith.subi %sign3A_141, %sign3A_144 : i32
      %ne3A = arith.cmpi ne, %sign3A_138, %sign3A_145 : i32
      %rem3A = arith.remsi %scan3A_132, %jit3A : i32
      %ne3A_146 = arith.constant 0 : i32
      %ne3A_147 = arith.cmpi ne, %rem3A, %ne3A_146 : i32
      %and3A = arith.andi %ne3A, %ne3A_147 : i1
      %sub3A = arith.constant 1 : i32
      %sub3A_148 = arith.subi %div3A, %sub3A : i32
      %select_n3A = arith.select %and3A, %sub3A_148, %div3A : i32
      %jit3A_149 = arith.constant 4 : i32
      %eq3A = arith.constant 0 : i32
      %eq3A_150 = arith.cmpi eq, %jit3A_149, %eq3A : i32
      %jit3A_151 = arith.constant 1 : i32
      %select_n3A_152 = arith.select %eq3A_150, %jit3A_151, %jit3A_149 : i32
      %rem3A_153 = arith.remsi %scan3A_132, %select_n3A_152 : i32
      %ne3A_154 = arith.constant 0 : i32
      %ne3A_155 = arith.cmpi ne, %rem3A_153, %ne3A_154 : i32
      %lt3A = arith.constant 0 : i32
      %lt3A_156 = arith.cmpi slt, %rem3A_153, %lt3A : i32
      %lt3A_157 = arith.constant 0 : i32
      %lt3A_158 = arith.cmpi slt, %select_n3A_152, %lt3A_157 : i32
      %ne3A_159 = arith.xori %lt3A_156, %lt3A_158 : i1
      %and3A_160 = arith.andi %ne3A_159, %ne3A_155 : i1
      %add3A_161 = arith.addi %rem3A_153, %select_n3A_152 : i32
      %select_n3A_162 = arith.select %and3A_160, %add3A_161, %rem3A_153 : i32
      %mul3A_163 = arith.constant 16 : i32
      %mul3A_164 = arith.muli %select_n3A_162, %mul3A_163 : i32
      %swap3A = arith.index_cast %select_n3A : i32 to index
      %swap3A_165 = arith.index_cast %mul3A_164 : i32 to index
      %swap3A_166 = tpu.vector_load %arg13[%swap3A, %swap3A_165] {strides = array<i32>} : memref<128x64xf32, #tpu.memory_space<vmem>>, vector<1x16xf32>,
      %swap3A_167 = vector.shape_cast %swap3A_166 : vector<1x16xf32> to vector<16xf32>
      %swap3A_168 = vector.shape_cast %broadcast_in_dim3A_1 : vector<16xf32> to vector<1x16xf32>
      tpu.vector_store %arg13[%swap3A, %swap3A_165], %swap3A_168 {strides = array<i32>} : memref<128x64xf32, #tpu.memory_space<vmem>>, vector<1x16xf32>,
    }
    %scan3A_6 = arith.constant 512 : i32
    %mul3A_7 = arith.constant 640 : i32
    %mul3A_8 = arith.muli %arg1, %mul3A_7 : i32
    %add3A_9 = arith.constant 0 : i32
    %add3A_10 = arith.addi %mul3A_8, %add3A_9 : i32
    "tpu.region"() ({
      %run_scoped3A = tpu.sem_alloc : memref<!tpu.dma_semaphore, #tpu.memory_space<semaphore_mem>>
      %dma_start3A_132 = arith.constant 0 : i32
      %dma_start3A_133 = tpu.memref_slice %arg14[%add3A_10, %dma_start3A_132] : memref<10240x64xf32, #tpu.memory_space<vmem_shared>> -> memref<128x64xf32, #tpu.memory_space<vmem_shared>>
      %dma_start3A_134 = arith.constant 0 : i32
      %dma_start3A_135 = tpu.memref_slice %arg14[%add3A_10, %dma_start3A_134] : memref<10240x64xf32, #tpu.memory_space<vmem_shared>> -> memref<128x64xf32, #tpu.memory_space<vmem_shared>>
      tpu.enqueue_dma source(%arg13 : memref<128x64xf32, #tpu.memory_space<vmem>>) target(%dma_start3A_135 : memref<128x64xf32, #tpu.memory_space<vmem_shared>>) target_semaphore(%run_scoped3A : memref<!tpu.dma_semaphore, #tpu.memory_space<semaphore_mem>>)
      %dma_wait3A_136 = arith.constant 0 : i32
      %dma_wait3A_137 = tpu.memref_slice %arg14[%add3A_10, %dma_wait3A_136] : memref<10240x64xf32, #tpu.memory_space<vmem_shared>> -> memref<128x64xf32, #tpu.memory_space<vmem_shared>>
      %dma_wait3A_138 = arith.constant 0 : i32
      %dma_wait3A_139 = tpu.memref_slice %arg14[%add3A_10, %dma_wait3A_138] : memref<10240x64xf32, #tpu.memory_space<vmem_shared>> -> memref<128x64xf32, #tpu.memory_space<vmem_shared>>
      tpu.wait_dma2 semaphore(%run_scoped3A : memref<!tpu.dma_semaphore, #tpu.memory_space<semaphore_mem>>) src(%arg13 : memref<128x64xf32, #tpu.memory_space<vmem>>) dst(%dma_wait3A_139 : memref<128x64xf32, #tpu.memory_space<vmem_shared>>)
      tpu.yield
    }) : () -> ()
    %mul3A_11 = arith.constant 640 : i32
    %mul3A_12 = arith.muli %arg1, %mul3A_11 : i32
    %add3A_13 = arith.constant 128 : i32
    %add3A_14 = arith.addi %mul3A_12, %add3A_13 : i32
    "tpu.region"() ({
      %run_scoped3A = tpu.sem_alloc : memref<!tpu.dma_semaphore, #tpu.memory_space<semaphore_mem>>
      %dma_start3A_132 = arith.constant 0 : i32
      %dma_start3A_133 = tpu.memref_slice %arg14[%add3A_14, %dma_start3A_132] : memref<10240x64xf32, #tpu.memory_space<vmem_shared>> -> memref<128x64xf32, #tpu.memory_space<vmem_shared>>
      %dma_start3A_134 = arith.constant 0 : i32
      %dma_start3A_135 = tpu.memref_slice %arg14[%add3A_14, %dma_start3A_134] : memref<10240x64xf32, #tpu.memory_space<vmem_shared>> -> memref<128x64xf32, #tpu.memory_space<vmem_shared>>
      tpu.enqueue_dma source(%arg13 : memref<128x64xf32, #tpu.memory_space<vmem>>) target(%dma_start3A_135 : memref<128x64xf32, #tpu.memory_space<vmem_shared>>) target_semaphore(%run_scoped3A : memref<!tpu.dma_semaphore, #tpu.memory_space<semaphore_mem>>)
      %dma_wait3A_136 = arith.constant 0 : i32
      %dma_wait3A_137 = tpu.memref_slice %arg14[%add3A_14, %dma_wait3A_136] : memref<10240x64xf32, #tpu.memory_space<vmem_shared>> -> memref<128x64xf32, #tpu.memory_space<vmem_shared>>
      %dma_wait3A_138 = arith.constant 0 : i32
      %dma_wait3A_139 = tpu.memref_slice %arg14[%add3A_14, %dma_wait3A_138] : memref<10240x64xf32, #tpu.memory_space<vmem_shared>> -> memref<128x64xf32, #tpu.memory_space<vmem_shared>>
      tpu.wait_dma2 semaphore(%run_scoped3A : memref<!tpu.dma_semaphore, #tpu.memory_space<semaphore_mem>>) src(%arg13 : memref<128x64xf32, #tpu.memory_space<vmem>>) dst(%dma_wait3A_139 : memref<128x64xf32, #tpu.memory_space<vmem_shared>>)
      tpu.yield
    }) : () -> ()
    %mul3A_15 = arith.constant 640 : i32
    %mul3A_16 = arith.muli %arg1, %mul3A_15 : i32
    %add3A_17 = arith.constant 256 : i32
    %add3A_18 = arith.addi %mul3A_16, %add3A_17 : i32
    "tpu.region"() ({
      %run_scoped3A = tpu.sem_alloc : memref<!tpu.dma_semaphore, #tpu.memory_space<semaphore_mem>>
      %dma_start3A_132 = arith.constant 0 : i32
      %dma_start3A_133 = tpu.memref_slice %arg14[%add3A_18, %dma_start3A_132] : memref<10240x64xf32, #tpu.memory_space<vmem_shared>> -> memref<128x64xf32, #tpu.memory_space<vmem_shared>>
      %dma_start3A_134 = arith.constant 0 : i32
      %dma_start3A_135 = tpu.memref_slice %arg14[%add3A_18, %dma_start3A_134] : memref<10240x64xf32, #tpu.memory_space<vmem_shared>> -> memref<128x64xf32, #tpu.memory_space<vmem_shared>>
      tpu.enqueue_dma source(%arg13 : memref<128x64xf32, #tpu.memory_space<vmem>>) target(%dma_start3A_135 : memref<128x64xf32, #tpu.memory_space<vmem_shared>>) target_semaphore(%run_scoped3A : memref<!tpu.dma_semaphore, #tpu.memory_space<semaphore_mem>>)
      %dma_wait3A_136 = arith.constant 0 : i32
      %dma_wait3A_137 = tpu.memref_slice %arg14[%add3A_18, %dma_wait3A_136] : memref<10240x64xf32, #tpu.memory_space<vmem_shared>> -> memref<128x64xf32, #tpu.memory_space<vmem_shared>>
      %dma_wait3A_138 = arith.constant 0 : i32
      %dma_wait3A_139 = tpu.memref_slice %arg14[%add3A_18, %dma_wait3A_138] : memref<10240x64xf32, #tpu.memory_space<vmem_shared>> -> memref<128x64xf32, #tpu.memory_space<vmem_shared>>
      tpu.wait_dma2 semaphore(%run_scoped3A : memref<!tpu.dma_semaphore, #tpu.memory_space<semaphore_mem>>) src(%arg13 : memref<128x64xf32, #tpu.memory_space<vmem>>) dst(%dma_wait3A_139 : memref<128x64xf32, #tpu.memory_space<vmem_shared>>)
      tpu.yield
    }) : () -> ()
    %mul3A_19 = arith.constant 640 : i32
    %mul3A_20 = arith.muli %arg1, %mul3A_19 : i32
    %add3A_21 = arith.constant 384 : i32
    %add3A_22 = arith.addi %mul3A_20, %add3A_21 : i32
    "tpu.region"() ({
      %run_scoped3A = tpu.sem_alloc : memref<!tpu.dma_semaphore, #tpu.memory_space<semaphore_mem>>
      %dma_start3A_132 = arith.constant 0 : i32
      %dma_start3A_133 = tpu.memref_slice %arg14[%add3A_22, %dma_start3A_132] : memref<10240x64xf32, #tpu.memory_space<vmem_shared>> -> memref<128x64xf32, #tpu.memory_space<vmem_shared>>
      %dma_start3A_134 = arith.constant 0 : i32
      %dma_start3A_135 = tpu.memref_slice %arg14[%add3A_22, %dma_start3A_134] : memref<10240x64xf32, #tpu.memory_space<vmem_shared>> -> memref<128x64xf32, #tpu.memory_space<vmem_shared>>
      tpu.enqueue_dma source(%arg13 : memref<128x64xf32, #tpu.memory_space<vmem>>) target(%dma_start3A_135 : memref<128x64xf32, #tpu.memory_space<vmem_shared>>) target_semaphore(%run_scoped3A : memref<!tpu.dma_semaphore, #tpu.memory_space<semaphore_mem>>)
      %dma_wait3A_136 = arith.constant 0 : i32
      %dma_wait3A_137 = tpu.memref_slice %arg14[%add3A_22, %dma_wait3A_136] : memref<10240x64xf32, #tpu.memory_space<vmem_shared>> -> memref<128x64xf32, #tpu.memory_space<vmem_shared>>
      %dma_wait3A_138 = arith.constant 0 : i32
      %dma_wait3A_139 = tpu.memref_slice %arg14[%add3A_22, %dma_wait3A_138] : memref<10240x64xf32, #tpu.memory_space<vmem_shared>> -> memref<128x64xf32, #tpu.memory_space<vmem_shared>>
      tpu.wait_dma2 semaphore(%run_scoped3A : memref<!tpu.dma_semaphore, #tpu.memory_space<semaphore_mem>>) src(%arg13 : memref<128x64xf32, #tpu.memory_space<vmem>>) dst(%dma_wait3A_139 : memref<128x64xf32, #tpu.memory_space<vmem_shared>>)
      tpu.yield
    }) : () -> ()
    %mul3A_23 = arith.constant 640 : i32
    %mul3A_24 = arith.muli %arg1, %mul3A_23 : i32
    %add3A_25 = arith.constant 512 : i32
    %add3A_26 = arith.addi %mul3A_24, %add3A_25 : i32
    "tpu.region"() ({
      %run_scoped3A = tpu.sem_alloc : memref<!tpu.dma_semaphore, #tpu.memory_space<semaphore_mem>>
      %dma_start3A_132 = arith.constant 0 : i32
      %dma_start3A_133 = tpu.memref_slice %arg14[%add3A_26, %dma_start3A_132] : memref<10240x64xf32, #tpu.memory_space<vmem_shared>> -> memref<128x64xf32, #tpu.memory_space<vmem_shared>>
      %dma_start3A_134 = arith.constant 0 : i32
      %dma_start3A_135 = tpu.memref_slice %arg14[%add3A_26, %dma_start3A_134] : memref<10240x64xf32, #tpu.memory_space<vmem_shared>> -> memref<128x64xf32, #tpu.memory_space<vmem_shared>>
      tpu.enqueue_dma source(%arg13 : memref<128x64xf32, #tpu.memory_space<vmem>>) target(%dma_start3A_135 : memref<128x64xf32, #tpu.memory_space<vmem_shared>>) target_semaphore(%run_scoped3A : memref<!tpu.dma_semaphore, #tpu.memory_space<semaphore_mem>>)
      %dma_wait3A_136 = arith.constant 0 : i32
      %dma_wait3A_137 = tpu.memref_slice %arg14[%add3A_26, %dma_wait3A_136] : memref<10240x64xf32, #tpu.memory_space<vmem_shared>> -> memref<128x64xf32, #tpu.memory_space<vmem_shared>>
      %dma_wait3A_138 = arith.constant 0 : i32
      %dma_wait3A_139 = tpu.memref_slice %arg14[%add3A_26, %dma_wait3A_138] : memref<10240x64xf32, #tpu.memory_space<vmem_shared>> -> memref<128x64xf32, #tpu.memory_space<vmem_shared>>
      tpu.wait_dma2 semaphore(%run_scoped3A : memref<!tpu.dma_semaphore, #tpu.memory_space<semaphore_mem>>) src(%arg13 : memref<128x64xf32, #tpu.memory_space<vmem>>) dst(%dma_wait3A_139 : memref<128x64xf32, #tpu.memory_space<vmem_shared>>)
      tpu.yield
    }) : () -> ()
    %barrier3A = arith.constant 0 : index
    tpu.barrier barrier_id(%barrier3A)
    "tpu.region"() ({
      %run_scoped3A = tpu.sem_alloc : memref<!tpu.dma_semaphore, #tpu.memory_space<semaphore_mem>>
      %dma_start3A_132 = arith.constant 0 : i32
      %dma_start3A_133 = arith.constant 0 : i32
      %dma_start3A_134 = tpu.memref_slice %arg3[%arg1, %dma_start3A_132, %dma_start3A_133] : memref<16x250x80xi32, #tpu.memory_space<hbm>> -> memref<1x250x80xi32, #tpu.memory_space<hbm>>
      %dma_start3A_135 = tpu.memref_squeeze %dma_start3A_134 : memref<1x250x80xi32, #tpu.memory_space<hbm>> -> memref<250x80xi32, #tpu.memory_space<hbm>>
      %dma_start3A_136 = arith.constant 0 : i32
      %dma_start3A_137 = arith.constant 0 : i32
      %dma_start3A_138 = tpu.memref_slice %arg3[%arg1, %dma_start3A_136, %dma_start3A_137] : memref<16x250x80xi32, #tpu.memory_space<hbm>> -> memref<1x250x80xi32, #tpu.memory_space<hbm>>
      %dma_start3A_139 = tpu.memref_squeeze %dma_start3A_138 : memref<1x250x80xi32, #tpu.memory_space<hbm>> -> memref<250x80xi32, #tpu.memory_space<hbm>>
      tpu.enqueue_dma source(%dma_start3A_139 : memref<250x80xi32, #tpu.memory_space<hbm>>) target(%arg6 : memref<250x80xi32, #tpu.memory_space<vmem>>) target_semaphore(%run_scoped3A : memref<!tpu.dma_semaphore, #tpu.memory_space<semaphore_mem>>)
      %dma_wait3A_140 = arith.constant 0 : i32
      %dma_wait3A_141 = arith.constant 0 : i32
      %dma_wait3A_142 = tpu.memref_slice %arg3[%arg1, %dma_wait3A_140, %dma_wait3A_141] : memref<16x250x80xi32, #tpu.memory_space<hbm>> -> memref<1x250x80xi32, #tpu.memory_space<hbm>>
      %dma_wait3A_143 = tpu.memref_squeeze %dma_wait3A_142 : memref<1x250x80xi32, #tpu.memory_space<hbm>> -> memref<250x80xi32, #tpu.memory_space<hbm>>
      %dma_wait3A_144 = arith.constant 0 : i32
      %dma_wait3A_145 = arith.constant 0 : i32
      %dma_wait3A_146 = tpu.memref_slice %arg3[%arg1, %dma_wait3A_144, %dma_wait3A_145] : memref<16x250x80xi32, #tpu.memory_space<hbm>> -> memref<1x250x80xi32, #tpu.memory_space<hbm>>
      %dma_wait3A_147 = tpu.memref_squeeze %dma_wait3A_146 : memref<1x250x80xi32, #tpu.memory_space<hbm>> -> memref<250x80xi32, #tpu.memory_space<hbm>>
      tpu.wait_dma2 semaphore(%run_scoped3A : memref<!tpu.dma_semaphore, #tpu.memory_space<semaphore_mem>>) src(%dma_wait3A_147 : memref<250x80xi32, #tpu.memory_space<hbm>>) dst(%arg6 : memref<250x80xi32, #tpu.memory_space<vmem>>)
      tpu.yield
    }) : () -> ()
    "tpu.region"() ({
      %run_scoped3A = tpu.sem_alloc : memref<!tpu.dma_semaphore, #tpu.memory_space<semaphore_mem>>
      %dma_start3A_132 = arith.constant 0 : i32
      %dma_start3A_133 = arith.constant 0 : i32
      %dma_start3A_134 = tpu.memref_slice %arg4[%arg1, %dma_start3A_132, %dma_start3A_133] : memref<16x250x80xi32, #tpu.memory_space<hbm>> -> memref<1x250x80xi32, #tpu.memory_space<hbm>>
      %dma_start3A_135 = tpu.memref_squeeze %dma_start3A_134 : memref<1x250x80xi32, #tpu.memory_space<hbm>> -> memref<250x80xi32, #tpu.memory_space<hbm>>
      %dma_start3A_136 = arith.constant 0 : i32
      %dma_start3A_137 = arith.constant 0 : i32
      %dma_start3A_138 = tpu.memref_slice %arg4[%arg1, %dma_start3A_136, %dma_start3A_137] : memref<16x250x80xi32, #tpu.memory_space<hbm>> -> memref<1x250x80xi32, #tpu.memory_space<hbm>>
      %dma_start3A_139 = tpu.memref_squeeze %dma_start3A_138 : memref<1x250x80xi32, #tpu.memory_space<hbm>> -> memref<250x80xi32, #tpu.memory_space<hbm>>
      tpu.enqueue_dma source(%dma_start3A_139 : memref<250x80xi32, #tpu.memory_space<hbm>>) target(%arg7 : memref<250x80xi32, #tpu.memory_space<vmem>>) target_semaphore(%run_scoped3A : memref<!tpu.dma_semaphore, #tpu.memory_space<semaphore_mem>>)
      %dma_wait3A_140 = arith.constant 0 : i32
      %dma_wait3A_141 = arith.constant 0 : i32
      %dma_wait3A_142 = tpu.memref_slice %arg4[%arg1, %dma_wait3A_140, %dma_wait3A_141] : memref<16x250x80xi32, #tpu.memory_space<hbm>> -> memref<1x250x80xi32, #tpu.memory_space<hbm>>
      %dma_wait3A_143 = tpu.memref_squeeze %dma_wait3A_142 : memref<1x250x80xi32, #tpu.memory_space<hbm>> -> memref<250x80xi32, #tpu.memory_space<hbm>>
      %dma_wait3A_144 = arith.constant 0 : i32
      %dma_wait3A_145 = arith.constant 0 : i32
      %dma_wait3A_146 = tpu.memref_slice %arg4[%arg1, %dma_wait3A_144, %dma_wait3A_145] : memref<16x250x80xi32, #tpu.memory_space<hbm>> -> memref<1x250x80xi32, #tpu.memory_space<hbm>>
      %dma_wait3A_147 = tpu.memref_squeeze %dma_wait3A_146 : memref<1x250x80xi32, #tpu.memory_space<hbm>> -> memref<250x80xi32, #tpu.memory_space<hbm>>
      tpu.wait_dma2 semaphore(%run_scoped3A : memref<!tpu.dma_semaphore, #tpu.memory_space<semaphore_mem>>) src(%dma_wait3A_147 : memref<250x80xi32, #tpu.memory_space<hbm>>) dst(%arg7 : memref<250x80xi32, #tpu.memory_space<vmem>>)
      tpu.yield
    }) : () -> ()
    %broadcast_in_dim3A_27 = arith.constant 0 : i32
    %broadcast_in_dim3A_28 = vector.broadcast %broadcast_in_dim3A_27 : i32 to vector<16xi32>
    %add3A_29 = vector.broadcast %arg0 : i32 to vector<16xi32>
    %add3A_30 = arith.addi %broadcast_in_dim3A_28, %add3A_29 : vector<16xi32>
    %scan3A_31 = arith.constant 0 : i32
    %scan3A_32 = arith.constant 0 : i32
    %scan3A_33 = arith.constant 1250 : i32
    %scan3A_34 = arith.addi %scan3A_32, %scan3A_33 : i32
    %scan3A_35 = arith.constant 1 : i32
    scf.for %scan3A_132 = %scan3A_32 to %scan3A_34 step %scan3A_35  : i32 {
      %jit3A = arith.constant 5 : i32
      %div3A = arith.divsi %scan3A_132, %jit3A : i32
      %sign3A = arith.constant 0 : i32
      %sign3A_133 = arith.cmpi sgt, %scan3A_132, %sign3A : i32
      %sign3A_134 = arith.extui %sign3A_133 : i1 to i32
      %sign3A_135 = arith.constant 0 : i32
      %sign3A_136 = arith.cmpi slt, %scan3A_132, %sign3A_135 : i32
      %sign3A_137 = arith.extui %sign3A_136 : i1 to i32
      %sign3A_138 = arith.subi %sign3A_134, %sign3A_137 : i32
      %sign3A_139 = arith.constant 0 : i32
      %sign3A_140 = arith.cmpi sgt, %jit3A, %sign3A_139 : i32
      %sign3A_141 = arith.extui %sign3A_140 : i1 to i32
      %sign3A_142 = arith.constant 0 : i32
      %sign3A_143 = arith.cmpi slt, %jit3A, %sign3A_142 : i32
      %sign3A_144 = arith.extui %sign3A_143 : i1 to i32
      %sign3A_145 = arith.subi %sign3A_141, %sign3A_144 : i32
      %ne3A = arith.cmpi ne, %sign3A_138, %sign3A_145 : i32
      %rem3A = arith.remsi %scan3A_132, %jit3A : i32
      %ne3A_146 = arith.constant 0 : i32
      %ne3A_147 = arith.cmpi ne, %rem3A, %ne3A_146 : i32
      %and3A = arith.andi %ne3A, %ne3A_147 : i1
      %sub3A = arith.constant 1 : i32
      %sub3A_148 = arith.subi %div3A, %sub3A : i32
      %select_n3A = arith.select %and3A, %sub3A_148, %div3A : i32
      %jit3A_149 = arith.constant 5 : i32
      %eq3A = arith.constant 0 : i32
      %eq3A_150 = arith.cmpi eq, %jit3A_149, %eq3A : i32
      %jit3A_151 = arith.constant 1 : i32
      %select_n3A_152 = arith.select %eq3A_150, %jit3A_151, %jit3A_149 : i32
      %rem3A_153 = arith.remsi %scan3A_132, %select_n3A_152 : i32
      %ne3A_154 = arith.constant 0 : i32
      %ne3A_155 = arith.cmpi ne, %rem3A_153, %ne3A_154 : i32
      %lt3A = arith.constant 0 : i32
      %lt3A_156 = arith.cmpi slt, %rem3A_153, %lt3A : i32
      %lt3A_157 = arith.constant 0 : i32
      %lt3A_158 = arith.cmpi slt, %select_n3A_152, %lt3A_157 : i32
      %ne3A_159 = arith.xori %lt3A_156, %lt3A_158 : i1
      %and3A_160 = arith.andi %ne3A_159, %ne3A_155 : i1
      %add3A_161 = arith.addi %rem3A_153, %select_n3A_152 : i32
      %select_n3A_162 = arith.select %and3A_160, %add3A_161, %rem3A_153 : i32
      %mul3A_163 = arith.constant 16 : i32
      %mul3A_164 = arith.muli %select_n3A_162, %mul3A_163 : i32
      %get3A = arith.index_cast %select_n3A : i32 to index
      %get3A_165 = arith.index_cast %mul3A_164 : i32 to index
      %get3A_166 = tpu.vector_load %arg6[%get3A, %get3A_165] {strides = array<i32>} : memref<250x80xi32, #tpu.memory_space<vmem>>, vector<1x16xi32>,
      %get3A_167 = vector.shape_cast %get3A_166 : vector<1x16xi32> to vector<16xi32>
      %add3A_168 = arith.addi %get3A_167, %get3A_167 : vector<16xi32>
      %add3A_169 = arith.addi %add3A_168, %add3A_30 : vector<16xi32>
      %mul3A_170 = arith.constant 16 : i32
      %mul3A_171 = arith.muli %select_n3A_162, %mul3A_170 : i32
      %swap3A = arith.index_cast %select_n3A : i32 to index
      %swap3A_172 = arith.index_cast %mul3A_171 : i32 to index
      %swap3A_173 = tpu.vector_load %arg6[%swap3A, %swap3A_172] {strides = array<i32>} : memref<250x80xi32, #tpu.memory_space<vmem>>, vector<1x16xi32>,
      %swap3A_174 = vector.shape_cast %swap3A_173 : vector<1x16xi32> to vector<16xi32>
      %swap3A_175 = vector.shape_cast %add3A_169 : vector<16xi32> to vector<1x16xi32>
      tpu.vector_store %arg6[%swap3A, %swap3A_172], %swap3A_175 {strides = array<i32>} : memref<250x80xi32, #tpu.memory_space<vmem>>, vector<1x16xi32>,
    }
    %scan3A_36 = arith.constant 1250 : i32
    %dma_start3A = arith.constant 0 : i32
    %dma_start3A_37 = arith.constant 0 : i32
    %dma_start3A_38 = tpu.memref_slice %arg6[%dma_start3A, %dma_start3A_37] : memref<250x80xi32, #tpu.memory_space<vmem>> -> memref<1x80xi32, #tpu.memory_space<vmem>>
    %dma_start3A_39 = tpu.memref_squeeze %dma_start3A_38 : memref<1x80xi32, #tpu.memory_space<vmem>> -> memref<80xi32, #tpu.memory_space<vmem>>
    %dma_start3A_40 = arith.constant 0 : i32
    %dma_start3A_41 = arith.constant 0 : i32
    %dma_start3A_42 = tpu.memref_slice %arg2[%dma_start3A_40, %dma_start3A_41] : memref<20000x64xf32, #tpu.memory_space<hbm>> -> memref<20000x64xf32, #tpu.memory_space<hbm>>
    tpu.enqueue_indirect_dma source(%dma_start3A_42 : memref<20000x64xf32, #tpu.memory_space<hbm>>) target(%arg8 : memref<80x64xf32, #tpu.memory_space<vmem>>) offsets(%dma_start3A_39 : memref<80xi32, #tpu.memory_space<vmem>>) semaphore(%arg15 : memref<!tpu.dma_semaphore, #tpu.memory_space<semaphore_mem>>)
    %dma_start3A_43 = arith.constant 1 : i32
    %dma_start3A_44 = arith.constant 0 : i32
    %dma_start3A_45 = tpu.memref_slice %arg6[%dma_start3A_43, %dma_start3A_44] : memref<250x80xi32, #tpu.memory_space<vmem>> -> memref<1x80xi32, #tpu.memory_space<vmem>>
    %dma_start3A_46 = tpu.memref_squeeze %dma_start3A_45 : memref<1x80xi32, #tpu.memory_space<vmem>> -> memref<80xi32, #tpu.memory_space<vmem>>
    %dma_start3A_47 = arith.constant 0 : i32
    %dma_start3A_48 = arith.constant 0 : i32
    %dma_start3A_49 = tpu.memref_slice %arg2[%dma_start3A_47, %dma_start3A_48] : memref<20000x64xf32, #tpu.memory_space<hbm>> -> memref<20000x64xf32, #tpu.memory_space<hbm>>
    tpu.enqueue_indirect_dma source(%dma_start3A_49 : memref<20000x64xf32, #tpu.memory_space<hbm>>) target(%arg9 : memref<80x64xf32, #tpu.memory_space<vmem>>) offsets(%dma_start3A_46 : memref<80xi32, #tpu.memory_space<vmem>>) semaphore(%arg16 : memref<!tpu.dma_semaphore, #tpu.memory_space<semaphore_mem>>)
    %scan3A_50 = arith.constant 0 : i32
    %scan3A_51 = arith.constant 0 : i32
    %scan3A_52 = arith.constant 50 : i32
    %scan3A_53 = arith.addi %scan3A_51, %scan3A_52 : i32
    %scan3A_54 = arith.constant 1 : i32
    scf.for %scan3A_132 = %scan3A_51 to %scan3A_53 step %scan3A_54  : i32 {
      %mul3A_133 = arith.constant 5 : i32
      %mul3A_134 = arith.muli %scan3A_132, %mul3A_133 : i32
      %add3A_135 = arith.constant 0 : i32
      %add3A_136 = arith.addi %mul3A_134, %add3A_135 : i32
      %dma_wait3A_137 = arith.constant 0 : i32
      %dma_wait3A_138 = tpu.memref_slice %arg6[%add3A_136, %dma_wait3A_137] : memref<250x80xi32, #tpu.memory_space<vmem>> -> memref<1x80xi32, #tpu.memory_space<vmem>>
      %dma_wait3A_139 = tpu.memref_squeeze %dma_wait3A_138 : memref<1x80xi32, #tpu.memory_space<vmem>> -> memref<80xi32, #tpu.memory_space<vmem>>
      %dma_wait3A_140 = arith.constant 0 : i32
      %dma_wait3A_141 = arith.constant 0 : i32
      %dma_wait3A_142 = tpu.memref_slice %arg2[%dma_wait3A_140, %dma_wait3A_141] : memref<20000x64xf32, #tpu.memory_space<hbm>> -> memref<20000x64xf32, #tpu.memory_space<hbm>>
      tpu.wait_indirect_dma semaphore(%arg15 : memref<!tpu.dma_semaphore, #tpu.memory_space<semaphore_mem>>) src(%dma_wait3A_142 : memref<20000x64xf32, #tpu.memory_space<hbm>>) dst(%arg8 : memref<80x64xf32, #tpu.memory_space<vmem>>)
      %dma_start3A_143 = arith.constant 0 : i32
      %dma_start3A_144 = tpu.memref_slice %arg7[%add3A_136, %dma_start3A_143] : memref<250x80xi32, #tpu.memory_space<vmem>> -> memref<1x80xi32, #tpu.memory_space<vmem>>
      %dma_start3A_145 = tpu.memref_squeeze %dma_start3A_144 : memref<1x80xi32, #tpu.memory_space<vmem>> -> memref<80xi32, #tpu.memory_space<vmem>>
      %dma_start3A_146 = arith.constant 0 : i32
      %dma_start3A_147 = arith.constant 0 : i32
      %dma_start3A_148 = tpu.memref_slice %arg14[%dma_start3A_146, %dma_start3A_147] : memref<10240x64xf32, #tpu.memory_space<vmem_shared>> -> memref<10240x64xf32, #tpu.memory_space<vmem_shared>>
      tpu.enqueue_indirect_dma source(%arg8 : memref<80x64xf32, #tpu.memory_space<vmem>>) target(%dma_start3A_148 : memref<10240x64xf32, #tpu.memory_space<vmem_shared>>) offsets(%dma_start3A_145 : memref<80xi32, #tpu.memory_space<vmem>>) semaphore(%arg20 : memref<!tpu.dma_semaphore, #tpu.memory_space<semaphore_mem>>) {add = true}
      %ge3A = arith.constant 3 : i32
      %ge3A_149 = arith.cmpi sge, %add3A_136, %ge3A : i32
      %convert_element_type3A = arith.extui %ge3A_149 : i1 to i32
      %cond3A = arith.constant 0 : i32
      %cond3A_150 = arith.cmpi ne, %convert_element_type3A, %cond3A : i32
      scf.if %cond3A_150 {
        %sub3A = arith.constant 3 : i32
        %sub3A_269 = arith.subi %add3A_136, %sub3A : i32
        %dma_wait3A_270 = arith.constant 0 : i32
        %dma_wait3A_271 = tpu.memref_slice %arg7[%sub3A_269, %dma_wait3A_270] : memref<250x80xi32, #tpu.memory_space<vmem>> -> memref<1x80xi32, #tpu.memory_space<vmem>>
        %dma_wait3A_272 = tpu.memref_squeeze %dma_wait3A_271 : memref<1x80xi32, #tpu.memory_space<vmem>> -> memref<80xi32, #tpu.memory_space<vmem>>
        %dma_wait3A_273 = arith.constant 0 : i32
        %dma_wait3A_274 = arith.constant 0 : i32
        %dma_wait3A_275 = tpu.memref_slice %arg14[%dma_wait3A_273, %dma_wait3A_274] : memref<10240x64xf32, #tpu.memory_space<vmem_shared>> -> memref<10240x64xf32, #tpu.memory_space<vmem_shared>>
        tpu.wait_indirect_dma semaphore(%arg22 : memref<!tpu.dma_semaphore, #tpu.memory_space<semaphore_mem>>) src(%arg10 : memref<80x64xf32, #tpu.memory_space<vmem>>) dst(%dma_wait3A_275 : memref<10240x64xf32, #tpu.memory_space<vmem_shared>>)
      } else {
      }
      %add3A_151 = arith.constant 2 : i32
      %add3A_152 = arith.addi %add3A_136, %add3A_151 : i32
      %lt3A = arith.constant 250 : i32
      %lt3A_153 = arith.cmpi slt, %add3A_152, %lt3A : i32
      %convert_element_type3A_154 = arith.extui %lt3A_153 : i1 to i32
      %cond3A_155 = arith.constant 0 : i32
      %cond3A_156 = arith.cmpi ne, %convert_element_type3A_154, %cond3A_155 : i32
      scf.if %cond3A_156 {
        %add3A_269 = arith.constant 2 : i32
        %add3A_270 = arith.addi %add3A_136, %add3A_269 : i32
        %dma_start3A_271 = arith.constant 0 : i32
        %dma_start3A_272 = tpu.memref_slice %arg6[%add3A_270, %dma_start3A_271] : memref<250x80xi32, #tpu.memory_space<vmem>> -> memref<1x80xi32, #tpu.memory_space<vmem>>
        %dma_start3A_273 = tpu.memref_squeeze %dma_start3A_272 : memref<1x80xi32, #tpu.memory_space<vmem>> -> memref<80xi32, #tpu.memory_space<vmem>>
        %dma_start3A_274 = arith.constant 0 : i32
        %dma_start3A_275 = arith.constant 0 : i32
        %dma_start3A_276 = tpu.memref_slice %arg2[%dma_start3A_274, %dma_start3A_275] : memref<20000x64xf32, #tpu.memory_space<hbm>> -> memref<20000x64xf32, #tpu.memory_space<hbm>>
        tpu.enqueue_indirect_dma source(%dma_start3A_276 : memref<20000x64xf32, #tpu.memory_space<hbm>>) target(%arg10 : memref<80x64xf32, #tpu.memory_space<vmem>>) offsets(%dma_start3A_273 : memref<80xi32, #tpu.memory_space<vmem>>) semaphore(%arg17 : memref<!tpu.dma_semaphore, #tpu.memory_space<semaphore_mem>>)
      } else {
      }
      %mul3A_157 = arith.constant 5 : i32
      %mul3A_158 = arith.muli %scan3A_132, %mul3A_157 : i32
      %add3A_159 = arith.constant 1 : i32
      %add3A_160 = arith.addi %mul3A_158, %add3A_159 : i32
      %dma_wait3A_161 = arith.constant 0 : i32
      %dma_wait3A_162 = tpu.memref_slice %arg6[%add3A_160, %dma_wait3A_161] : memref<250x80xi32, #tpu.memory_space<vmem>> -> memref<1x80xi32, #tpu.memory_space<vmem>>
      %dma_wait3A_163 = tpu.memref_squeeze %dma_wait3A_162 : memref<1x80xi32, #tpu.memory_space<vmem>> -> memref<80xi32, #tpu.memory_space<vmem>>
      %dma_wait3A_164 = arith.constant 0 : i32
      %dma_wait3A_165 = arith.constant 0 : i32
      %dma_wait3A_166 = tpu.memref_slice %arg2[%dma_wait3A_164, %dma_wait3A_165] : memref<20000x64xf32, #tpu.memory_space<hbm>> -> memref<20000x64xf32, #tpu.memory_space<hbm>>
      tpu.wait_indirect_dma semaphore(%arg16 : memref<!tpu.dma_semaphore, #tpu.memory_space<semaphore_mem>>) src(%dma_wait3A_166 : memref<20000x64xf32, #tpu.memory_space<hbm>>) dst(%arg9 : memref<80x64xf32, #tpu.memory_space<vmem>>)
      %dma_start3A_167 = arith.constant 0 : i32
      %dma_start3A_168 = tpu.memref_slice %arg7[%add3A_160, %dma_start3A_167] : memref<250x80xi32, #tpu.memory_space<vmem>> -> memref<1x80xi32, #tpu.memory_space<vmem>>
      %dma_start3A_169 = tpu.memref_squeeze %dma_start3A_168 : memref<1x80xi32, #tpu.memory_space<vmem>> -> memref<80xi32, #tpu.memory_space<vmem>>
      %dma_start3A_170 = arith.constant 0 : i32
      %dma_start3A_171 = arith.constant 0 : i32
      %dma_start3A_172 = tpu.memref_slice %arg14[%dma_start3A_170, %dma_start3A_171] : memref<10240x64xf32, #tpu.memory_space<vmem_shared>> -> memref<10240x64xf32, #tpu.memory_space<vmem_shared>>
      tpu.enqueue_indirect_dma source(%arg9 : memref<80x64xf32, #tpu.memory_space<vmem>>) target(%dma_start3A_172 : memref<10240x64xf32, #tpu.memory_space<vmem_shared>>) offsets(%dma_start3A_169 : memref<80xi32, #tpu.memory_space<vmem>>) semaphore(%arg21 : memref<!tpu.dma_semaphore, #tpu.memory_space<semaphore_mem>>) {add = true}
      %ge3A_173 = arith.constant 3 : i32
      %ge3A_174 = arith.cmpi sge, %add3A_160, %ge3A_173 : i32
      %convert_element_type3A_175 = arith.extui %ge3A_174 : i1 to i32
      %cond3A_176 = arith.constant 0 : i32
      %cond3A_177 = arith.cmpi ne, %convert_element_type3A_175, %cond3A_176 : i32
      scf.if %cond3A_177 {
        %sub3A = arith.constant 3 : i32
        %sub3A_269 = arith.subi %add3A_160, %sub3A : i32
        %dma_wait3A_270 = arith.constant 0 : i32
        %dma_wait3A_271 = tpu.memref_slice %arg7[%sub3A_269, %dma_wait3A_270] : memref<250x80xi32, #tpu.memory_space<vmem>> -> memref<1x80xi32, #tpu.memory_space<vmem>>
        %dma_wait3A_272 = tpu.memref_squeeze %dma_wait3A_271 : memref<1x80xi32, #tpu.memory_space<vmem>> -> memref<80xi32, #tpu.memory_space<vmem>>
        %dma_wait3A_273 = arith.constant 0 : i32
        %dma_wait3A_274 = arith.constant 0 : i32
        %dma_wait3A_275 = tpu.memref_slice %arg14[%dma_wait3A_273, %dma_wait3A_274] : memref<10240x64xf32, #tpu.memory_space<vmem_shared>> -> memref<10240x64xf32, #tpu.memory_space<vmem_shared>>
        tpu.wait_indirect_dma semaphore(%arg23 : memref<!tpu.dma_semaphore, #tpu.memory_space<semaphore_mem>>) src(%arg11 : memref<80x64xf32, #tpu.memory_space<vmem>>) dst(%dma_wait3A_275 : memref<10240x64xf32, #tpu.memory_space<vmem_shared>>)
      } else {
      }
      %add3A_178 = arith.constant 2 : i32
      %add3A_179 = arith.addi %add3A_160, %add3A_178 : i32
      %lt3A_180 = arith.constant 250 : i32
      %lt3A_181 = arith.cmpi slt, %add3A_179, %lt3A_180 : i32
      %convert_element_type3A_182 = arith.extui %lt3A_181 : i1 to i32
      %cond3A_183 = arith.constant 0 : i32
      %cond3A_184 = arith.cmpi ne, %convert_element_type3A_182, %cond3A_183 : i32
      scf.if %cond3A_184 {
        %add3A_269 = arith.constant 2 : i32
        %add3A_270 = arith.addi %add3A_160, %add3A_269 : i32
        %dma_start3A_271 = arith.constant 0 : i32
        %dma_start3A_272 = tpu.memref_slice %arg6[%add3A_270, %dma_start3A_271] : memref<250x80xi32, #tpu.memory_space<vmem>> -> memref<1x80xi32, #tpu.memory_space<vmem>>
        %dma_start3A_273 = tpu.memref_squeeze %dma_start3A_272 : memref<1x80xi32, #tpu.memory_space<vmem>> -> memref<80xi32, #tpu.memory_space<vmem>>
        %dma_start3A_274 = arith.constant 0 : i32
        %dma_start3A_275 = arith.constant 0 : i32
        %dma_start3A_276 = tpu.memref_slice %arg2[%dma_start3A_274, %dma_start3A_275] : memref<20000x64xf32, #tpu.memory_space<hbm>> -> memref<20000x64xf32, #tpu.memory_space<hbm>>
        tpu.enqueue_indirect_dma source(%dma_start3A_276 : memref<20000x64xf32, #tpu.memory_space<hbm>>) target(%arg11 : memref<80x64xf32, #tpu.memory_space<vmem>>) offsets(%dma_start3A_273 : memref<80xi32, #tpu.memory_space<vmem>>) semaphore(%arg18 : memref<!tpu.dma_semaphore, #tpu.memory_space<semaphore_mem>>)
      } else {
      }
      %mul3A_185 = arith.constant 5 : i32
      %mul3A_186 = arith.muli %scan3A_132, %mul3A_185 : i32
      %add3A_187 = arith.constant 2 : i32
      %add3A_188 = arith.addi %mul3A_186, %add3A_187 : i32
      %dma_wait3A_189 = arith.constant 0 : i32
      %dma_wait3A_190 = tpu.memref_slice %arg6[%add3A_188, %dma_wait3A_189] : memref<250x80xi32, #tpu.memory_space<vmem>> -> memref<1x80xi32, #tpu.memory_space<vmem>>
      %dma_wait3A_191 = tpu.memref_squeeze %dma_wait3A_190 : memref<1x80xi32, #tpu.memory_space<vmem>> -> memref<80xi32, #tpu.memory_space<vmem>>
      %dma_wait3A_192 = arith.constant 0 : i32
      %dma_wait3A_193 = arith.constant 0 : i32
      %dma_wait3A_194 = tpu.memref_slice %arg2[%dma_wait3A_192, %dma_wait3A_193] : memref<20000x64xf32, #tpu.memory_space<hbm>> -> memref<20000x64xf32, #tpu.memory_space<hbm>>
      tpu.wait_indirect_dma semaphore(%arg17 : memref<!tpu.dma_semaphore, #tpu.memory_space<semaphore_mem>>) src(%dma_wait3A_194 : memref<20000x64xf32, #tpu.memory_space<hbm>>) dst(%arg10 : memref<80x64xf32, #tpu.memory_space<vmem>>)
      %dma_start3A_195 = arith.constant 0 : i32
      %dma_start3A_196 = tpu.memref_slice %arg7[%add3A_188, %dma_start3A_195] : memref<250x80xi32, #tpu.memory_space<vmem>> -> memref<1x80xi32, #tpu.memory_space<vmem>>
      %dma_start3A_197 = tpu.memref_squeeze %dma_start3A_196 : memref<1x80xi32, #tpu.memory_space<vmem>> -> memref<80xi32, #tpu.memory_space<vmem>>
      %dma_start3A_198 = arith.constant 0 : i32
      %dma_start3A_199 = arith.constant 0 : i32
      %dma_start3A_200 = tpu.memref_slice %arg14[%dma_start3A_198, %dma_start3A_199] : memref<10240x64xf32, #tpu.memory_space<vmem_shared>> -> memref<10240x64xf32, #tpu.memory_space<vmem_shared>>
      tpu.enqueue_indirect_dma source(%arg10 : memref<80x64xf32, #tpu.memory_space<vmem>>) target(%dma_start3A_200 : memref<10240x64xf32, #tpu.memory_space<vmem_shared>>) offsets(%dma_start3A_197 : memref<80xi32, #tpu.memory_space<vmem>>) semaphore(%arg22 : memref<!tpu.dma_semaphore, #tpu.memory_space<semaphore_mem>>) {add = true}
      %ge3A_201 = arith.constant 3 : i32
      %ge3A_202 = arith.cmpi sge, %add3A_188, %ge3A_201 : i32
      %convert_element_type3A_203 = arith.extui %ge3A_202 : i1 to i32
      %cond3A_204 = arith.constant 0 : i32
      %cond3A_205 = arith.cmpi ne, %convert_element_type3A_203, %cond3A_204 : i32
      scf.if %cond3A_205 {
        %sub3A = arith.constant 3 : i32
        %sub3A_269 = arith.subi %add3A_188, %sub3A : i32
        %dma_wait3A_270 = arith.constant 0 : i32
        %dma_wait3A_271 = tpu.memref_slice %arg7[%sub3A_269, %dma_wait3A_270] : memref<250x80xi32, #tpu.memory_space<vmem>> -> memref<1x80xi32, #tpu.memory_space<vmem>>
        %dma_wait3A_272 = tpu.memref_squeeze %dma_wait3A_271 : memref<1x80xi32, #tpu.memory_space<vmem>> -> memref<80xi32, #tpu.memory_space<vmem>>
        %dma_wait3A_273 = arith.constant 0 : i32
        %dma_wait3A_274 = arith.constant 0 : i32
        %dma_wait3A_275 = tpu.memref_slice %arg14[%dma_wait3A_273, %dma_wait3A_274] : memref<10240x64xf32, #tpu.memory_space<vmem_shared>> -> memref<10240x64xf32, #tpu.memory_space<vmem_shared>>
        tpu.wait_indirect_dma semaphore(%arg24 : memref<!tpu.dma_semaphore, #tpu.memory_space<semaphore_mem>>) src(%arg12 : memref<80x64xf32, #tpu.memory_space<vmem>>) dst(%dma_wait3A_275 : memref<10240x64xf32, #tpu.memory_space<vmem_shared>>)
      } else {
      }
      %add3A_206 = arith.constant 2 : i32
      %add3A_207 = arith.addi %add3A_188, %add3A_206 : i32
      %lt3A_208 = arith.constant 250 : i32
      %lt3A_209 = arith.cmpi slt, %add3A_207, %lt3A_208 : i32
      %convert_element_type3A_210 = arith.extui %lt3A_209 : i1 to i32
      %cond3A_211 = arith.constant 0 : i32
      %cond3A_212 = arith.cmpi ne, %convert_element_type3A_210, %cond3A_211 : i32
      scf.if %cond3A_212 {
        %add3A_269 = arith.constant 2 : i32
        %add3A_270 = arith.addi %add3A_188, %add3A_269 : i32
        %dma_start3A_271 = arith.constant 0 : i32
        %dma_start3A_272 = tpu.memref_slice %arg6[%add3A_270, %dma_start3A_271] : memref<250x80xi32, #tpu.memory_space<vmem>> -> memref<1x80xi32, #tpu.memory_space<vmem>>
        %dma_start3A_273 = tpu.memref_squeeze %dma_start3A_272 : memref<1x80xi32, #tpu.memory_space<vmem>> -> memref<80xi32, #tpu.memory_space<vmem>>
        %dma_start3A_274 = arith.constant 0 : i32
        %dma_start3A_275 = arith.constant 0 : i32
        %dma_start3A_276 = tpu.memref_slice %arg2[%dma_start3A_274, %dma_start3A_275] : memref<20000x64xf32, #tpu.memory_space<hbm>> -> memref<20000x64xf32, #tpu.memory_space<hbm>>
        tpu.enqueue_indirect_dma source(%dma_start3A_276 : memref<20000x64xf32, #tpu.memory_space<hbm>>) target(%arg12 : memref<80x64xf32, #tpu.memory_space<vmem>>) offsets(%dma_start3A_273 : memref<80xi32, #tpu.memory_space<vmem>>) semaphore(%arg19 : memref<!tpu.dma_semaphore, #tpu.memory_space<semaphore_mem>>)
      } else {
      }
      %mul3A_213 = arith.constant 5 : i32
      %mul3A_214 = arith.muli %scan3A_132, %mul3A_213 : i32
      %add3A_215 = arith.constant 3 : i32
      %add3A_216 = arith.addi %mul3A_214, %add3A_215 : i32
      %dma_wait3A_217 = arith.constant 0 : i32
      %dma_wait3A_218 = tpu.memref_slice %arg6[%add3A_216, %dma_wait3A_217] : memref<250x80xi32, #tpu.memory_space<vmem>> -> memref<1x80xi32, #tpu.memory_space<vmem>>
      %dma_wait3A_219 = tpu.memref_squeeze %dma_wait3A_218 : memref<1x80xi32, #tpu.memory_space<vmem>> -> memref<80xi32, #tpu.memory_space<vmem>>
      %dma_wait3A_220 = arith.constant 0 : i32
      %dma_wait3A_221 = arith.constant 0 : i32
      %dma_wait3A_222 = tpu.memref_slice %arg2[%dma_wait3A_220, %dma_wait3A_221] : memref<20000x64xf32, #tpu.memory_space<hbm>> -> memref<20000x64xf32, #tpu.memory_space<hbm>>
      tpu.wait_indirect_dma semaphore(%arg18 : memref<!tpu.dma_semaphore, #tpu.memory_space<semaphore_mem>>) src(%dma_wait3A_222 : memref<20000x64xf32, #tpu.memory_space<hbm>>) dst(%arg11 : memref<80x64xf32, #tpu.memory_space<vmem>>)
      %dma_start3A_223 = arith.constant 0 : i32
      %dma_start3A_224 = tpu.memref_slice %arg7[%add3A_216, %dma_start3A_223] : memref<250x80xi32, #tpu.memory_space<vmem>> -> memref<1x80xi32, #tpu.memory_space<vmem>>
      %dma_start3A_225 = tpu.memref_squeeze %dma_start3A_224 : memref<1x80xi32, #tpu.memory_space<vmem>> -> memref<80xi32, #tpu.memory_space<vmem>>
      %dma_start3A_226 = arith.constant 0 : i32
      %dma_start3A_227 = arith.constant 0 : i32
      %dma_start3A_228 = tpu.memref_slice %arg14[%dma_start3A_226, %dma_start3A_227] : memref<10240x64xf32, #tpu.memory_space<vmem_shared>> -> memref<10240x64xf32, #tpu.memory_space<vmem_shared>>
      tpu.enqueue_indirect_dma source(%arg11 : memref<80x64xf32, #tpu.memory_space<vmem>>) target(%dma_start3A_228 : memref<10240x64xf32, #tpu.memory_space<vmem_shared>>) offsets(%dma_start3A_225 : memref<80xi32, #tpu.memory_space<vmem>>) semaphore(%arg23 : memref<!tpu.dma_semaphore, #tpu.memory_space<semaphore_mem>>) {add = true}
      %ge3A_229 = arith.constant 3 : i32
      %ge3A_230 = arith.cmpi sge, %add3A_216, %ge3A_229 : i32
      %convert_element_type3A_231 = arith.extui %ge3A_230 : i1 to i32
      %cond3A_232 = arith.constant 0 : i32
      %cond3A_233 = arith.cmpi ne, %convert_element_type3A_231, %cond3A_232 : i32
      scf.if %cond3A_233 {
        %sub3A = arith.constant 3 : i32
        %sub3A_269 = arith.subi %add3A_216, %sub3A : i32
        %dma_wait3A_270 = arith.constant 0 : i32
        %dma_wait3A_271 = tpu.memref_slice %arg7[%sub3A_269, %dma_wait3A_270] : memref<250x80xi32, #tpu.memory_space<vmem>> -> memref<1x80xi32, #tpu.memory_space<vmem>>
        %dma_wait3A_272 = tpu.memref_squeeze %dma_wait3A_271 : memref<1x80xi32, #tpu.memory_space<vmem>> -> memref<80xi32, #tpu.memory_space<vmem>>
        %dma_wait3A_273 = arith.constant 0 : i32
        %dma_wait3A_274 = arith.constant 0 : i32
        %dma_wait3A_275 = tpu.memref_slice %arg14[%dma_wait3A_273, %dma_wait3A_274] : memref<10240x64xf32, #tpu.memory_space<vmem_shared>> -> memref<10240x64xf32, #tpu.memory_space<vmem_shared>>
        tpu.wait_indirect_dma semaphore(%arg20 : memref<!tpu.dma_semaphore, #tpu.memory_space<semaphore_mem>>) src(%arg8 : memref<80x64xf32, #tpu.memory_space<vmem>>) dst(%dma_wait3A_275 : memref<10240x64xf32, #tpu.memory_space<vmem_shared>>)
      } else {
      }
      %add3A_234 = arith.constant 2 : i32
      %add3A_235 = arith.addi %add3A_216, %add3A_234 : i32
      %lt3A_236 = arith.constant 250 : i32
      %lt3A_237 = arith.cmpi slt, %add3A_235, %lt3A_236 : i32
      %convert_element_type3A_238 = arith.extui %lt3A_237 : i1 to i32
      %cond3A_239 = arith.constant 0 : i32
      %cond3A_240 = arith.cmpi ne, %convert_element_type3A_238, %cond3A_239 : i32
      scf.if %cond3A_240 {
        %add3A_269 = arith.constant 2 : i32
        %add3A_270 = arith.addi %add3A_216, %add3A_269 : i32
        %dma_start3A_271 = arith.constant 0 : i32
        %dma_start3A_272 = tpu.memref_slice %arg6[%add3A_270, %dma_start3A_271] : memref<250x80xi32, #tpu.memory_space<vmem>> -> memref<1x80xi32, #tpu.memory_space<vmem>>
        %dma_start3A_273 = tpu.memref_squeeze %dma_start3A_272 : memref<1x80xi32, #tpu.memory_space<vmem>> -> memref<80xi32, #tpu.memory_space<vmem>>
        %dma_start3A_274 = arith.constant 0 : i32
        %dma_start3A_275 = arith.constant 0 : i32
        %dma_start3A_276 = tpu.memref_slice %arg2[%dma_start3A_274, %dma_start3A_275] : memref<20000x64xf32, #tpu.memory_space<hbm>> -> memref<20000x64xf32, #tpu.memory_space<hbm>>
        tpu.enqueue_indirect_dma source(%dma_start3A_276 : memref<20000x64xf32, #tpu.memory_space<hbm>>) target(%arg8 : memref<80x64xf32, #tpu.memory_space<vmem>>) offsets(%dma_start3A_273 : memref<80xi32, #tpu.memory_space<vmem>>) semaphore(%arg15 : memref<!tpu.dma_semaphore, #tpu.memory_space<semaphore_mem>>)
      } else {
      }
      %mul3A_241 = arith.constant 5 : i32
      %mul3A_242 = arith.muli %scan3A_132, %mul3A_241 : i32
      %add3A_243 = arith.constant 4 : i32
      %add3A_244 = arith.addi %mul3A_242, %add3A_243 : i32
      %dma_wait3A_245 = arith.constant 0 : i32
      %dma_wait3A_246 = tpu.memref_slice %arg6[%add3A_244, %dma_wait3A_245] : memref<250x80xi32, #tpu.memory_space<vmem>> -> memref<1x80xi32, #tpu.memory_space<vmem>>
      %dma_wait3A_247 = tpu.memref_squeeze %dma_wait3A_246 : memref<1x80xi32, #tpu.memory_space<vmem>> -> memref<80xi32, #tpu.memory_space<vmem>>
      %dma_wait3A_248 = arith.constant 0 : i32
      %dma_wait3A_249 = arith.constant 0 : i32
      %dma_wait3A_250 = tpu.memref_slice %arg2[%dma_wait3A_248, %dma_wait3A_249] : memref<20000x64xf32, #tpu.memory_space<hbm>> -> memref<20000x64xf32, #tpu.memory_space<hbm>>
      tpu.wait_indirect_dma semaphore(%arg19 : memref<!tpu.dma_semaphore, #tpu.memory_space<semaphore_mem>>) src(%dma_wait3A_250 : memref<20000x64xf32, #tpu.memory_space<hbm>>) dst(%arg12 : memref<80x64xf32, #tpu.memory_space<vmem>>)
      %dma_start3A_251 = arith.constant 0 : i32
      %dma_start3A_252 = tpu.memref_slice %arg7[%add3A_244, %dma_start3A_251] : memref<250x80xi32, #tpu.memory_space<vmem>> -> memref<1x80xi32, #tpu.memory_space<vmem>>
      %dma_start3A_253 = tpu.memref_squeeze %dma_start3A_252 : memref<1x80xi32, #tpu.memory_space<vmem>> -> memref<80xi32, #tpu.memory_space<vmem>>
      %dma_start3A_254 = arith.constant 0 : i32
      %dma_start3A_255 = arith.constant 0 : i32
      %dma_start3A_256 = tpu.memref_slice %arg14[%dma_start3A_254, %dma_start3A_255] : memref<10240x64xf32, #tpu.memory_space<vmem_shared>> -> memref<10240x64xf32, #tpu.memory_space<vmem_shared>>
      tpu.enqueue_indirect_dma source(%arg12 : memref<80x64xf32, #tpu.memory_space<vmem>>) target(%dma_start3A_256 : memref<10240x64xf32, #tpu.memory_space<vmem_shared>>) offsets(%dma_start3A_253 : memref<80xi32, #tpu.memory_space<vmem>>) semaphore(%arg24 : memref<!tpu.dma_semaphore, #tpu.memory_space<semaphore_mem>>) {add = true}
      %ge3A_257 = arith.constant 3 : i32
      %ge3A_258 = arith.cmpi sge, %add3A_244, %ge3A_257 : i32
      %convert_element_type3A_259 = arith.extui %ge3A_258 : i1 to i32
      %cond3A_260 = arith.constant 0 : i32
      %cond3A_261 = arith.cmpi ne, %convert_element_type3A_259, %cond3A_260 : i32
      scf.if %cond3A_261 {
        %sub3A = arith.constant 3 : i32
        %sub3A_269 = arith.subi %add3A_244, %sub3A : i32
        %dma_wait3A_270 = arith.constant 0 : i32
        %dma_wait3A_271 = tpu.memref_slice %arg7[%sub3A_269, %dma_wait3A_270] : memref<250x80xi32, #tpu.memory_space<vmem>> -> memref<1x80xi32, #tpu.memory_space<vmem>>
        %dma_wait3A_272 = tpu.memref_squeeze %dma_wait3A_271 : memref<1x80xi32, #tpu.memory_space<vmem>> -> memref<80xi32, #tpu.memory_space<vmem>>
        %dma_wait3A_273 = arith.constant 0 : i32
        %dma_wait3A_274 = arith.constant 0 : i32
        %dma_wait3A_275 = tpu.memref_slice %arg14[%dma_wait3A_273, %dma_wait3A_274] : memref<10240x64xf32, #tpu.memory_space<vmem_shared>> -> memref<10240x64xf32, #tpu.memory_space<vmem_shared>>
        tpu.wait_indirect_dma semaphore(%arg21 : memref<!tpu.dma_semaphore, #tpu.memory_space<semaphore_mem>>) src(%arg9 : memref<80x64xf32, #tpu.memory_space<vmem>>) dst(%dma_wait3A_275 : memref<10240x64xf32, #tpu.memory_space<vmem_shared>>)
      } else {
      }
      %add3A_262 = arith.constant 2 : i32
      %add3A_263 = arith.addi %add3A_244, %add3A_262 : i32
      %lt3A_264 = arith.constant 250 : i32
      %lt3A_265 = arith.cmpi slt, %add3A_263, %lt3A_264 : i32
      %convert_element_type3A_266 = arith.extui %lt3A_265 : i1 to i32
      %cond3A_267 = arith.constant 0 : i32
      %cond3A_268 = arith.cmpi ne, %convert_element_type3A_266, %cond3A_267 : i32
      scf.if %cond3A_268 {
        %add3A_269 = arith.constant 2 : i32
        %add3A_270 = arith.addi %add3A_244, %add3A_269 : i32
        %dma_start3A_271 = arith.constant 0 : i32
        %dma_start3A_272 = tpu.memref_slice %arg6[%add3A_270, %dma_start3A_271] : memref<250x80xi32, #tpu.memory_space<vmem>> -> memref<1x80xi32, #tpu.memory_space<vmem>>
        %dma_start3A_273 = tpu.memref_squeeze %dma_start3A_272 : memref<1x80xi32, #tpu.memory_space<vmem>> -> memref<80xi32, #tpu.memory_space<vmem>>
        %dma_start3A_274 = arith.constant 0 : i32
        %dma_start3A_275 = arith.constant 0 : i32
        %dma_start3A_276 = tpu.memref_slice %arg2[%dma_start3A_274, %dma_start3A_275] : memref<20000x64xf32, #tpu.memory_space<hbm>> -> memref<20000x64xf32, #tpu.memory_space<hbm>>
        tpu.enqueue_indirect_dma source(%dma_start3A_276 : memref<20000x64xf32, #tpu.memory_space<hbm>>) target(%arg9 : memref<80x64xf32, #tpu.memory_space<vmem>>) offsets(%dma_start3A_273 : memref<80xi32, #tpu.memory_space<vmem>>) semaphore(%arg16 : memref<!tpu.dma_semaphore, #tpu.memory_space<semaphore_mem>>)
      } else {
      }
    }
    %scan3A_55 = arith.constant 50 : i32
    %dma_wait3A = arith.constant 247 : i32
    %dma_wait3A_56 = arith.constant 0 : i32
    %dma_wait3A_57 = tpu.memref_slice %arg7[%dma_wait3A, %dma_wait3A_56] : memref<250x80xi32, #tpu.memory_space<vmem>> -> memref<1x80xi32, #tpu.memory_space<vmem>>
    %dma_wait3A_58 = tpu.memref_squeeze %dma_wait3A_57 : memref<1x80xi32, #tpu.memory_space<vmem>> -> memref<80xi32, #tpu.memory_space<vmem>>
    %dma_wait3A_59 = arith.constant 0 : i32
    %dma_wait3A_60 = arith.constant 0 : i32
    %dma_wait3A_61 = tpu.memref_slice %arg14[%dma_wait3A_59, %dma_wait3A_60] : memref<10240x64xf32, #tpu.memory_space<vmem_shared>> -> memref<10240x64xf32, #tpu.memory_space<vmem_shared>>
    tpu.wait_indirect_dma semaphore(%arg22 : memref<!tpu.dma_semaphore, #tpu.memory_space<semaphore_mem>>) src(%arg10 : memref<80x64xf32, #tpu.memory_space<vmem>>) dst(%dma_wait3A_61 : memref<10240x64xf32, #tpu.memory_space<vmem_shared>>)
    %dma_wait3A_62 = arith.constant 248 : i32
    %dma_wait3A_63 = arith.constant 0 : i32
    %dma_wait3A_64 = tpu.memref_slice %arg7[%dma_wait3A_62, %dma_wait3A_63] : memref<250x80xi32, #tpu.memory_space<vmem>> -> memref<1x80xi32, #tpu.memory_space<vmem>>
    %dma_wait3A_65 = tpu.memref_squeeze %dma_wait3A_64 : memref<1x80xi32, #tpu.memory_space<vmem>> -> memref<80xi32, #tpu.memory_space<vmem>>
    %dma_wait3A_66 = arith.constant 0 : i32
    %dma_wait3A_67 = arith.constant 0 : i32
    %dma_wait3A_68 = tpu.memref_slice %arg14[%dma_wait3A_66, %dma_wait3A_67] : memref<10240x64xf32, #tpu.memory_space<vmem_shared>> -> memref<10240x64xf32, #tpu.memory_space<vmem_shared>>
    tpu.wait_indirect_dma semaphore(%arg23 : memref<!tpu.dma_semaphore, #tpu.memory_space<semaphore_mem>>) src(%arg11 : memref<80x64xf32, #tpu.memory_space<vmem>>) dst(%dma_wait3A_68 : memref<10240x64xf32, #tpu.memory_space<vmem_shared>>)
    %dma_wait3A_69 = arith.constant 249 : i32
    %dma_wait3A_70 = arith.constant 0 : i32
    %dma_wait3A_71 = tpu.memref_slice %arg7[%dma_wait3A_69, %dma_wait3A_70] : memref<250x80xi32, #tpu.memory_space<vmem>> -> memref<1x80xi32, #tpu.memory_space<vmem>>
    %dma_wait3A_72 = tpu.memref_squeeze %dma_wait3A_71 : memref<1x80xi32, #tpu.memory_space<vmem>> -> memref<80xi32, #tpu.memory_space<vmem>>
    %dma_wait3A_73 = arith.constant 0 : i32
    %dma_wait3A_74 = arith.constant 0 : i32
    %dma_wait3A_75 = tpu.memref_slice %arg14[%dma_wait3A_73, %dma_wait3A_74] : memref<10240x64xf32, #tpu.memory_space<vmem_shared>> -> memref<10240x64xf32, #tpu.memory_space<vmem_shared>>
    tpu.wait_indirect_dma semaphore(%arg24 : memref<!tpu.dma_semaphore, #tpu.memory_space<semaphore_mem>>) src(%arg12 : memref<80x64xf32, #tpu.memory_space<vmem>>) dst(%dma_wait3A_75 : memref<10240x64xf32, #tpu.memory_space<vmem_shared>>)
    %barrier3A_76 = arith.constant 0 : index
    tpu.barrier barrier_id(%barrier3A_76)
    %mul3A_77 = arith.constant 640 : i32
    %mul3A_78 = arith.muli %arg1, %mul3A_77 : i32
    %add3A_79 = arith.constant 0 : i32
    %add3A_80 = arith.addi %mul3A_78, %add3A_79 : i32
    "tpu.region"() ({
      %run_scoped3A = tpu.sem_alloc : memref<!tpu.dma_semaphore, #tpu.memory_space<semaphore_mem>>
      %dma_start3A_132 = arith.constant 0 : i32
      %dma_start3A_133 = tpu.memref_slice %arg14[%add3A_80, %dma_start3A_132] : memref<10240x64xf32, #tpu.memory_space<vmem_shared>> -> memref<128x64xf32, #tpu.memory_space<vmem_shared>>
      %dma_start3A_134 = arith.constant 0 : i32
      %dma_start3A_135 = tpu.memref_slice %arg14[%add3A_80, %dma_start3A_134] : memref<10240x64xf32, #tpu.memory_space<vmem_shared>> -> memref<128x64xf32, #tpu.memory_space<vmem_shared>>
      tpu.enqueue_dma source(%dma_start3A_135 : memref<128x64xf32, #tpu.memory_space<vmem_shared>>) target(%arg13 : memref<128x64xf32, #tpu.memory_space<vmem>>) target_semaphore(%run_scoped3A : memref<!tpu.dma_semaphore, #tpu.memory_space<semaphore_mem>>)
      %dma_wait3A_136 = arith.constant 0 : i32
      %dma_wait3A_137 = tpu.memref_slice %arg14[%add3A_80, %dma_wait3A_136] : memref<10240x64xf32, #tpu.memory_space<vmem_shared>> -> memref<128x64xf32, #tpu.memory_space<vmem_shared>>
      %dma_wait3A_138 = arith.constant 0 : i32
      %dma_wait3A_139 = tpu.memref_slice %arg14[%add3A_80, %dma_wait3A_138] : memref<10240x64xf32, #tpu.memory_space<vmem_shared>> -> memref<128x64xf32, #tpu.memory_space<vmem_shared>>
      tpu.wait_dma2 semaphore(%run_scoped3A : memref<!tpu.dma_semaphore, #tpu.memory_space<semaphore_mem>>) src(%dma_wait3A_139 : memref<128x64xf32, #tpu.memory_space<vmem_shared>>) dst(%arg13 : memref<128x64xf32, #tpu.memory_space<vmem>>)
      tpu.yield
    }) : () -> ()
    %mul3A_81 = arith.constant 10240 : i32
    %mul3A_82 = arith.muli %arg0, %mul3A_81 : i32
    %mul3A_83 = arith.constant 640 : i32
    %mul3A_84 = arith.muli %arg1, %mul3A_83 : i32
    %add3A_85 = arith.addi %mul3A_82, %mul3A_84 : i32
    %add3A_86 = arith.constant 0 : i32
    %add3A_87 = arith.addi %add3A_85, %add3A_86 : i32
    "tpu.region"() ({
      %run_scoped3A = tpu.sem_alloc : memref<!tpu.dma_semaphore, #tpu.memory_space<semaphore_mem>>
      %dma_start3A_132 = arith.constant 0 : i32
      %dma_start3A_133 = tpu.memref_slice %arg5[%add3A_87, %dma_start3A_132] : memref<20480x64xf32, #tpu.memory_space<hbm>> -> memref<128x64xf32, #tpu.memory_space<hbm>>
      %dma_start3A_134 = arith.constant 0 : i32
      %dma_start3A_135 = tpu.memref_slice %arg5[%add3A_87, %dma_start3A_134] : memref<20480x64xf32, #tpu.memory_space<hbm>> -> memref<128x64xf32, #tpu.memory_space<hbm>>
      tpu.enqueue_dma source(%arg13 : memref<128x64xf32, #tpu.memory_space<vmem>>) target(%dma_start3A_135 : memref<128x64xf32, #tpu.memory_space<hbm>>) target_semaphore(%run_scoped3A : memref<!tpu.dma_semaphore, #tpu.memory_space<semaphore_mem>>)
      %dma_wait3A_136 = arith.constant 0 : i32
      %dma_wait3A_137 = tpu.memref_slice %arg5[%add3A_87, %dma_wait3A_136] : memref<20480x64xf32, #tpu.memory_space<hbm>> -> memref<128x64xf32, #tpu.memory_space<hbm>>
      %dma_wait3A_138 = arith.constant 0 : i32
      %dma_wait3A_139 = tpu.memref_slice %arg5[%add3A_87, %dma_wait3A_138] : memref<20480x64xf32, #tpu.memory_space<hbm>> -> memref<128x64xf32, #tpu.memory_space<hbm>>
      tpu.wait_dma2 semaphore(%run_scoped3A : memref<!tpu.dma_semaphore, #tpu.memory_space<semaphore_mem>>) src(%arg13 : memref<128x64xf32, #tpu.memory_space<vmem>>) dst(%dma_wait3A_139 : memref<128x64xf32, #tpu.memory_space<hbm>>)
      tpu.yield
    }) : () -> ()
    %mul3A_88 = arith.constant 640 : i32
    %mul3A_89 = arith.muli %arg1, %mul3A_88 : i32
    %add3A_90 = arith.constant 128 : i32
    %add3A_91 = arith.addi %mul3A_89, %add3A_90 : i32
    "tpu.region"() ({
      %run_scoped3A = tpu.sem_alloc : memref<!tpu.dma_semaphore, #tpu.memory_space<semaphore_mem>>
      %dma_start3A_132 = arith.constant 0 : i32
      %dma_start3A_133 = tpu.memref_slice %arg14[%add3A_91, %dma_start3A_132] : memref<10240x64xf32, #tpu.memory_space<vmem_shared>> -> memref<128x64xf32, #tpu.memory_space<vmem_shared>>
      %dma_start3A_134 = arith.constant 0 : i32
      %dma_start3A_135 = tpu.memref_slice %arg14[%add3A_91, %dma_start3A_134] : memref<10240x64xf32, #tpu.memory_space<vmem_shared>> -> memref<128x64xf32, #tpu.memory_space<vmem_shared>>
      tpu.enqueue_dma source(%dma_start3A_135 : memref<128x64xf32, #tpu.memory_space<vmem_shared>>) target(%arg13 : memref<128x64xf32, #tpu.memory_space<vmem>>) target_semaphore(%run_scoped3A : memref<!tpu.dma_semaphore, #tpu.memory_space<semaphore_mem>>)
      %dma_wait3A_136 = arith.constant 0 : i32
      %dma_wait3A_137 = tpu.memref_slice %arg14[%add3A_91, %dma_wait3A_136] : memref<10240x64xf32, #tpu.memory_space<vmem_shared>> -> memref<128x64xf32, #tpu.memory_space<vmem_shared>>
      %dma_wait3A_138 = arith.constant 0 : i32
      %dma_wait3A_139 = tpu.memref_slice %arg14[%add3A_91, %dma_wait3A_138] : memref<10240x64xf32, #tpu.memory_space<vmem_shared>> -> memref<128x64xf32, #tpu.memory_space<vmem_shared>>
      tpu.wait_dma2 semaphore(%run_scoped3A : memref<!tpu.dma_semaphore, #tpu.memory_space<semaphore_mem>>) src(%dma_wait3A_139 : memref<128x64xf32, #tpu.memory_space<vmem_shared>>) dst(%arg13 : memref<128x64xf32, #tpu.memory_space<vmem>>)
      tpu.yield
    }) : () -> ()
    %mul3A_92 = arith.constant 10240 : i32
    %mul3A_93 = arith.muli %arg0, %mul3A_92 : i32
    %mul3A_94 = arith.constant 640 : i32
    %mul3A_95 = arith.muli %arg1, %mul3A_94 : i32
    %add3A_96 = arith.addi %mul3A_93, %mul3A_95 : i32
    %add3A_97 = arith.constant 128 : i32
    %add3A_98 = arith.addi %add3A_96, %add3A_97 : i32
    "tpu.region"() ({
      %run_scoped3A = tpu.sem_alloc : memref<!tpu.dma_semaphore, #tpu.memory_space<semaphore_mem>>
      %dma_start3A_132 = arith.constant 0 : i32
      %dma_start3A_133 = tpu.memref_slice %arg5[%add3A_98, %dma_start3A_132] : memref<20480x64xf32, #tpu.memory_space<hbm>> -> memref<128x64xf32, #tpu.memory_space<hbm>>
      %dma_start3A_134 = arith.constant 0 : i32
      %dma_start3A_135 = tpu.memref_slice %arg5[%add3A_98, %dma_start3A_134] : memref<20480x64xf32, #tpu.memory_space<hbm>> -> memref<128x64xf32, #tpu.memory_space<hbm>>
      tpu.enqueue_dma source(%arg13 : memref<128x64xf32, #tpu.memory_space<vmem>>) target(%dma_start3A_135 : memref<128x64xf32, #tpu.memory_space<hbm>>) target_semaphore(%run_scoped3A : memref<!tpu.dma_semaphore, #tpu.memory_space<semaphore_mem>>)
      %dma_wait3A_136 = arith.constant 0 : i32
      %dma_wait3A_137 = tpu.memref_slice %arg5[%add3A_98, %dma_wait3A_136] : memref<20480x64xf32, #tpu.memory_space<hbm>> -> memref<128x64xf32, #tpu.memory_space<hbm>>
      %dma_wait3A_138 = arith.constant 0 : i32
      %dma_wait3A_139 = tpu.memref_slice %arg5[%add3A_98, %dma_wait3A_138] : memref<20480x64xf32, #tpu.memory_space<hbm>> -> memref<128x64xf32, #tpu.memory_space<hbm>>
      tpu.wait_dma2 semaphore(%run_scoped3A : memref<!tpu.dma_semaphore, #tpu.memory_space<semaphore_mem>>) src(%arg13 : memref<128x64xf32, #tpu.memory_space<vmem>>) dst(%dma_wait3A_139 : memref<128x64xf32, #tpu.memory_space<hbm>>)
      tpu.yield
    }) : () -> ()
    %mul3A_99 = arith.constant 640 : i32
    %mul3A_100 = arith.muli %arg1, %mul3A_99 : i32
    %add3A_101 = arith.constant 256 : i32
    %add3A_102 = arith.addi %mul3A_100, %add3A_101 : i32
    "tpu.region"() ({
      %run_scoped3A = tpu.sem_alloc : memref<!tpu.dma_semaphore, #tpu.memory_space<semaphore_mem>>
      %dma_start3A_132 = arith.constant 0 : i32
      %dma_start3A_133 = tpu.memref_slice %arg14[%add3A_102, %dma_start3A_132] : memref<10240x64xf32, #tpu.memory_space<vmem_shared>> -> memref<128x64xf32, #tpu.memory_space<vmem_shared>>
      %dma_start3A_134 = arith.constant 0 : i32
      %dma_start3A_135 = tpu.memref_slice %arg14[%add3A_102, %dma_start3A_134] : memref<10240x64xf32, #tpu.memory_space<vmem_shared>> -> memref<128x64xf32, #tpu.memory_space<vmem_shared>>
      tpu.enqueue_dma source(%dma_start3A_135 : memref<128x64xf32, #tpu.memory_space<vmem_shared>>) target(%arg13 : memref<128x64xf32, #tpu.memory_space<vmem>>) target_semaphore(%run_scoped3A : memref<!tpu.dma_semaphore, #tpu.memory_space<semaphore_mem>>)
      %dma_wait3A_136 = arith.constant 0 : i32
      %dma_wait3A_137 = tpu.memref_slice %arg14[%add3A_102, %dma_wait3A_136] : memref<10240x64xf32, #tpu.memory_space<vmem_shared>> -> memref<128x64xf32, #tpu.memory_space<vmem_shared>>
      %dma_wait3A_138 = arith.constant 0 : i32
      %dma_wait3A_139 = tpu.memref_slice %arg14[%add3A_102, %dma_wait3A_138] : memref<10240x64xf32, #tpu.memory_space<vmem_shared>> -> memref<128x64xf32, #tpu.memory_space<vmem_shared>>
      tpu.wait_dma2 semaphore(%run_scoped3A : memref<!tpu.dma_semaphore, #tpu.memory_space<semaphore_mem>>) src(%dma_wait3A_139 : memref<128x64xf32, #tpu.memory_space<vmem_shared>>) dst(%arg13 : memref<128x64xf32, #tpu.memory_space<vmem>>)
      tpu.yield
    }) : () -> ()
    %mul3A_103 = arith.constant 10240 : i32
    %mul3A_104 = arith.muli %arg0, %mul3A_103 : i32
    %mul3A_105 = arith.constant 640 : i32
    %mul3A_106 = arith.muli %arg1, %mul3A_105 : i32
    %add3A_107 = arith.addi %mul3A_104, %mul3A_106 : i32
    %add3A_108 = arith.constant 256 : i32
    %add3A_109 = arith.addi %add3A_107, %add3A_108 : i32
    "tpu.region"() ({
      %run_scoped3A = tpu.sem_alloc : memref<!tpu.dma_semaphore, #tpu.memory_space<semaphore_mem>>
      %dma_start3A_132 = arith.constant 0 : i32
      %dma_start3A_133 = tpu.memref_slice %arg5[%add3A_109, %dma_start3A_132] : memref<20480x64xf32, #tpu.memory_space<hbm>> -> memref<128x64xf32, #tpu.memory_space<hbm>>
      %dma_start3A_134 = arith.constant 0 : i32
      %dma_start3A_135 = tpu.memref_slice %arg5[%add3A_109, %dma_start3A_134] : memref<20480x64xf32, #tpu.memory_space<hbm>> -> memref<128x64xf32, #tpu.memory_space<hbm>>
      tpu.enqueue_dma source(%arg13 : memref<128x64xf32, #tpu.memory_space<vmem>>) target(%dma_start3A_135 : memref<128x64xf32, #tpu.memory_space<hbm>>) target_semaphore(%run_scoped3A : memref<!tpu.dma_semaphore, #tpu.memory_space<semaphore_mem>>)
      %dma_wait3A_136 = arith.constant 0 : i32
      %dma_wait3A_137 = tpu.memref_slice %arg5[%add3A_109, %dma_wait3A_136] : memref<20480x64xf32, #tpu.memory_space<hbm>> -> memref<128x64xf32, #tpu.memory_space<hbm>>
      %dma_wait3A_138 = arith.constant 0 : i32
      %dma_wait3A_139 = tpu.memref_slice %arg5[%add3A_109, %dma_wait3A_138] : memref<20480x64xf32, #tpu.memory_space<hbm>> -> memref<128x64xf32, #tpu.memory_space<hbm>>
      tpu.wait_dma2 semaphore(%run_scoped3A : memref<!tpu.dma_semaphore, #tpu.memory_space<semaphore_mem>>) src(%arg13 : memref<128x64xf32, #tpu.memory_space<vmem>>) dst(%dma_wait3A_139 : memref<128x64xf32, #tpu.memory_space<hbm>>)
      tpu.yield
    }) : () -> ()
    %mul3A_110 = arith.constant 640 : i32
    %mul3A_111 = arith.muli %arg1, %mul3A_110 : i32
    %add3A_112 = arith.constant 384 : i32
    %add3A_113 = arith.addi %mul3A_111, %add3A_112 : i32
    "tpu.region"() ({
      %run_scoped3A = tpu.sem_alloc : memref<!tpu.dma_semaphore, #tpu.memory_space<semaphore_mem>>
      %dma_start3A_132 = arith.constant 0 : i32
      %dma_start3A_133 = tpu.memref_slice %arg14[%add3A_113, %dma_start3A_132] : memref<10240x64xf32, #tpu.memory_space<vmem_shared>> -> memref<128x64xf32, #tpu.memory_space<vmem_shared>>
      %dma_start3A_134 = arith.constant 0 : i32
      %dma_start3A_135 = tpu.memref_slice %arg14[%add3A_113, %dma_start3A_134] : memref<10240x64xf32, #tpu.memory_space<vmem_shared>> -> memref<128x64xf32, #tpu.memory_space<vmem_shared>>
      tpu.enqueue_dma source(%dma_start3A_135 : memref<128x64xf32, #tpu.memory_space<vmem_shared>>) target(%arg13 : memref<128x64xf32, #tpu.memory_space<vmem>>) target_semaphore(%run_scoped3A : memref<!tpu.dma_semaphore, #tpu.memory_space<semaphore_mem>>)
      %dma_wait3A_136 = arith.constant 0 : i32
      %dma_wait3A_137 = tpu.memref_slice %arg14[%add3A_113, %dma_wait3A_136] : memref<10240x64xf32, #tpu.memory_space<vmem_shared>> -> memref<128x64xf32, #tpu.memory_space<vmem_shared>>
      %dma_wait3A_138 = arith.constant 0 : i32
      %dma_wait3A_139 = tpu.memref_slice %arg14[%add3A_113, %dma_wait3A_138] : memref<10240x64xf32, #tpu.memory_space<vmem_shared>> -> memref<128x64xf32, #tpu.memory_space<vmem_shared>>
      tpu.wait_dma2 semaphore(%run_scoped3A : memref<!tpu.dma_semaphore, #tpu.memory_space<semaphore_mem>>) src(%dma_wait3A_139 : memref<128x64xf32, #tpu.memory_space<vmem_shared>>) dst(%arg13 : memref<128x64xf32, #tpu.memory_space<vmem>>)
      tpu.yield
    }) : () -> ()
    %mul3A_114 = arith.constant 10240 : i32
    %mul3A_115 = arith.muli %arg0, %mul3A_114 : i32
    %mul3A_116 = arith.constant 640 : i32
    %mul3A_117 = arith.muli %arg1, %mul3A_116 : i32
    %add3A_118 = arith.addi %mul3A_115, %mul3A_117 : i32
    %add3A_119 = arith.constant 384 : i32
    %add3A_120 = arith.addi %add3A_118, %add3A_119 : i32
    "tpu.region"() ({
      %run_scoped3A = tpu.sem_alloc : memref<!tpu.dma_semaphore, #tpu.memory_space<semaphore_mem>>
      %dma_start3A_132 = arith.constant 0 : i32
      %dma_start3A_133 = tpu.memref_slice %arg5[%add3A_120, %dma_start3A_132] : memref<20480x64xf32, #tpu.memory_space<hbm>> -> memref<128x64xf32, #tpu.memory_space<hbm>>
      %dma_start3A_134 = arith.constant 0 : i32
      %dma_start3A_135 = tpu.memref_slice %arg5[%add3A_120, %dma_start3A_134] : memref<20480x64xf32, #tpu.memory_space<hbm>> -> memref<128x64xf32, #tpu.memory_space<hbm>>
      tpu.enqueue_dma source(%arg13 : memref<128x64xf32, #tpu.memory_space<vmem>>) target(%dma_start3A_135 : memref<128x64xf32, #tpu.memory_space<hbm>>) target_semaphore(%run_scoped3A : memref<!tpu.dma_semaphore, #tpu.memory_space<semaphore_mem>>)
      %dma_wait3A_136 = arith.constant 0 : i32
      %dma_wait3A_137 = tpu.memref_slice %arg5[%add3A_120, %dma_wait3A_136] : memref<20480x64xf32, #tpu.memory_space<hbm>> -> memref<128x64xf32, #tpu.memory_space<hbm>>
      %dma_wait3A_138 = arith.constant 0 : i32
      %dma_wait3A_139 = tpu.memref_slice %arg5[%add3A_120, %dma_wait3A_138] : memref<20480x64xf32, #tpu.memory_space<hbm>> -> memref<128x64xf32, #tpu.memory_space<hbm>>
      tpu.wait_dma2 semaphore(%run_scoped3A : memref<!tpu.dma_semaphore, #tpu.memory_space<semaphore_mem>>) src(%arg13 : memref<128x64xf32, #tpu.memory_space<vmem>>) dst(%dma_wait3A_139 : memref<128x64xf32, #tpu.memory_space<hbm>>)
      tpu.yield
    }) : () -> ()
    %mul3A_121 = arith.constant 640 : i32
    %mul3A_122 = arith.muli %arg1, %mul3A_121 : i32
    %add3A_123 = arith.constant 512 : i32
    %add3A_124 = arith.addi %mul3A_122, %add3A_123 : i32
    "tpu.region"() ({
      %run_scoped3A = tpu.sem_alloc : memref<!tpu.dma_semaphore, #tpu.memory_space<semaphore_mem>>
      %dma_start3A_132 = arith.constant 0 : i32
      %dma_start3A_133 = tpu.memref_slice %arg14[%add3A_124, %dma_start3A_132] : memref<10240x64xf32, #tpu.memory_space<vmem_shared>> -> memref<128x64xf32, #tpu.memory_space<vmem_shared>>
      %dma_start3A_134 = arith.constant 0 : i32
      %dma_start3A_135 = tpu.memref_slice %arg14[%add3A_124, %dma_start3A_134] : memref<10240x64xf32, #tpu.memory_space<vmem_shared>> -> memref<128x64xf32, #tpu.memory_space<vmem_shared>>
      tpu.enqueue_dma source(%dma_start3A_135 : memref<128x64xf32, #tpu.memory_space<vmem_shared>>) target(%arg13 : memref<128x64xf32, #tpu.memory_space<vmem>>) target_semaphore(%run_scoped3A : memref<!tpu.dma_semaphore, #tpu.memory_space<semaphore_mem>>)
      %dma_wait3A_136 = arith.constant 0 : i32
      %dma_wait3A_137 = tpu.memref_slice %arg14[%add3A_124, %dma_wait3A_136] : memref<10240x64xf32, #tpu.memory_space<vmem_shared>> -> memref<128x64xf32, #tpu.memory_space<vmem_shared>>
      %dma_wait3A_138 = arith.constant 0 : i32
      %dma_wait3A_139 = tpu.memref_slice %arg14[%add3A_124, %dma_wait3A_138] : memref<10240x64xf32, #tpu.memory_space<vmem_shared>> -> memref<128x64xf32, #tpu.memory_space<vmem_shared>>
      tpu.wait_dma2 semaphore(%run_scoped3A : memref<!tpu.dma_semaphore, #tpu.memory_space<semaphore_mem>>) src(%dma_wait3A_139 : memref<128x64xf32, #tpu.memory_space<vmem_shared>>) dst(%arg13 : memref<128x64xf32, #tpu.memory_space<vmem>>)
      tpu.yield
    }) : () -> ()
    %mul3A_125 = arith.constant 10240 : i32
    %mul3A_126 = arith.muli %arg0, %mul3A_125 : i32
    %mul3A_127 = arith.constant 640 : i32
    %mul3A_128 = arith.muli %arg1, %mul3A_127 : i32
    %add3A_129 = arith.addi %mul3A_126, %mul3A_128 : i32
    %add3A_130 = arith.constant 512 : i32
    %add3A_131 = arith.addi %add3A_129, %add3A_130 : i32
    "tpu.region"() ({
      %run_scoped3A = tpu.sem_alloc : memref<!tpu.dma_semaphore, #tpu.memory_space<semaphore_mem>>
      %dma_start3A_132 = arith.constant 0 : i32
      %dma_start3A_133 = tpu.memref_slice %arg5[%add3A_131, %dma_start3A_132] : memref<20480x64xf32, #tpu.memory_space<hbm>> -> memref<128x64xf32, #tpu.memory_space<hbm>>
      %dma_start3A_134 = arith.constant 0 : i32
      %dma_start3A_135 = tpu.memref_slice %arg5[%add3A_131, %dma_start3A_134] : memref<20480x64xf32, #tpu.memory_space<hbm>> -> memref<128x64xf32, #tpu.memory_space<hbm>>
      tpu.enqueue_dma source(%arg13 : memref<128x64xf32, #tpu.memory_space<vmem>>) target(%dma_start3A_135 : memref<128x64xf32, #tpu.memory_space<hbm>>) target_semaphore(%run_scoped3A : memref<!tpu.dma_semaphore, #tpu.memory_space<semaphore_mem>>)
      %dma_wait3A_136 = arith.constant 0 : i32
      %dma_wait3A_137 = tpu.memref_slice %arg5[%add3A_131, %dma_wait3A_136] : memref<20480x64xf32, #tpu.memory_space<hbm>> -> memref<128x64xf32, #tpu.memory_space<hbm>>
      %dma_wait3A_138 = arith.constant 0 : i32
      %dma_wait3A_139 = tpu.memref_slice %arg5[%add3A_131, %dma_wait3A_138] : memref<20480x64xf32, #tpu.memory_space<hbm>> -> memref<128x64xf32, #tpu.memory_space<hbm>>
      tpu.wait_dma2 semaphore(%run_scoped3A : memref<!tpu.dma_semaphore, #tpu.memory_space<semaphore_mem>>) src(%arg13 : memref<128x64xf32, #tpu.memory_space<vmem>>) dst(%dma_wait3A_139 : memref<128x64xf32, #tpu.memory_space<hbm>>)
      tpu.yield
    }) : () -> ()
    return
  }
}

#map = affine_map<(d0, d1) -> (0, 0, 0)>
#map1 = affine_map<(d0, d1) -> (0, 0)>
module attributes {stable_mosaic.version = 14 : i64} {
  func.func @_sc_deg_body(%arg0: i32, %arg1: i32, %arg2: memref<16x250x80xi32, #tpu.memory_space<hbm>>, %arg3: memref<20480x16xf32, #tpu.memory_space<hbm>>, %arg4: memref<250x80xi32, #tpu.memory_space<vmem>>, %arg5: memref<80x16xf32, #tpu.memory_space<vmem>>, %arg6: memref<640x16xf32, #tpu.memory_space<vmem>>, %arg7: memref<10240x16xf32, #tpu.memory_space<vmem_shared>>, %arg8: memref<!tpu.dma_semaphore, #tpu.memory_space<semaphore_mem>>) attributes {dimension_semantics = [#tpu.dimension_semantics<core_parallel>, #tpu.dimension_semantics<subcore_parallel>], iteration_bounds = array<i64: 2, 16>, scalar_prefetch = 0 : i64, scratch_operands = 5 : i64, tpu.core_type = #tpu.core_type<sc_vector_subcore>, window_params = [{transform_indices = #map}, {transform_indices = #map1}]} {
    %broadcast_in_dim3A = arith.constant 0.000000e+00 : f32
    %broadcast_in_dim3A_0 = vector.broadcast %broadcast_in_dim3A : f32 to vector<16xf32>
    %broadcast_in_dim3A_1 = arith.constant 1.000000e+00 : f32
    %broadcast_in_dim3A_2 = vector.broadcast %broadcast_in_dim3A_1 : f32 to vector<16xf32>
    %scan3A = arith.constant 0 : i32
    %scan3A_3 = arith.constant 0 : i32
    %scan3A_4 = arith.constant 640 : i32
    %scan3A_5 = arith.addi %scan3A_3, %scan3A_4 : i32
    %scan3A_6 = arith.constant 1 : i32
    scf.for %scan3A_28 = %scan3A_3 to %scan3A_5 step %scan3A_6  : i32 {
      %swap3A = arith.index_cast %scan3A_28 : i32 to index
      %swap3A_29 = arith.constant 0 : index
      %swap3A_30 = tpu.vector_load %arg6[%swap3A, %swap3A_29] {strides = array<i32>} : memref<640x16xf32, #tpu.memory_space<vmem>>, vector<1x16xf32>,
      %swap3A_31 = vector.shape_cast %swap3A_30 : vector<1x16xf32> to vector<16xf32>
      %swap3A_32 = vector.shape_cast %broadcast_in_dim3A_0 : vector<16xf32> to vector<1x16xf32>
      tpu.vector_store %arg6[%swap3A, %swap3A_29], %swap3A_32 {strides = array<i32>} : memref<640x16xf32, #tpu.memory_space<vmem>>, vector<1x16xf32>,
    }
    %scan3A_7 = arith.constant 640 : i32
    %scan3A_8 = arith.constant 0 : i32
    %scan3A_9 = arith.constant 0 : i32
    %scan3A_10 = arith.constant 80 : i32
    %scan3A_11 = arith.addi %scan3A_9, %scan3A_10 : i32
    %scan3A_12 = arith.constant 1 : i32
    scf.for %scan3A_28 = %scan3A_9 to %scan3A_11 step %scan3A_12  : i32 {
      %swap3A = arith.index_cast %scan3A_28 : i32 to index
      %swap3A_29 = arith.constant 0 : index
      %swap3A_30 = tpu.vector_load %arg5[%swap3A, %swap3A_29] {strides = array<i32>} : memref<80x16xf32, #tpu.memory_space<vmem>>, vector<1x16xf32>,
      %swap3A_31 = vector.shape_cast %swap3A_30 : vector<1x16xf32> to vector<16xf32>
      %swap3A_32 = vector.shape_cast %broadcast_in_dim3A_2 : vector<16xf32> to vector<1x16xf32>
      tpu.vector_store %arg5[%swap3A, %swap3A_29], %swap3A_32 {strides = array<i32>} : memref<80x16xf32, #tpu.memory_space<vmem>>, vector<1x16xf32>,
    }
    %scan3A_13 = arith.constant 80 : i32
    %mul3A = arith.constant 640 : i32
    %mul3A_14 = arith.muli %arg1, %mul3A : i32
    "tpu.region"() ({
      %run_scoped3A = tpu.sem_alloc : memref<!tpu.dma_semaphore, #tpu.memory_space<semaphore_mem>>
      %dma_start3A = arith.constant 0 : i32
      %dma_start3A_28 = tpu.memref_slice %arg7[%mul3A_14, %dma_start3A] : memref<10240x16xf32, #tpu.memory_space<vmem_shared>> -> memref<640x16xf32, #tpu.memory_space<vmem_shared>>
      %dma_start3A_29 = arith.constant 0 : i32
      %dma_start3A_30 = tpu.memref_slice %arg7[%mul3A_14, %dma_start3A_29] : memref<10240x16xf32, #tpu.memory_space<vmem_shared>> -> memref<640x16xf32, #tpu.memory_space<vmem_shared>>
      tpu.enqueue_dma source(%arg6 : memref<640x16xf32, #tpu.memory_space<vmem>>) target(%dma_start3A_30 : memref<640x16xf32, #tpu.memory_space<vmem_shared>>) target_semaphore(%run_scoped3A : memref<!tpu.dma_semaphore, #tpu.memory_space<semaphore_mem>>)
      %dma_wait3A = arith.constant 0 : i32
      %dma_wait3A_31 = tpu.memref_slice %arg7[%mul3A_14, %dma_wait3A] : memref<10240x16xf32, #tpu.memory_space<vmem_shared>> -> memref<640x16xf32, #tpu.memory_space<vmem_shared>>
      %dma_wait3A_32 = arith.constant 0 : i32
      %dma_wait3A_33 = tpu.memref_slice %arg7[%mul3A_14, %dma_wait3A_32] : memref<10240x16xf32, #tpu.memory_space<vmem_shared>> -> memref<640x16xf32, #tpu.memory_space<vmem_shared>>
      tpu.wait_dma2 semaphore(%run_scoped3A : memref<!tpu.dma_semaphore, #tpu.memory_space<semaphore_mem>>) src(%arg6 : memref<640x16xf32, #tpu.memory_space<vmem>>) dst(%dma_wait3A_33 : memref<640x16xf32, #tpu.memory_space<vmem_shared>>)
      tpu.yield
    }) : () -> ()
    %barrier3A = arith.constant 0 : index
    tpu.barrier barrier_id(%barrier3A)
    "tpu.region"() ({
      %run_scoped3A = tpu.sem_alloc : memref<!tpu.dma_semaphore, #tpu.memory_space<semaphore_mem>>
      %dma_start3A = arith.constant 0 : i32
      %dma_start3A_28 = arith.constant 0 : i32
      %dma_start3A_29 = tpu.memref_slice %arg2[%arg1, %dma_start3A, %dma_start3A_28] : memref<16x250x80xi32, #tpu.memory_space<hbm>> -> memref<1x250x80xi32, #tpu.memory_space<hbm>>
      %dma_start3A_30 = tpu.memref_squeeze %dma_start3A_29 : memref<1x250x80xi32, #tpu.memory_space<hbm>> -> memref<250x80xi32, #tpu.memory_space<hbm>>
      %dma_start3A_31 = arith.constant 0 : i32
      %dma_start3A_32 = arith.constant 0 : i32
      %dma_start3A_33 = tpu.memref_slice %arg2[%arg1, %dma_start3A_31, %dma_start3A_32] : memref<16x250x80xi32, #tpu.memory_space<hbm>> -> memref<1x250x80xi32, #tpu.memory_space<hbm>>
      %dma_start3A_34 = tpu.memref_squeeze %dma_start3A_33 : memref<1x250x80xi32, #tpu.memory_space<hbm>> -> memref<250x80xi32, #tpu.memory_space<hbm>>
      tpu.enqueue_dma source(%dma_start3A_34 : memref<250x80xi32, #tpu.memory_space<hbm>>) target(%arg4 : memref<250x80xi32, #tpu.memory_space<vmem>>) target_semaphore(%run_scoped3A : memref<!tpu.dma_semaphore, #tpu.memory_space<semaphore_mem>>)
      %dma_wait3A = arith.constant 0 : i32
      %dma_wait3A_35 = arith.constant 0 : i32
      %dma_wait3A_36 = tpu.memref_slice %arg2[%arg1, %dma_wait3A, %dma_wait3A_35] : memref<16x250x80xi32, #tpu.memory_space<hbm>> -> memref<1x250x80xi32, #tpu.memory_space<hbm>>
      %dma_wait3A_37 = tpu.memref_squeeze %dma_wait3A_36 : memref<1x250x80xi32, #tpu.memory_space<hbm>> -> memref<250x80xi32, #tpu.memory_space<hbm>>
      %dma_wait3A_38 = arith.constant 0 : i32
      %dma_wait3A_39 = arith.constant 0 : i32
      %dma_wait3A_40 = tpu.memref_slice %arg2[%arg1, %dma_wait3A_38, %dma_wait3A_39] : memref<16x250x80xi32, #tpu.memory_space<hbm>> -> memref<1x250x80xi32, #tpu.memory_space<hbm>>
      %dma_wait3A_41 = tpu.memref_squeeze %dma_wait3A_40 : memref<1x250x80xi32, #tpu.memory_space<hbm>> -> memref<250x80xi32, #tpu.memory_space<hbm>>
      tpu.wait_dma2 semaphore(%run_scoped3A : memref<!tpu.dma_semaphore, #tpu.memory_space<semaphore_mem>>) src(%dma_wait3A_41 : memref<250x80xi32, #tpu.memory_space<hbm>>) dst(%arg4 : memref<250x80xi32, #tpu.memory_space<vmem>>)
      tpu.yield
    }) : () -> ()
    %scan3A_15 = arith.constant 0 : i32
    %scan3A_16 = arith.constant 0 : i32
    %scan3A_17 = arith.constant 5 : i32
    %scan3A_18 = arith.addi %scan3A_16, %scan3A_17 : i32
    %scan3A_19 = arith.constant 1 : i32
    scf.for %scan3A_28 = %scan3A_16 to %scan3A_18 step %scan3A_19  : i32 {
      %scan3A_29 = arith.constant 0 : i32
      %scan3A_30 = arith.constant 0 : i32
      %scan3A_31 = arith.constant 25 : i32
      %scan3A_32 = arith.addi %scan3A_30, %scan3A_31 : i32
      %scan3A_33 = arith.constant 1 : i32
      scf.for %scan3A_41 = %scan3A_30 to %scan3A_32 step %scan3A_33  : i32 {
        %mul3A_42 = arith.constant 125 : i32
        %mul3A_43 = arith.muli %arg0, %mul3A_42 : i32
        %mul3A_44 = arith.constant 25 : i32
        %mul3A_45 = arith.muli %scan3A_28, %mul3A_44 : i32
        %add3A_46 = arith.addi %mul3A_43, %mul3A_45 : i32
        %add3A_47 = arith.addi %add3A_46, %scan3A_41 : i32
        %dma_start3A = arith.constant 0 : i32
        %dma_start3A_48 = tpu.memref_slice %arg4[%add3A_47, %dma_start3A] : memref<250x80xi32, #tpu.memory_space<vmem>> -> memref<1x80xi32, #tpu.memory_space<vmem>>
        %dma_start3A_49 = tpu.memref_squeeze %dma_start3A_48 : memref<1x80xi32, #tpu.memory_space<vmem>> -> memref<80xi32, #tpu.memory_space<vmem>>
        %dma_start3A_50 = arith.constant 0 : i32
        %dma_start3A_51 = arith.constant 0 : i32
        %dma_start3A_52 = tpu.memref_slice %arg7[%dma_start3A_50, %dma_start3A_51] : memref<10240x16xf32, #tpu.memory_space<vmem_shared>> -> memref<10240x16xf32, #tpu.memory_space<vmem_shared>>
        tpu.enqueue_indirect_dma source(%arg5 : memref<80x16xf32, #tpu.memory_space<vmem>>) target(%dma_start3A_52 : memref<10240x16xf32, #tpu.memory_space<vmem_shared>>) offsets(%dma_start3A_49 : memref<80xi32, #tpu.memory_space<vmem>>) semaphore(%arg8 : memref<!tpu.dma_semaphore, #tpu.memory_space<semaphore_mem>>) {add = true}
      }
      %scan3A_34 = arith.constant 25 : i32
      %scan3A_35 = arith.constant 0 : i32
      %scan3A_36 = arith.constant 0 : i32
      %scan3A_37 = arith.constant 25 : i32
      %scan3A_38 = arith.addi %scan3A_36, %scan3A_37 : i32
      %scan3A_39 = arith.constant 1 : i32
      scf.for %scan3A_41 = %scan3A_36 to %scan3A_38 step %scan3A_39  : i32 {
        %mul3A_42 = arith.constant 125 : i32
        %mul3A_43 = arith.muli %arg0, %mul3A_42 : i32
        %mul3A_44 = arith.constant 25 : i32
        %mul3A_45 = arith.muli %scan3A_28, %mul3A_44 : i32
        %add3A_46 = arith.addi %mul3A_43, %mul3A_45 : i32
        %add3A_47 = arith.addi %add3A_46, %scan3A_41 : i32
        %dma_wait3A = arith.constant 0 : i32
        %dma_wait3A_48 = tpu.memref_slice %arg4[%add3A_47, %dma_wait3A] : memref<250x80xi32, #tpu.memory_space<vmem>> -> memref<1x80xi32, #tpu.memory_space<vmem>>
        %dma_wait3A_49 = tpu.memref_squeeze %dma_wait3A_48 : memref<1x80xi32, #tpu.memory_space<vmem>> -> memref<80xi32, #tpu.memory_space<vmem>>
        %dma_wait3A_50 = arith.constant 0 : i32
        %dma_wait3A_51 = arith.constant 0 : i32
        %dma_wait3A_52 = tpu.memref_slice %arg7[%dma_wait3A_50, %dma_wait3A_51] : memref<10240x16xf32, #tpu.memory_space<vmem_shared>> -> memref<10240x16xf32, #tpu.memory_space<vmem_shared>>
        tpu.wait_indirect_dma semaphore(%arg8 : memref<!tpu.dma_semaphore, #tpu.memory_space<semaphore_mem>>) src(%arg5 : memref<80x16xf32, #tpu.memory_space<vmem>>) dst(%dma_wait3A_52 : memref<10240x16xf32, #tpu.memory_space<vmem_shared>>)
      }
      %scan3A_40 = arith.constant 25 : i32
    }
    %scan3A_20 = arith.constant 5 : i32
    %barrier3A_21 = arith.constant 0 : index
    tpu.barrier barrier_id(%barrier3A_21)
    %mul3A_22 = arith.constant 640 : i32
    %mul3A_23 = arith.muli %arg1, %mul3A_22 : i32
    "tpu.region"() ({
      %run_scoped3A = tpu.sem_alloc : memref<!tpu.dma_semaphore, #tpu.memory_space<semaphore_mem>>
      %dma_start3A = arith.constant 0 : i32
      %dma_start3A_28 = tpu.memref_slice %arg7[%mul3A_23, %dma_start3A] : memref<10240x16xf32, #tpu.memory_space<vmem_shared>> -> memref<640x16xf32, #tpu.memory_space<vmem_shared>>
      %dma_start3A_29 = arith.constant 0 : i32
      %dma_start3A_30 = tpu.memref_slice %arg7[%mul3A_23, %dma_start3A_29] : memref<10240x16xf32, #tpu.memory_space<vmem_shared>> -> memref<640x16xf32, #tpu.memory_space<vmem_shared>>
      tpu.enqueue_dma source(%dma_start3A_30 : memref<640x16xf32, #tpu.memory_space<vmem_shared>>) target(%arg6 : memref<640x16xf32, #tpu.memory_space<vmem>>) target_semaphore(%run_scoped3A : memref<!tpu.dma_semaphore, #tpu.memory_space<semaphore_mem>>)
      %dma_wait3A = arith.constant 0 : i32
      %dma_wait3A_31 = tpu.memref_slice %arg7[%mul3A_23, %dma_wait3A] : memref<10240x16xf32, #tpu.memory_space<vmem_shared>> -> memref<640x16xf32, #tpu.memory_space<vmem_shared>>
      %dma_wait3A_32 = arith.constant 0 : i32
      %dma_wait3A_33 = tpu.memref_slice %arg7[%mul3A_23, %dma_wait3A_32] : memref<10240x16xf32, #tpu.memory_space<vmem_shared>> -> memref<640x16xf32, #tpu.memory_space<vmem_shared>>
      tpu.wait_dma2 semaphore(%run_scoped3A : memref<!tpu.dma_semaphore, #tpu.memory_space<semaphore_mem>>) src(%dma_wait3A_33 : memref<640x16xf32, #tpu.memory_space<vmem_shared>>) dst(%arg6 : memref<640x16xf32, #tpu.memory_space<vmem>>)
      tpu.yield
    }) : () -> ()
    %mul3A_24 = arith.constant 10240 : i32
    %mul3A_25 = arith.muli %arg0, %mul3A_24 : i32
    %mul3A_26 = arith.constant 640 : i32
    %mul3A_27 = arith.muli %arg1, %mul3A_26 : i32
    %add3A = arith.addi %mul3A_25, %mul3A_27 : i32
    "tpu.region"() ({
      %run_scoped3A = tpu.sem_alloc : memref<!tpu.dma_semaphore, #tpu.memory_space<semaphore_mem>>
      %dma_start3A = arith.constant 0 : i32
      %dma_start3A_28 = tpu.memref_slice %arg3[%add3A, %dma_start3A] : memref<20480x16xf32, #tpu.memory_space<hbm>> -> memref<640x16xf32, #tpu.memory_space<hbm>>
      %dma_start3A_29 = arith.constant 0 : i32
      %dma_start3A_30 = tpu.memref_slice %arg3[%add3A, %dma_start3A_29] : memref<20480x16xf32, #tpu.memory_space<hbm>> -> memref<640x16xf32, #tpu.memory_space<hbm>>
      tpu.enqueue_dma source(%arg6 : memref<640x16xf32, #tpu.memory_space<vmem>>) target(%dma_start3A_30 : memref<640x16xf32, #tpu.memory_space<hbm>>) target_semaphore(%run_scoped3A : memref<!tpu.dma_semaphore, #tpu.memory_space<semaphore_mem>>)
      %dma_wait3A = arith.constant 0 : i32
      %dma_wait3A_31 = tpu.memref_slice %arg3[%add3A, %dma_wait3A] : memref<20480x16xf32, #tpu.memory_space<hbm>> -> memref<640x16xf32, #tpu.memory_space<hbm>>
      %dma_wait3A_32 = arith.constant 0 : i32
      %dma_wait3A_33 = tpu.memref_slice %arg3[%add3A, %dma_wait3A_32] : memref<20480x16xf32, #tpu.memory_space<hbm>> -> memref<640x16xf32, #tpu.memory_space<hbm>>
      tpu.wait_dma2 semaphore(%run_scoped3A : memref<!tpu.dma_semaphore, #tpu.memory_space<semaphore_mem>>) src(%arg6 : memref<640x16xf32, #tpu.memory_space<vmem>>) dst(%dma_wait3A_33 : memref<640x16xf32, #tpu.memory_space<hbm>>)
      tpu.yield
    }) : () -> ()
    return
  }
}

module attributes {stable_mosaic.version = 14 : i64} {
  func.func @_tc_layer_body(%arg0: i32, %arg1: memref<2048x64xf32, #tpu.memory_space<vmem>>, %arg2: memref<2048x64xf32, #tpu.memory_space<vmem>>, %arg3: memref<2048x16xf32, #tpu.memory_space<vmem>>, %arg4: memref<2048x16xf32, #tpu.memory_space<vmem>>, %arg5: memref<128x128xf32, #tpu.memory_space<vmem>>, %arg6: memref<1x128xf32, #tpu.memory_space<vmem>>, %arg7: memref<1x128xf32, #tpu.memory_space<vmem>>, %arg8: memref<1x128xf32, #tpu.memory_space<vmem>>, %arg9: memref<2x2048x64xf32, #tpu.memory_space<vmem>>) attributes {dimension_semantics = [#tpu.dimension_semantics<arbitrary>], iteration_bounds = array<i64: 5>, scalar_prefetch = 0 : i64, scratch_operands = 0 : i64, tpu.core_type = #tpu.core_type<tc>, window_params = [{transform_indices = @transform_0, window_bounds = array<i64: 2048, 64>}, {transform_indices = @transform_1, window_bounds = array<i64: 2048, 64>}, {transform_indices = @transform_2, window_bounds = array<i64: 2048, 16>}, {transform_indices = @transform_3, window_bounds = array<i64: 2048, 16>}, {pipeline_mode = #tpu.pipeline_mode<synchronous>, transform_indices = @transform_4, window_bounds = array<i64: 128, 128>}, {pipeline_mode = #tpu.pipeline_mode<synchronous>, transform_indices = @transform_5, window_bounds = array<i64: 1, 128>}, {pipeline_mode = #tpu.pipeline_mode<synchronous>, transform_indices = @transform_6, window_bounds = array<i64: 1, 128>}, {pipeline_mode = #tpu.pipeline_mode<synchronous>, transform_indices = @transform_7, window_bounds = array<i64: 1, 128>}, {transform_indices = @transform_8, window_bounds = array<i64: 2, 2048, 64>}]} {
    %get3A = arith.constant 0 : index
    %get3A_0 = arith.constant 0 : index
    %get3A_1 = vector.load %arg3[%get3A, %get3A_0] : memref<2048x16xf32, #tpu.memory_space<vmem>>, vector<2048x1xf32>
    %get3A_2 = arith.constant 0 : index
    %get3A_3 = arith.constant 0 : index
    %get3A_4 = vector.load %arg4[%get3A_2, %get3A_3] : memref<2048x16xf32, #tpu.memory_space<vmem>>, vector<2048x1xf32>
    %add3A = arith.addf %get3A_1, %get3A_4 : vector<2048x1xf32>
    %max3A = arith.constant 1.000000e+00 : f32
    %max3A_5 = vector.broadcast %max3A : f32 to vector<2048x1xf32>
    %max3A_6 = arith.maximumf %add3A, %max3A_5 : vector<2048x1xf32>
    %div3A = arith.constant 1.000000e+00 : f32
    %div3A_7 = vector.broadcast %div3A : f32 to vector<2048x1xf32>
    %div3A_8 = arith.divf %div3A_7, %max3A_6 : vector<2048x1xf32>
    %get3A_9 = arith.constant 0 : index
    %get3A_10 = arith.constant 0 : index
    %get3A_11 = vector.load %arg1[%get3A_9, %get3A_10] : memref<2048x64xf32, #tpu.memory_space<vmem>>, vector<2048x64xf32>
    %get3A_12 = arith.constant 0 : index
    %get3A_13 = arith.constant 0 : index
    %get3A_14 = vector.load %arg5[%get3A_12, %get3A_13] : memref<128x128xf32, #tpu.memory_space<vmem>>, vector<64x128xf32>
    %dot_general3A = arith.constant dense<0.000000e+00> : vector<2048x128xf32>
    %dot_general3A_15 = tpu.matmul %get3A_11, %get3A_14, %dot_general3A {dimension_numbers = #tpu.dot_dimension_numbers<[1], [0], [0], [1], [0, 0, 1, 1], [], []>, transpose_lhs_hint = false} : vector<2048x64xf32>, vector<64x128xf32>, vector<2048x128xf32> -> vector<2048x128xf32>
    %get3A_16 = arith.constant 0 : index
    %get3A_17 = arith.constant 0 : index
    %get3A_18 = vector.load %arg2[%get3A_16, %get3A_17] : memref<2048x64xf32, #tpu.memory_space<vmem>>, vector<2048x64xf32>
    %get3A_19 = arith.constant 64 : index
    %get3A_20 = arith.constant 0 : index
    %get3A_21 = vector.load %arg5[%get3A_19, %get3A_20] : memref<128x128xf32, #tpu.memory_space<vmem>>, vector<64x128xf32>
    %dot_general3A_22 = arith.constant dense<0.000000e+00> : vector<2048x128xf32>
    %dot_general3A_23 = tpu.matmul %get3A_18, %get3A_21, %dot_general3A_22 {dimension_numbers = #tpu.dot_dimension_numbers<[1], [0], [0], [1], [0, 0, 1, 1], [], []>, transpose_lhs_hint = false} : vector<2048x64xf32>, vector<64x128xf32>, vector<2048x128xf32> -> vector<2048x128xf32>
    %add3A_24 = arith.addf %dot_general3A_15, %dot_general3A_23 : vector<2048x128xf32>
    %mul3A = vector.broadcast %div3A_8 : vector<2048x1xf32> to vector<2048x128xf32>
    %mul3A_25 = arith.mulf %add3A_24, %mul3A : vector<2048x128xf32>
    %get3A_26 = arith.constant 0 : index
    %get3A_27 = arith.constant 0 : index
    %get3A_28 = vector.load %arg6[%get3A_26, %get3A_27] : memref<1x128xf32, #tpu.memory_space<vmem>>, vector<1x128xf32>
    %add3A_29 = vector.broadcast %get3A_28 : vector<1x128xf32> to vector<2048x128xf32>
    %add3A_30 = arith.addf %mul3A_25, %add3A_29 : vector<2048x128xf32>
    %max3A_31 = arith.constant 0.000000e+00 : f32
    %max3A_32 = vector.broadcast %max3A_31 : f32 to vector<2048x128xf32>
    %max3A_33 = arith.maximumf %add3A_30, %max3A_32 : vector<2048x128xf32>
    %reduce_sum3A = arith.constant dense<0.000000e+00> : vector<2048xf32>
    %reduce_sum3A_34 = vector.multi_reduction <add>, %max3A_33, %reduce_sum3A [1] : vector<2048x128xf32> to vector<2048xf32>
    %broadcast_in_dim3A = vector.shape_cast %reduce_sum3A_34 : vector<2048xf32> to vector<2048x1xf32>
    %div3A_35 = arith.constant 1.280000e+02 : f32
    %div3A_36 = vector.broadcast %div3A_35 : f32 to vector<2048x1xf32>
    %div3A_37 = arith.divf %broadcast_in_dim3A, %div3A_36 : vector<2048x1xf32>
    %sub3A = vector.broadcast %div3A_37 : vector<2048x1xf32> to vector<2048x128xf32>
    %sub3A_38 = arith.subf %max3A_33, %sub3A : vector<2048x128xf32>
    %integer_pow3A = arith.mulf %sub3A_38, %sub3A_38 : vector<2048x128xf32>
    %reduce_sum3A_39 = arith.constant dense<0.000000e+00> : vector<2048xf32>
    %reduce_sum3A_40 = vector.multi_reduction <add>, %integer_pow3A, %reduce_sum3A_39 [1] : vector<2048x128xf32> to vector<2048xf32>
    %broadcast_in_dim3A_41 = vector.shape_cast %reduce_sum3A_40 : vector<2048xf32> to vector<2048x1xf32>
    %div3A_42 = arith.constant 1.280000e+02 : f32
    %div3A_43 = vector.broadcast %div3A_42 : f32 to vector<2048x1xf32>
    %div3A_44 = arith.divf %broadcast_in_dim3A_41, %div3A_43 : vector<2048x1xf32>
    %sub3A_45 = vector.broadcast %div3A_37 : vector<2048x1xf32> to vector<2048x128xf32>
    %sub3A_46 = arith.subf %max3A_33, %sub3A_45 : vector<2048x128xf32>
    %add3A_47 = arith.constant 9.99999974E-6 : f32
    %add3A_48 = vector.broadcast %add3A_47 : f32 to vector<2048x1xf32>
    %add3A_49 = arith.addf %div3A_44, %add3A_48 : vector<2048x1xf32>
    %sqrt3A = math.sqrt %add3A_49 : vector<2048x1xf32>
    %div3A_50 = vector.broadcast %sqrt3A : vector<2048x1xf32> to vector<2048x128xf32>
    %div3A_51 = arith.divf %sub3A_46, %div3A_50 : vector<2048x128xf32>
    %get3A_52 = arith.constant 0 : index
    %get3A_53 = arith.constant 0 : index
    %get3A_54 = vector.load %arg7[%get3A_52, %get3A_53] : memref<1x128xf32, #tpu.memory_space<vmem>>, vector<1x128xf32>
    %mul3A_55 = vector.broadcast %get3A_54 : vector<1x128xf32> to vector<2048x128xf32>
    %mul3A_56 = arith.mulf %div3A_51, %mul3A_55 : vector<2048x128xf32>
    %get3A_57 = arith.constant 0 : index
    %get3A_58 = arith.constant 0 : index
    %get3A_59 = vector.load %arg8[%get3A_57, %get3A_58] : memref<1x128xf32, #tpu.memory_space<vmem>>, vector<1x128xf32>
    %add3A_60 = vector.broadcast %get3A_59 : vector<1x128xf32> to vector<2048x128xf32>
    %add3A_61 = arith.addf %mul3A_56, %add3A_60 : vector<2048x128xf32>
    %slice3A = vector.extract_strided_slice %add3A_61 {offsets = [0, 0], sizes = [2048, 64], strides = [1, 1]} : vector<2048x128xf32> to vector<2048x64xf32>
    %swap3A = arith.constant 0 : index
    %swap3A_62 = arith.constant 0 : index
    %swap3A_63 = arith.constant 0 : index
    %swap3A_64 = vector.load %arg9[%swap3A, %swap3A_62, %swap3A_63] : memref<2x2048x64xf32, #tpu.memory_space<vmem>>, vector<1x2048x64xf32>
    %swap3A_65 = vector.shape_cast %swap3A_64 : vector<1x2048x64xf32> to vector<2048x64xf32>
    %swap3A_66 = vector.shape_cast %slice3A : vector<2048x64xf32> to vector<1x2048x64xf32>
    tpu.vector_store %arg9[%swap3A, %swap3A_62, %swap3A_63], %swap3A_66 {strides = array<i32>} : memref<2x2048x64xf32, #tpu.memory_space<vmem>>, vector<1x2048x64xf32>,
    %slice3A_67 = vector.extract_strided_slice %add3A_61 {offsets = [0, 64], sizes = [2048, 64], strides = [1, 1]} : vector<2048x128xf32> to vector<2048x64xf32>
    %swap3A_68 = arith.constant 1 : index
    %swap3A_69 = arith.constant 0 : index
    %swap3A_70 = arith.constant 0 : index
    %swap3A_71 = vector.load %arg9[%swap3A_68, %swap3A_69, %swap3A_70] : memref<2x2048x64xf32, #tpu.memory_space<vmem>>, vector<1x2048x64xf32>
    %swap3A_72 = vector.shape_cast %swap3A_71 : vector<1x2048x64xf32> to vector<2048x64xf32>
    %swap3A_73 = vector.shape_cast %slice3A_67 : vector<2048x64xf32> to vector<1x2048x64xf32>
    tpu.vector_store %arg9[%swap3A_68, %swap3A_69, %swap3A_70], %swap3A_73 {strides = array<i32>} : memref<2x2048x64xf32, #tpu.memory_space<vmem>>, vector<1x2048x64xf32>,
    return
  }
  func.func @transform_0(%arg0: i32) -> (i32, i32) {
    %c0_i32 = arith.constant 0 : i32
    %c0_i32_0 = arith.constant 0 : i32
    return %arg0, %c0_i32 : i32, i32
  }
  func.func @transform_1(%arg0: i32) -> (i32, i32) {
    %add3A = arith.constant 5 : i32
    %add3A_0 = arith.addi %arg0, %add3A : i32
    %c0_i32 = arith.constant 0 : i32
    %c0_i32_1 = arith.constant 0 : i32
    return %add3A_0, %c0_i32 : i32, i32
  }
  func.func @transform_2(%arg0: i32) -> (i32, i32) {
    %c0_i32 = arith.constant 0 : i32
    %c0_i32_0 = arith.constant 0 : i32
    return %arg0, %c0_i32 : i32, i32
  }
  func.func @transform_3(%arg0: i32) -> (i32, i32) {
    %add3A = arith.constant 5 : i32
    %add3A_0 = arith.addi %arg0, %add3A : i32
    %c0_i32 = arith.constant 0 : i32
    %c0_i32_1 = arith.constant 0 : i32
    return %add3A_0, %c0_i32 : i32, i32
  }
  func.func @transform_4(%arg0: i32) -> (i32, i32) {
    %c0_i32 = arith.constant 0 : i32
    %c0_i32_0 = arith.constant 0 : i32
    %c0_i32_1 = arith.constant 0 : i32
    return %c0_i32, %c0_i32_0 : i32, i32
  }
  func.func @transform_5(%arg0: i32) -> (i32, i32) {
    %c0_i32 = arith.constant 0 : i32
    %c0_i32_0 = arith.constant 0 : i32
    %c0_i32_1 = arith.constant 0 : i32
    return %c0_i32, %c0_i32_0 : i32, i32
  }
  func.func @transform_6(%arg0: i32) -> (i32, i32) {
    %c0_i32 = arith.constant 0 : i32
    %c0_i32_0 = arith.constant 0 : i32
    %c0_i32_1 = arith.constant 0 : i32
    return %c0_i32, %c0_i32_0 : i32, i32
  }
  func.func @transform_7(%arg0: i32) -> (i32, i32) {
    %c0_i32 = arith.constant 0 : i32
    %c0_i32_0 = arith.constant 0 : i32
    %c0_i32_1 = arith.constant 0 : i32
    return %c0_i32, %c0_i32_0 : i32, i32
  }
  func.func @transform_8(%arg0: i32) -> (i32, i32, i32) {
    %c0_i32 = arith.constant 0 : i32
    %c0_i32_0 = arith.constant 0 : i32
    %c0_i32_1 = arith.constant 0 : i32
    return %c0_i32, %arg0, %c0_i32_0 : i32, i32, i32
  }
}

module attributes {stable_mosaic.version = 14 : i64} {
  func.func @_tc_out_body(%arg0: i32, %arg1: memref<2048x64xf32, #tpu.memory_space<vmem>>, %arg2: memref<2048x64xf32, #tpu.memory_space<vmem>>, %arg3: memref<2048x16xf32, #tpu.memory_space<vmem>>, %arg4: memref<2048x16xf32, #tpu.memory_space<vmem>>, %arg5: memref<128x128xf32, #tpu.memory_space<vmem>>, %arg6: memref<1x128xf32, #tpu.memory_space<vmem>>, %arg7: memref<1x128xf32, #tpu.memory_space<vmem>>, %arg8: memref<1x128xf32, #tpu.memory_space<vmem>>, %arg9: memref<128x40xf32, #tpu.memory_space<vmem>>, %arg10: memref<40x1xf32, #tpu.memory_space<vmem>>, %arg11: memref<40x2048xf32, #tpu.memory_space<vmem>>) attributes {dimension_semantics = [#tpu.dimension_semantics<arbitrary>], iteration_bounds = array<i64: 5>, scalar_prefetch = 0 : i64, scratch_operands = 0 : i64, tpu.core_type = #tpu.core_type<tc>, window_params = [{transform_indices = @transform_0, window_bounds = array<i64: 2048, 64>}, {transform_indices = @transform_1, window_bounds = array<i64: 2048, 64>}, {transform_indices = @transform_2, window_bounds = array<i64: 2048, 16>}, {transform_indices = @transform_3, window_bounds = array<i64: 2048, 16>}, {pipeline_mode = #tpu.pipeline_mode<synchronous>, transform_indices = @transform_4, window_bounds = array<i64: 128, 128>}, {pipeline_mode = #tpu.pipeline_mode<synchronous>, transform_indices = @transform_5, window_bounds = array<i64: 1, 128>}, {pipeline_mode = #tpu.pipeline_mode<synchronous>, transform_indices = @transform_6, window_bounds = array<i64: 1, 128>}, {pipeline_mode = #tpu.pipeline_mode<synchronous>, transform_indices = @transform_7, window_bounds = array<i64: 1, 128>}, {pipeline_mode = #tpu.pipeline_mode<synchronous>, transform_indices = @transform_8, window_bounds = array<i64: 128, 40>}, {pipeline_mode = #tpu.pipeline_mode<synchronous>, transform_indices = @transform_9, window_bounds = array<i64: 40, 1>}, {transform_indices = @transform_10, window_bounds = array<i64: 40, 2048>}]} {
    %get3A = arith.constant 0 : index
    %get3A_0 = arith.constant 0 : index
    %get3A_1 = vector.load %arg3[%get3A, %get3A_0] : memref<2048x16xf32, #tpu.memory_space<vmem>>, vector<2048x1xf32>
    %get3A_2 = arith.constant 0 : index
    %get3A_3 = arith.constant 0 : index
    %get3A_4 = vector.load %arg4[%get3A_2, %get3A_3] : memref<2048x16xf32, #tpu.memory_space<vmem>>, vector<2048x1xf32>
    %add3A = arith.addf %get3A_1, %get3A_4 : vector<2048x1xf32>
    %max3A = arith.constant 1.000000e+00 : f32
    %max3A_5 = vector.broadcast %max3A : f32 to vector<2048x1xf32>
    %max3A_6 = arith.maximumf %add3A, %max3A_5 : vector<2048x1xf32>
    %div3A = arith.constant 1.000000e+00 : f32
    %div3A_7 = vector.broadcast %div3A : f32 to vector<2048x1xf32>
    %div3A_8 = arith.divf %div3A_7, %max3A_6 : vector<2048x1xf32>
    %get3A_9 = arith.constant 0 : index
    %get3A_10 = arith.constant 0 : index
    %get3A_11 = vector.load %arg1[%get3A_9, %get3A_10] : memref<2048x64xf32, #tpu.memory_space<vmem>>, vector<2048x64xf32>
    %get3A_12 = arith.constant 0 : index
    %get3A_13 = arith.constant 0 : index
    %get3A_14 = vector.load %arg5[%get3A_12, %get3A_13] : memref<128x128xf32, #tpu.memory_space<vmem>>, vector<64x128xf32>
    %dot_general3A = arith.constant dense<0.000000e+00> : vector<2048x128xf32>
    %dot_general3A_15 = tpu.matmul %get3A_11, %get3A_14, %dot_general3A {dimension_numbers = #tpu.dot_dimension_numbers<[1], [0], [0], [1], [0, 0, 1, 1], [], []>, transpose_lhs_hint = false} : vector<2048x64xf32>, vector<64x128xf32>, vector<2048x128xf32> -> vector<2048x128xf32>
    %get3A_16 = arith.constant 0 : index
    %get3A_17 = arith.constant 0 : index
    %get3A_18 = vector.load %arg2[%get3A_16, %get3A_17] : memref<2048x64xf32, #tpu.memory_space<vmem>>, vector<2048x64xf32>
    %get3A_19 = arith.constant 64 : index
    %get3A_20 = arith.constant 0 : index
    %get3A_21 = vector.load %arg5[%get3A_19, %get3A_20] : memref<128x128xf32, #tpu.memory_space<vmem>>, vector<64x128xf32>
    %dot_general3A_22 = arith.constant dense<0.000000e+00> : vector<2048x128xf32>
    %dot_general3A_23 = tpu.matmul %get3A_18, %get3A_21, %dot_general3A_22 {dimension_numbers = #tpu.dot_dimension_numbers<[1], [0], [0], [1], [0, 0, 1, 1], [], []>, transpose_lhs_hint = false} : vector<2048x64xf32>, vector<64x128xf32>, vector<2048x128xf32> -> vector<2048x128xf32>
    %add3A_24 = arith.addf %dot_general3A_15, %dot_general3A_23 : vector<2048x128xf32>
    %mul3A = vector.broadcast %div3A_8 : vector<2048x1xf32> to vector<2048x128xf32>
    %mul3A_25 = arith.mulf %add3A_24, %mul3A : vector<2048x128xf32>
    %get3A_26 = arith.constant 0 : index
    %get3A_27 = arith.constant 0 : index
    %get3A_28 = vector.load %arg6[%get3A_26, %get3A_27] : memref<1x128xf32, #tpu.memory_space<vmem>>, vector<1x128xf32>
    %add3A_29 = vector.broadcast %get3A_28 : vector<1x128xf32> to vector<2048x128xf32>
    %add3A_30 = arith.addf %mul3A_25, %add3A_29 : vector<2048x128xf32>
    %max3A_31 = arith.constant 0.000000e+00 : f32
    %max3A_32 = vector.broadcast %max3A_31 : f32 to vector<2048x128xf32>
    %max3A_33 = arith.maximumf %add3A_30, %max3A_32 : vector<2048x128xf32>
    %reduce_sum3A = arith.constant dense<0.000000e+00> : vector<2048xf32>
    %reduce_sum3A_34 = vector.multi_reduction <add>, %max3A_33, %reduce_sum3A [1] : vector<2048x128xf32> to vector<2048xf32>
    %broadcast_in_dim3A = vector.shape_cast %reduce_sum3A_34 : vector<2048xf32> to vector<2048x1xf32>
    %div3A_35 = arith.constant 1.280000e+02 : f32
    %div3A_36 = vector.broadcast %div3A_35 : f32 to vector<2048x1xf32>
    %div3A_37 = arith.divf %broadcast_in_dim3A, %div3A_36 : vector<2048x1xf32>
    %sub3A = vector.broadcast %div3A_37 : vector<2048x1xf32> to vector<2048x128xf32>
    %sub3A_38 = arith.subf %max3A_33, %sub3A : vector<2048x128xf32>
    %integer_pow3A = arith.mulf %sub3A_38, %sub3A_38 : vector<2048x128xf32>
    %reduce_sum3A_39 = arith.constant dense<0.000000e+00> : vector<2048xf32>
    %reduce_sum3A_40 = vector.multi_reduction <add>, %integer_pow3A, %reduce_sum3A_39 [1] : vector<2048x128xf32> to vector<2048xf32>
    %broadcast_in_dim3A_41 = vector.shape_cast %reduce_sum3A_40 : vector<2048xf32> to vector<2048x1xf32>
    %div3A_42 = arith.constant 1.280000e+02 : f32
    %div3A_43 = vector.broadcast %div3A_42 : f32 to vector<2048x1xf32>
    %div3A_44 = arith.divf %broadcast_in_dim3A_41, %div3A_43 : vector<2048x1xf32>
    %sub3A_45 = vector.broadcast %div3A_37 : vector<2048x1xf32> to vector<2048x128xf32>
    %sub3A_46 = arith.subf %max3A_33, %sub3A_45 : vector<2048x128xf32>
    %add3A_47 = arith.constant 9.99999974E-6 : f32
    %add3A_48 = vector.broadcast %add3A_47 : f32 to vector<2048x1xf32>
    %add3A_49 = arith.addf %div3A_44, %add3A_48 : vector<2048x1xf32>
    %sqrt3A = math.sqrt %add3A_49 : vector<2048x1xf32>
    %div3A_50 = vector.broadcast %sqrt3A : vector<2048x1xf32> to vector<2048x128xf32>
    %div3A_51 = arith.divf %sub3A_46, %div3A_50 : vector<2048x128xf32>
    %get3A_52 = arith.constant 0 : index
    %get3A_53 = arith.constant 0 : index
    %get3A_54 = vector.load %arg7[%get3A_52, %get3A_53] : memref<1x128xf32, #tpu.memory_space<vmem>>, vector<1x128xf32>
    %mul3A_55 = vector.broadcast %get3A_54 : vector<1x128xf32> to vector<2048x128xf32>
    %mul3A_56 = arith.mulf %div3A_51, %mul3A_55 : vector<2048x128xf32>
    %get3A_57 = arith.constant 0 : index
    %get3A_58 = arith.constant 0 : index
    %get3A_59 = vector.load %arg8[%get3A_57, %get3A_58] : memref<1x128xf32, #tpu.memory_space<vmem>>, vector<1x128xf32>
    %add3A_60 = vector.broadcast %get3A_59 : vector<1x128xf32> to vector<2048x128xf32>
    %add3A_61 = arith.addf %mul3A_56, %add3A_60 : vector<2048x128xf32>
    %get3A_62 = arith.constant 0 : index
    %get3A_63 = arith.constant 0 : index
    %get3A_64 = vector.load %arg9[%get3A_62, %get3A_63] : memref<128x40xf32, #tpu.memory_space<vmem>>, vector<128x40xf32>
    %dot_general3A_65 = arith.constant dense<0.000000e+00> : vector<40x2048xf32>
    %dot_general3A_66 = tpu.matmul %get3A_64, %add3A_61, %dot_general3A_65 {dimension_numbers = #tpu.dot_dimension_numbers<[0], [1], [1], [0], [0, 1, 1, 0], [], []>, transpose_lhs_hint = false} : vector<128x40xf32>, vector<2048x128xf32>, vector<40x2048xf32> -> vector<40x2048xf32>
    %get3A_67 = arith.constant 0 : index
    %get3A_68 = arith.constant 0 : index
    %get3A_69 = vector.load %arg10[%get3A_67, %get3A_68] : memref<40x1xf32, #tpu.memory_space<vmem>>, vector<40x1xf32>
    %add3A_70 = vector.broadcast %get3A_69 : vector<40x1xf32> to vector<40x2048xf32>
    %add3A_71 = arith.addf %dot_general3A_66, %add3A_70 : vector<40x2048xf32>
    %reduce_max3A = arith.constant dense<0xFF800000> : vector<2048xf32>
    %reduce_max3A_72 = vector.multi_reduction <maximumf>, %add3A_71, %reduce_max3A [0] : vector<40x2048xf32> to vector<2048xf32>
    %broadcast_in_dim3A_73 = vector.shape_cast %reduce_max3A_72 : vector<2048xf32> to vector<1x2048xf32>
    %sub3A_74 = vector.broadcast %broadcast_in_dim3A_73 : vector<1x2048xf32> to vector<40x2048xf32>
    %sub3A_75 = arith.subf %add3A_71, %sub3A_74 : vector<40x2048xf32>
    %exp3A = math.exp %sub3A_75 : vector<40x2048xf32>
    %reduce_sum3A_76 = arith.constant dense<0.000000e+00> : vector<2048xf32>
    %reduce_sum3A_77 = vector.multi_reduction <add>, %exp3A, %reduce_sum3A_76 [0] : vector<40x2048xf32> to vector<2048xf32>
    %broadcast_in_dim3A_78 = vector.shape_cast %reduce_sum3A_77 : vector<2048xf32> to vector<1x2048xf32>
    %log3A = math.log %broadcast_in_dim3A_78 : vector<1x2048xf32>
    %add3A_79 = arith.addf %log3A, %broadcast_in_dim3A_73 : vector<1x2048xf32>
    %sub3A_80 = vector.broadcast %add3A_79 : vector<1x2048xf32> to vector<40x2048xf32>
    %sub3A_81 = arith.subf %add3A_71, %sub3A_80 : vector<40x2048xf32>
    %swap3A = arith.constant 0 : index
    %swap3A_82 = arith.constant 0 : index
    %swap3A_83 = vector.load %arg11[%swap3A, %swap3A_82] : memref<40x2048xf32, #tpu.memory_space<vmem>>, vector<40x2048xf32>
    tpu.vector_store %arg11[%swap3A, %swap3A_82], %sub3A_81 {strides = array<i32>} : memref<40x2048xf32, #tpu.memory_space<vmem>>, vector<40x2048xf32>,
    return
  }
  func.func @transform_0(%arg0: i32) -> (i32, i32) {
    %c0_i32 = arith.constant 0 : i32
    %c0_i32_0 = arith.constant 0 : i32
    return %arg0, %c0_i32 : i32, i32
  }
  func.func @transform_1(%arg0: i32) -> (i32, i32) {
    %add3A = arith.constant 5 : i32
    %add3A_0 = arith.addi %arg0, %add3A : i32
    %c0_i32 = arith.constant 0 : i32
    %c0_i32_1 = arith.constant 0 : i32
    return %add3A_0, %c0_i32 : i32, i32
  }
  func.func @transform_2(%arg0: i32) -> (i32, i32) {
    %c0_i32 = arith.constant 0 : i32
    %c0_i32_0 = arith.constant 0 : i32
    return %arg0, %c0_i32 : i32, i32
  }
  func.func @transform_3(%arg0: i32) -> (i32, i32) {
    %add3A = arith.constant 5 : i32
    %add3A_0 = arith.addi %arg0, %add3A : i32
    %c0_i32 = arith.constant 0 : i32
    %c0_i32_1 = arith.constant 0 : i32
    return %add3A_0, %c0_i32 : i32, i32
  }
  func.func @transform_4(%arg0: i32) -> (i32, i32) {
    %c0_i32 = arith.constant 0 : i32
    %c0_i32_0 = arith.constant 0 : i32
    %c0_i32_1 = arith.constant 0 : i32
    return %c0_i32, %c0_i32_0 : i32, i32
  }
  func.func @transform_5(%arg0: i32) -> (i32, i32) {
    %c0_i32 = arith.constant 0 : i32
    %c0_i32_0 = arith.constant 0 : i32
    %c0_i32_1 = arith.constant 0 : i32
    return %c0_i32, %c0_i32_0 : i32, i32
  }
  func.func @transform_6(%arg0: i32) -> (i32, i32) {
    %c0_i32 = arith.constant 0 : i32
    %c0_i32_0 = arith.constant 0 : i32
    %c0_i32_1 = arith.constant 0 : i32
    return %c0_i32, %c0_i32_0 : i32, i32
  }
  func.func @transform_7(%arg0: i32) -> (i32, i32) {
    %c0_i32 = arith.constant 0 : i32
    %c0_i32_0 = arith.constant 0 : i32
    %c0_i32_1 = arith.constant 0 : i32
    return %c0_i32, %c0_i32_0 : i32, i32
  }
  func.func @transform_8(%arg0: i32) -> (i32, i32) {
    %c0_i32 = arith.constant 0 : i32
    %c0_i32_0 = arith.constant 0 : i32
    %c0_i32_1 = arith.constant 0 : i32
    return %c0_i32, %c0_i32_0 : i32, i32
  }
  func.func @transform_9(%arg0: i32) -> (i32, i32) {
    %c0_i32 = arith.constant 0 : i32
    %c0_i32_0 = arith.constant 0 : i32
    %c0_i32_1 = arith.constant 0 : i32
    return %c0_i32, %c0_i32_0 : i32, i32
  }
  func.func @transform_10(%arg0: i32) -> (i32, i32) {
    %c0_i32 = arith.constant 0 : i32
    %c0_i32_0 = arith.constant 0 : i32
    return %c0_i32, %arg0 : i32, i32
  }
}

</mosaic_0001>

<sc_bundles>
// kernel: kernel.10.cloned.1.call-start
scs
__scs_entry_jumppad:
0x0: {  	(pc) =	sbr.rel $0x88, $3  }
0x1: {  	(tag) =	ssettag $0x0;
	lr =	simm.s32 $0x1  }
0x2: {  	[smem:$0x3F95] =	sst lr;
	_ =	strace $0xD0000000  }
0x3: {  	_ = 	snop  }
0x4: {  	_ = 	snop  }
0x5: {  	_ = 	snop  }
0x6: {  	_ = 	snop  }
0x7: {  	_ = 	snop  }
__scs_overlays_trampoline_lowered:
0x8: {  	[smem:$0x3FA4] =	sst s0  }
0x9: {  	[smem:$0x3FA5] =	sst s1  }
0xa: {  	[smem:$0x3FA6] =	sst s2  }
0xb: {  	[smem:$0x3FA7] =	sst s3  }
0xc: {  	[smem:$0x3FA8] =	sst s4  }
0xd: {  	[smem:$0x3FA9] =	sst s5  }
0xe: {  	[smem:$0x3FAA] =	sst s6  }
0xf: {  	[smem:$0x3FAB] =	sst s7  }
0x10: {  	[smem:$0x3FAC] =	sst s8  }
0x11: {  	[smem:$0x3FAD] =	sst s9;
	s0 =	simm.s32 @!p0 $0x0  }
0x12: {  	s1 =	sld [smem:$0x3F93];
	s0 =	simm.s32 @p0 $0x1  }
0x13: {  	[smem:$0x3FAE] =	sst s0;
	s0 =	simm.s32 @!p1 $0x0  }
0x14: {  	s2 =	sld [smem:$0x3F92];
	s0 =	simm.s32 @p1 $0x1  }
0x15: {  	[smem:$0x3FAF] =	sst s0;
	s0 =	simm.s32 @!p2 $0x0  }
0x16: {  	s3 =	sld [smem:$0x3FDB];
	s0 =	simm.s32 @p2 $0x1  }
0x17: {  	s4 =	simm.s32 $0x1BF5;
	[smem:$0x3FB1] =	sst s0  }
0x18: {  	s0 =	sld [smem:$0x3F94];
	_ =	swait.ge [sflag:s4], $0x0  }
0x19: {  	s7 =	sld [smem:$0x3F95]  }
0x1a: {  	s8 =	sadd.s32 $0xFFFFE003, lr  }
0x1b: {  	s9 =	sadd.s32 $0xFFFFFEF7, lr;
	s5 =	simm.s32 $0xFFFFFFFF;
	p2 =	slt.u32 s8, $0xFFFFF086  }
0x1c: {  	p1 =	slt.u32 s9, $0xF7A;
	s5 =	simm.s32 @!p2 $0x0  }
0x1d: {  	s5 =	simm.s32 @p1 $0x1;
	p0 =	seq.s32 s7, s2  }
0x1e: {  	s7 =	smul.u32 @!p0 $0xF7A, s2;
	p2 =	seq.s32 @!p0 s5, $0x0  }
0x1f: {  	s9 =	smul.u32 $0xF7A, s1;
	s8 =	simm.s32 @!p0 $0x1BF5;
	p2 =	por !p2, p0  }
0x20: {  	[sflag:s8] =	ssyncset.s32 @!p0 $0xFFFFF086;
	s6 =	sadd.s32 @!p0 s3, s7;
	s7 =	simm.s32 @!p0 $0x108  }
0x21: {  	s3 =	sadd.s32 s3, s9;
	s6 =	sadd.s32 @!p0 $0x88, s6;
	s7 =	simm.s32 @p2 $0x1082  }
0x22: {  	[simem:s7], [sflag:s8] =	dma.local @!p0 [hbm:s6], $0xF7A  }
0x23: {  	s9 =	sor.u32 $0xD0000000, s2;
	s6 =	simm.s32 $0x108;
	_ =	swait.ge @!p0 [sflag:s8], $0x0  }
0x24: {  	s3 =	sadd.s32 $0x88, s3;
	s6 =	simm.s32 @!p1 $0x1082;
	[sflag:s4] =	ssyncset.s32 $0xFFFFF086  }
0x25: {  	[simem:s6], [sflag:s4] =	dma.local [hbm:s3], $0xF7A  }
0x26: {  	[smem:$0x3F95] =	sst s1;
	(tag) =	ssettag s2;
	_ =	strace s9  }
0x27: {  	s1 =	sld [smem:$0x3FA5]  }
0x28: {  	s2 =	sld [smem:$0x3FA6]  }
0x29: {  	s4 =	sld [smem:$0x3FA8]  }
0x2a: {  	p0 =	seq.s32 s5, $0x0;
	s5 =	sld [smem:$0x3FA9]  }
0x2b: {  	s6 =	sld [smem:$0x3FAA]  }
0x2c: {  	s7 =	sld [smem:$0x3FAB]  }
0x2d: {  	s3 =	simm.s32 $0x108;
	s8 =	sld [smem:$0x3FAC]  }
0x2e: {  	s3 =	simm.s32 @!p0 $0x1082;
	s9 =	sld [smem:$0x3FAD]  }
0x2f: {  	lr =	sadd.s32 s0, s3;
	s0 =	sld [smem:$0x3FA4]  }
0x30: {  	s3 =	sld [smem:$0x3FA7]  }
0x31: {  	[smem:$0x3FB0] =	sst s10  }
0x32: {  	s10 =	sld [smem:$0x3FAE];
	_ =	sdelay $0x3  }
0x33: {  	p0 =	seq.s32 s10, $0x1;
	s10 =	sld [smem:$0x3FB0];
	_ =	sdelay $0x3  }
0x34: {  	[smem:$0x3FB0] =	sst s10  }
0x35: {  	s10 =	sld [smem:$0x3FAF];
	_ =	sdelay $0x3  }
0x36: {  	p1 =	seq.s32 s10, $0x1;
	s10 =	sld [smem:$0x3FB0];
	_ =	sdelay $0x3  }
0x37: {  	[smem:$0x3FB0] =	sst s10  }
0x38: {  	s10 =	sld [smem:$0x3FB1]  }
0x39: {  	_ = 	snop;
	(pc) =	sbr.ind lr, $3  }
0x3a: {  	_ = 	snop  }
0x3b: {  	_ = 	snop  }
0x3c: {  	p2 =	seq.s32 s10, $0x1;
	s10 =	sld [smem:$0x3FB0]  }
0x3d: {  	_ =	shalt  }
0x3e: {  	_ =	shalt  }
0x3f: {  	_ =	shalt  }
0x40: {  	_ =	shalt  }
0x41: {  	_ =	shalt  }
0x42: {  	_ =	shalt  }
0x43: {  	_ =	shalt  }
0x44: {  	_ =	shalt  }
0x45: {  	_ =	shalt  }
0x46: {  	_ =	shalt  }
0x47: {  	_ =	shalt  }
0x48: {  	_ =	shalt  }
0x49: {  	_ =	shalt  }
0x4a: {  	_ =	shalt  }
0x4b: {  	_ =	shalt  }
0x4c: {  	_ =	shalt  }
0x4d: {  	_ =	shalt  }
0x4e: {  	_ =	shalt  }
0x4f: {  	_ =	shalt  }
0x50: {  	_ =	shalt  }
0x51: {  	_ =	shalt  }
0x52: {  	_ =	shalt  }
0x53: {  	_ =	shalt  }
0x54: {  	_ =	shalt  }
0x55: {  	_ =	shalt  }
0x56: {  	_ =	shalt  }
0x57: {  	_ =	shalt  }
0x58: {  	_ =	shalt  }
0x59: {  	_ =	shalt  }
0x5a: {  	_ =	shalt  }
0x5b: {  	_ =	shalt  }
0x5c: {  	_ =	shalt  }
0x5d: {  	_ =	shalt  }
0x5e: {  	_ =	shalt  }
0x5f: {  	_ =	shalt  }
0x60: {  	_ =	shalt  }
0x61: {  	_ =	shalt  }
0x62: {  	_ =	shalt  }
0x63: {  	_ =	shalt  }
0x64: {  	_ =	shalt  }
0x65: {  	_ =	shalt  }
0x66: {  	_ =	shalt  }
0x67: {  	_ =	shalt  }
0x68: {  	_ =	shalt  }
0x69: {  	_ =	shalt  }
0x6a: {  	_ =	shalt  }
0x6b: {  	_ =	shalt  }
0x6c: {  	_ =	shalt  }
0x6d: {  	_ =	shalt  }
0x6e: {  	_ =	shalt  }
0x6f: {  	_ =	shalt  }
0x70: {  	_ =	shalt  }
0x71: {  	_ =	shalt  }
0x72: {  	_ =	shalt  }
0x73: {  	_ =	shalt  }
0x74: {  	_ =	shalt  }
0x75: {  	_ =	shalt  }
0x76: {  	_ =	shalt  }
0x77: {  	_ =	shalt  }
0x78: {  	_ =	shalt  }
0x79: {  	_ =	shalt  }
0x7a: {  	_ =	shalt  }
0x7b: {  	_ =	shalt  }
0x7c: {  	_ =	shalt  }
0x7d: {  	_ =	shalt  }
0x7e: {  	_ =	shalt  }
0x7f: {  	_ =	shalt  }
0x80: {  	_ =	shalt  }
0x81: {  	_ =	shalt  }
0x82: {  	_ =	shalt  }
0x83: {  	_ =	shalt  }
0x84: {  	_ =	shalt  }
0x85: {  	_ =	shalt  }
0x86: {  	_ =	shalt  }
0x87: {  	_ =	shalt  }
.Lfunc_end0:
.L_simem_size_0:
called_computation.1_lowered:
.L_overlay_start_0:
0x88: {  	s2 =	sld [smem:$0x3FD9]  }
0x89: {  	s3 =	sld [smem:$0x3FFE];
	_ =	sdelay $0x1  }
0x8a: {  	s1 =	srdreg.scid  }
0x8b: {  	s0 =	sand.u32 $0x1, s1  }
0x8c: {  	s17 =	sshll.u32 s0, $0xA;
	s2 =	sadd.s32 s3, s2  }
0x8d: {  	s2 =	sadd.s32 s2, s17  }
0x8e: {  	[smem:$0x3FBC] =	sst s2  }
0x8f: {  	_ = 	snop  }
0x90: {  	s2 =	sld [smem:$0x3FC9];
	(tm) =	ssettm $0x1  }
0x91: {  	s18 =	sld [smem:$0x3FFB];
	_ =	sdelay $0x3  }
0x92: {  	_ =	strace s18  }
0x93: {  	s3 =	sld [smem:$0x3FFC];
	_ =	sdelay $0x3  }
0x94: {  	_ =	strace s3  }
0x95: {  	s3 =	sld [smem:$0x3FFD];
	_ =	sdelay $0x3  }
0x96: {  	_ =	strace s3  }
0x97: {  	_ =	strace $0x8FFFFFFF  }
0x98: {  	s19 =	sld [smem:$0x3FDB];
	_ =	sdelay $0x1  }
0x99: {  	s4 =	simm.s32 $_scs_section_size  }
0x9a: {  	s5 =	simm.s32 $_size__tile_overlayer_lowered;
	s6 =	simm.s32 $_tile_overlayer_lowered  }
0x9b: {  	s22 =	simm.s32 $0x1BFF;
	s21 =	sshll.u32 s6, $0x1;
	s3 =	sadd.s32 s4, s19  }
0x9c: {  	s7 =	simm.s32 $0x0;
	s20 =	sshll.u32 s5, $0x1;
	s5 =	sadd.s32 s21, s3  }
0x9d: {  	[timem:s7], [sflag:s22] =	dma.local [hbm:s5], s20  }
0x9e: {  	_ =	swait.ge [sflag:s22], s20  }
0x9f: {  	s4 =	ssub.s32 $0x0, s20;
	[sflag:s22] =	ssyncset.done $0x0  }
0xa0: {  	[sflag:s22] =	ssyncadd.s32 s4;
	_ =	sdelay $0x1  }
0xa1: {  	s23 =	simm.s32 $0x1B8B  }
0xa2: {  	_ =	swait.ge [sflag:s23], $0x1  }
0xa3: {  	[sflag:s23] =	ssyncset.done $0x0  }
0xa4: {  	s25 =	simm.s32 $0x1B8E;
	s24 =	sld [smem:$0x3FFE];
	[sflag:s23] =	ssyncadd.s32 $0xFFFFFFFF  }
0xa5: {  	s26 =	simm.s32 $execute0_lowered;
	[smem:$0x3FD2] =	sst s25  }
0xa6: {  	s5 =	sshll.u32 s26, $0x1;
	_ =	strace $0x80000046;
	[dreg:$0x1] =	wrdreg $0xFFFFFFFF  }
0xa7: {  	s28 =	simm.s32 $_size_execute0_lowered;
	s3 =	sadd.s32 s3, s5;
	[dreg:$0x0] =	wrdreg $0x0  }
0xa8: {  	s5 =	sshll.u32 s28, $0x1;
	[dreg:$0x2] =	wrdreg s3  }
0xa9: {  	[dreg:$0x3] =	wrdreg s5  }
0xaa: {  	[dreg:$0x4] =	wrdreg $0xC0  }
0xab: {  	_ =	task [dreg:s7], $0x5FFFF  }
0xac: {  	[dreg:$0x1] =	wrdreg $0xFFFFFFFF  }
0xad: {  	[dreg:$0x0] =	wrdreg $0x60  }
0xae: {  	[dreg:$0x2] =	wrdreg s2  }
0xaf: {  	[dreg:$0x3] =	wrdreg s24  }
0xb0: {  	[dreg:$0x4] =	wrdreg $0x120400  }
0xb1: {  	[dreg:$0x5] =	wrdreg $0xA  }
0xb2: {  	_ =	task.clear_ibuf [dreg:s7], $0x6FFFF;
	_ =	strace $0x90000046  }
0xb3: {  	s29 =	simm.s32 $0xA;
	_ =	strace $0x80000048  }
0xb4: {  	_ =	swait.ge [sflag:s29], $0x1  }
0xb5: {  	[sflag:s29] =	ssyncadd.s32 $0xFFFFFFFF  }
0xb6: {  	_ =	strace $0x90000048  }
0xb7: {  	_ =	sfence  }
0xb8: {  	s30 =	sld [smem:$0x0];
	_ =	sdelay $0x2  }
0xb9: {  	s31 =	sshll.u32 s1, $0xD;
	s1 =	sshrl.u32 s1, $0x2  }
0xba: {  	s3 =	sand.u32 $0x4000, s31;
	s1 =	sadd.s32 s1, s30  }
0xbb: {  	s0 =	sor.u32 s3, s0;
	s1 =	sshll.u32 s1, $0x11  }
0xbc: {  	s0 =	sor.u32 s1, s0  }
0xbd: {  	s0 =	sadd.s32 $0x8F2B, s0  }
0xbe: {  	[sflag:s0] =	ssyncadd.remote.s32 $0x1  }
0xbf: {  	_ =	sfence.sel $0xFFFF  }
0xc0: {  	[dreg:$0x0] =	wrdreg $0xFFFFFFFF;
	(pc) =	sbr.abs _section_cstart, $3  }
0xc1: {  	[dreg:$0x1] =	wrdreg $0xFFFFFFFF  }
0xc2: {  	_ =	task.clear_ibuf [dreg:s7], $0x2FFFF;
	_ =	strace $0x9FFFFFFF  }
0xc3: {  	(tm) =	ssettm $0x7FFFFFFF  }
tec
execute0_lowered:
.L_overlay_start_1:
0x0: {  	(tag) =	ssettag $0x1  }
0x1: {  	s1 =	rddreg [dreg:$0x0]  }
0x2: {  	s0 =	rddreg [dreg:$0x1]  }
0x3: {  	s7 =	stileid.u32;
	s4 =	srdreg.scid  }
0x4: {  	s3 =	rddreg [dreg:$0x2];
	s28 =	simm.s32 $0x2;
	s31 =	simm.s32 $0xD840  }
0x5: {  	s29 =	simm.s32 $0xEC40;
	s30 =	simm.s32 $0x4;
	s2 =	smul.u32 $0x9C4, s7  }
0x6: {  	s11 =	simm.s32 $0x8;
	s13 =	simm.s32 $0xA;
	s5 =	smul.u32 $0x280, s7  }
0x7: {  	s12 =	sand.u32 $0x1, s4;
	s4 =	simm.s32 $0x0;
	s7 =	smul.u32 $0x28000, s7  }
0x8: {  	s14 =	simm.s32 $0x0;
	s6 =	smul.u32 $0x2800, s12;
	[smem:$0x7FF] =	sst s4  }
0x9: {  	s18 =	ssub.s32 $0x2, s12;
	_ =	strace $0x80000047;
	s2 =	sadd.s32 s2, s0  }
0xa: {  	s7 =	sshrl.u32 s7, $0x2;
	s8 =	sshrl.u32 s18, $0x1;
	s21 =	sadd.s32 $0xC200, s2  }
0xb: {  	s5 =	sadd.s32 s5, s6;
	s2 =	sadd.s32 $0x2400, s2;
	[dreg:$0x6] =	wrdreg s21  }
0xc: {  	s10 =	ssub.s32 s18, s8;
	s5 =	sshll.u32 s5, $0x3;
	[dreg:$0x7] =	wrdreg s2  }
0xd: {  	s26 =	smax.u32 s10, $0x1;
	s0 =	sadd.s32 s5, s0;
	s5 =	sadd.s32 s7, s3  }
0xe: {  	v0 =	vmov s12;
	s12 =	simm.s32 $0x9;
	[dreg:$0xd] =	wrdreg s26;
	s19 =	sadd.s32 $0x6000, s5  }
0xf: {  	s18 =	simm.s32 $0x10040;
	s20 =	sadd.s32 $0x8000, s5;
	[dreg:$0x4] =	wrdreg s19  }
0x10: {  	s21 =	simm.s32 $0x50;
	s22 =	sadd.s32 $0x16000, s0;
	[dreg:$0x5] =	wrdreg s20  }
0x11: {  	s2 =	simm.s32 $0x3;
	s23 =	sadd.s32 $0x16400, s0;
	[dreg:$0x8] =	wrdreg s22  }
0x12: {  	s10 =	simm.s32 $0x7;
	s24 =	sadd.s32 $0x16800, s0;
	[dreg:$0x9] =	wrdreg s23  }
.Ltmp0:
0x13: {  	s25 =	sadd.s32 $0x16C00, s0;
	[dreg:$0xa] =	wrdreg s24;
	(pc) =	sbr.rel .LBB2_1-.Ltmp0, $4  }
0x14: {  	s26 =	simm.s32 $0xC440;
	s0 =	sadd.s32 $0x17000, s0;
	[dreg:$0xb] =	wrdreg s25  }
0x15: {  	s6 =	sadd.s32 $0x2000, s5;
	s7 =	sadd.s32 $0x4000, s5;
	[dreg:$0xc] =	wrdreg s0  }
0x16: {  	s19 =	simm.s32 $0xB;
	s22 =	simm.s32 $0x9C40;
	s23 =	simm.s32 $0xB040  }
0x17: {  	v1 =	vimm.f32 $0.0e+00;
	s24 =	simm.s32 $0x1;
	s25 =	simm.s32 $0x6;
	s0 =	simm.s32 $0x5  }
.LBB2_8:
0x18: {  	_ =	swait.ge [sflag:s0], $0x1400  }
0x19: {  	[sflag:s0] =	ssyncset.done $0x0  }
0x1a: {  	[sflag:s0] =	ssyncadd.s32 $0xFFFFEC00  }
0x1b: {  	[spmem:s3] =	stream.indirect.scatter.add.f32 [tilespmem:s29], [sflag:$0xA], $0x40, s16, s21, $0xb8;
	[tilespmem:$0x1C040] =	vst v63  }
0x1c: {  	_ =	swait.ge [sflag:s10], $0x1400  }
0x1d: {  	[sflag:s10] =	ssyncset.done $0x0  }
0x1e: {  	[sflag:s10] =	ssyncadd.s32 $0xFFFFEC00  }
0x1f: {  	_ =	swait.ge [sflag:s11], $0x1400  }
0x20: {  	[sflag:s11] =	ssyncset.done $0x0  }
0x21: {  	[sflag:s11] =	ssyncadd.s32 $0xFFFFEC00  }
0x22: {  	_ =	swait.ge [sflag:s12], $0x1400  }
0x23: {  	[sflag:s12] =	ssyncset.done $0x0  }
0x24: {  	[sflag:s12] =	ssyncadd.s32 $0xFFFFEC00  }
0x25: {  	_ =	swait.ge [sflag:s13], $0x1400  }
0x26: {  	[sflag:s13] =	ssyncset.done $0x0  }
0x27: {  	[sflag:s13] =	ssyncadd.s32 $0xFFFFEC00  }
0x28: {  	[bflag:$0x0] =	sbarrier.arrive $0xFFFF  }
0x29: {  	[tilespmem:s18], [sflag:$0xB] =	stream.linear.gather [spmem:s5], $0x2000, $0x38;
	[tilespmem:$0x1C040] =	vst v63  }
0x2a: {  	_ =	swait.ge [sflag:s19], $0x2000  }
0x2b: {  	[sflag:s19] =	ssyncset.done $0x0  }
0x2c: {  	s6 =	rddreg [dreg:$0x8];
	[sflag:s19] =	ssyncadd.s32 $0xFFFFE000  }
0x2d: {  	[hbm4b:s6+s4] =	stream.linear.scatter [tilespmem:s18], [sflag:$0xB], $0x2000, $0x38;
	[tilespmem:$0x1C040] =	vst v63  }
0x2e: {  	_ =	swait.ge [sflag:s19], $0x2000  }
0x2f: {  	[sflag:s19] =	ssyncset.done $0x0  }
0x30: {  	[sflag:s19] =	ssyncadd.s32 $0xFFFFE000  }
0x31: {  	[tilespmem:s18], [sflag:$0xB] =	stream.linear.gather [spmem:s8], $0x2000, $0x38;
	[tilespmem:$0x1C040] =	vst v63  }
0x32: {  	_ =	swait.ge [sflag:s19], $0x2000  }
0x33: {  	[sflag:s19] =	ssyncset.done $0x0  }
0x34: {  	s17 =	rddreg [dreg:$0x9];
	[sflag:s19] =	ssyncadd.s32 $0xFFFFE000  }
0x35: {  	[hbm4b:s17+s4] =	stream.linear.scatter [tilespmem:s18], [sflag:$0xB], $0x2000, $0x38;
	[tilespmem:$0x1C040] =	vst v63  }
0x36: {  	_ =	swait.ge [sflag:s19], $0x2000  }
0x37: {  	[sflag:s19] =	ssyncset.done $0x0  }
0x38: {  	[sflag:s19] =	ssyncadd.s32 $0xFFFFE000  }
0x39: {  	[tilespmem:s18], [sflag:$0xB] =	stream.linear.gather [spmem:s7], $0x2000, $0x38;
	[tilespmem:$0x1C040] =	vst v63  }
0x3a: {  	_ =	swait.ge [sflag:s19], $0x2000  }
0x3b: {  	[sflag:s19] =	ssyncset.done $0x0  }
0x3c: {  	s20 =	rddreg [dreg:$0xa];
	[sflag:s19] =	ssyncadd.s32 $0xFFFFE000  }
0x3d: {  	[hbm4b:s20+s4] =	stream.linear.scatter [tilespmem:s18], [sflag:$0xB], $0x2000, $0x38;
	[tilespmem:$0x1C040] =	vst v63  }
0x3e: {  	_ =	swait.ge [sflag:s19], $0x2000  }
0x3f: {  	[sflag:s19] =	ssyncset.done $0x0  }
0x40: {  	s9 =	rddreg [dreg:$0x4];
	[sflag:s19] =	ssyncadd.s32 $0xFFFFE000  }
0x41: {  	[tilespmem:s18], [sflag:$0xB] =	stream.linear.gather [spmem:s9], $0x2000, $0x38;
	[tilespmem:$0x1C040] =	vst v63  }
0x42: {  	_ =	swait.ge [sflag:s19], $0x2000  }
0x43: {  	[sflag:s19] =	ssyncset.done $0x0  }
0x44: {  	s15 =	rddreg [dreg:$0xb];
	[sflag:s19] =	ssyncadd.s32 $0xFFFFE000  }
0x45: {  	[hbm4b:s15+s4] =	stream.linear.scatter [tilespmem:s18], [sflag:$0xB], $0x2000, $0x38;
	[tilespmem:$0x1C040] =	vst v63  }
0x46: {  	_ =	swait.ge [sflag:s19], $0x2000  }
0x47: {  	[sflag:s19] =	ssyncset.done $0x0  }
0x48: {  	s16 =	rddreg [dreg:$0x5];
	[sflag:s19] =	ssyncadd.s32 $0xFFFFE000  }
0x49: {  	[tilespmem:s18], [sflag:$0xB] =	stream.linear.gather [spmem:s16], $0x2000, $0x38;
	[tilespmem:$0x1C040] =	vst v63  }
0x4a: {  	_ =	swait.ge [sflag:s19], $0x2000  }
0x4b: {  	[sflag:s19] =	ssyncset.done $0x0  }
0x4c: {  	s17 =	rddreg [dreg:$0xc];
	[sflag:s19] =	ssyncadd.s32 $0xFFFFE000  }
0x4d: {  	[hbm4b:s17+s4] =	stream.linear.scatter [tilespmem:s18], [sflag:$0xB], $0x2000, $0x38;
	[tilespmem:$0x1C040] =	vst v63  }
0x4e: {  	_ =	swait.ge [sflag:s19], $0x2000  }
0x4f: {  	s14 =	sadd.s32 $0x1, s14;
	s20 =	rddreg [dreg:$0xd]  }
0x50: {  	p0 =	sne.s32 s14, s20  }
.Ltmp1:
0x51: {  	_ = 	snop;
	(pc) =	sbr.rel @!p0 .LBB2_9-.Ltmp1, $3  }
0x52: {  	_ =	sdelay $0x1  }
0x53: {  	[sflag:s19] =	ssyncset.done $0x0  }
0x54: {  	s6 =	smov.u32 s8;
	[sflag:s19] =	ssyncadd.s32 $0xFFFFE000  }
.LBB2_1:
0x55: {  	s15 =	sand.u32 $0x7F00, s4  }
0x56: {  	s16 =	sand.u32 $0x30, s4;
	s17 =	sshrl.u32 s15, $0x2  }
0x57: {  	s15 =	simm.s32 $0x40;
	s17 =	sor.u32 s16, s17;
	s16 =	simm.s32 $0x0  }
.LBB2_2:
0x58: {  	p0 =	sne.s32 s15, $0x7FC0  }
0x59: {  	[tilespmem:s17+$0x10040] =	vst v1;
	s16 =	sadd.s32 $0x10, s16;
	s17 =	smov.u32 s15;
	s15 =	sadd.s32 $0x40, s15  }
.Ltmp2:
0x5a: {  	(pc) =	sbr.rel @p0 .LBB2_2-.Ltmp2, $4  }
0x5b: {  	_ = 	snop  }
0x5c: {  	s17 =	sand.u32 $0x7F00, s17  }
0x5d: {  	s20 =	sand.u32 $0x30, s16;
	s17 =	sshrl.u32 s17, $0x2  }
0x5e: {  	s17 =	sor.u32 s20, s17  }
0x5f: {  	[tilespmem:s17+$0x10040] =	vst v1  }
0x60: {  	[spmem:s5] =	stream.linear.scatter [tilespmem:s18], [sflag:$0xB], $0x2000, $0x38;
	[tilespmem:$0x1C040] =	vst v63  }
0x61: {  	_ =	swait.ge [sflag:s19], $0x2000  }
0x62: {  	[sflag:s19] =	ssyncset.done $0x0  }
0x63: {  	[sflag:s19] =	ssyncadd.s32 $0xFFFFE000  }
0x64: {  	[spmem:s6] =	stream.linear.scatter [tilespmem:s18], [sflag:$0xB], $0x2000, $0x38;
	[tilespmem:$0x1C040] =	vst v63  }
0x65: {  	_ =	swait.ge [sflag:s19], $0x2000  }
0x66: {  	[sflag:s19] =	ssyncset.done $0x0  }
0x67: {  	[sflag:s19] =	ssyncadd.s32 $0xFFFFE000  }
0x68: {  	[spmem:s7] =	stream.linear.scatter [tilespmem:s18], [sflag:$0xB], $0x2000, $0x38;
	[tilespmem:$0x1C040] =	vst v63  }
0x69: {  	_ =	swait.ge [sflag:s19], $0x2000  }
0x6a: {  	[sflag:s19] =	ssyncset.done $0x0  }
0x6b: {  	s9 =	smov.u32 s7;
	s7 =	rddreg [dreg:$0x4];
	[sflag:s19] =	ssyncadd.s32 $0xFFFFE000  }
0x6c: {  	[spmem:s7] =	stream.linear.scatter [tilespmem:s18], [sflag:$0xB], $0x2000, $0x38;
	[tilespmem:$0x1C040] =	vst v63  }
0x6d: {  	_ =	swait.ge [sflag:s19], $0x2000  }
0x6e: {  	[sflag:s19] =	ssyncset.done $0x0  }
0x6f: {  	s15 =	rddreg [dreg:$0x5];
	[sflag:s19] =	ssyncadd.s32 $0xFFFFE000  }
0x70: {  	[spmem:s15] =	stream.linear.scatter [tilespmem:s18], [sflag:$0xB], $0x2000, $0x38;
	[tilespmem:$0x1C040] =	vst v63  }
0x71: {  	_ =	swait.ge [sflag:s19], $0x2000  }
0x72: {  	[sflag:s19] =	ssyncset.done $0x0  }
0x73: {  	[sflag:s19] =	ssyncadd.s32 $0xFFFFE000  }
0x74: {  	[bflag:$0x0] =	sbarrier.arrive $0xFFFF  }
0x75: {  	s15 =	simm.s32 $0x0;
	s16 =	rddreg [dreg:$0x6]  }
0x76: {  	[tilespmem:s15], [sflag:$0xB] =	stream.linear.gather [hbm4b:s16+s15], $0x4E20, $0x38;
	[tilespmem:$0x1C040] =	vst v63  }
0x77: {  	s16 =	smul.u32 $0xCCCD, s15  }
0x78: {  	s8 =	smov.u32 s6;
	_ =	swait.ge [sflag:s19], $0x4E20  }
0x79: {  	s20 =	simm.s32 $0x4E20;
	[sflag:s19] =	ssyncset.done $0x0;
	s6 =	sshrl.u32 s16, $0x12  }
0x7a: {  	s17 =	rddreg [dreg:$0x7];
	[sflag:s19] =	ssyncadd.s32 $0xFFFFB1E0;
	s16 =	smul.u32 $0x5, s6  }
0x7b: {  	[tilespmem:s20], [sflag:$0xB] =	stream.linear.gather [hbm4b:s17+s15], $0x4E20, $0x38;
	[tilespmem:$0x1C040] =	vst v63  }
0x7c: {  	s15 =	smul.u32 $0x140, s6;
	s20 =	simm.s32 $0x1;
	s16 =	ssub.s32 $0x0, s16  }
0x7d: {  	_ =	swait.ge [sflag:s19], $0x4E20;
	s17 =	smul.u32 $0xCCCD, s20;
	s16 =	sand.u32 $0xFFFF, s16  }
0x7e: {  	[sflag:s19] =	ssyncset.done $0x0;
	s15 =	sshrl.u32 s15, $0x2;
	s7 =	sshll.u32 s16, $0x4  }
0x7f: {  	[sflag:s19] =	ssyncadd.s32 $0xFFFFB1E0;
	s16 =	simm.s32 $0x2;
	s15 =	sadd.s32 s7, s15  }
.LBB2_4:
0x80: {  	p0 =	sne.s32 s16, $0x4E1;
	v2 =	vld [tilespmem:s15+$0x0]  }
0x81: {  	s6 =	sshrl.u32 s17, $0x12  }
0x82: {  	s17 =	smul.u32 $0x5, s6  }
.Ltmp3:
0x83: {  	(pc) =	sbr.rel @p0 .LBB2_4-.Ltmp3, $4  }
0x84: {  	s6 =	smul.u32 $0x140, s6;
	s17 =	ssub.s32 s20, s17;
	s20 =	smov.u32 s16  }
0x85: {  	s17 =	sand.u32 $0xFFFF, s17;
	v2 =	vshll.u32 v2, $0x1  }
0x86: {  	s6 =	sshrl.u32 s6, $0x2;
	s7 =	sshll.u32 s17, $0x4;
	v2 =	vor.u32 v0, v2  }
0x87: {  	s16 =	sadd.s32 $0x1, s16;
	s17 =	smul.u32 $0xCCCD, s20;
	[tilespmem:s15+$0x0] =	vst v2;
	s15 =	sadd.s32 s7, s6  }
0x88: {  	v2 =	vld [tilespmem:s15+$0x0]  }
0x89: {  	s6 =	sshrl.u32 s17, $0x12  }
0x8a: {  	s7 =	smul.u32 $0x5, s6;
	_ =	sdelay $0x1  }
0x8b: {  	s6 =	smul.u32 $0x140, s6;
	s7 =	ssub.s32 s20, s7  }
0x8c: {  	s7 =	sand.u32 $0xFFFF, s7;
	v2 =	vshll.u32 v2, $0x1  }
0x8d: {  	s6 =	sshrl.u32 s6, $0x2;
	s7 =	sshll.u32 s7, $0x4;
	v2 =	vor.u32 v0, v2  }
0x8e: {  	s6 =	sadd.s32 s7, s6;
	[tilespmem:s15+$0x0] =	vst v2  }
0x8f: {  	v2 =	vld [tilespmem:s6+$0x0];
	_ =	sdelay $0x4  }
0x90: {  	v2 =	vshll.u32 v2, $0x1  }
0x91: {  	v2 =	vor.u32 v0, v2  }
0x92: {  	s15 =	simm.s32 $0x0;
	[tilespmem:s6+$0x0] =	vst v2  }
0x93: {  	[tilespmem:s22], [sflag:$0x1] =	stream.indirect.gather [hbm4b:s1+s21], $0x40, s15, s21, $0xb8;
	[tilespmem:$0x1C040] =	vst v63  }
0x94: {  	_ = 	snop  }
0x95: {  	[tilespmem:s23], [sflag:$0x2] =	stream.indirect.gather [hbm4b:s1+s21], $0x40, s21, s21, $0xb8;
	[tilespmem:$0x1C040] =	vst v63  }
0x96: {  	_ =	swait.ge [sflag:s24], $0x1400  }
0x97: {  	[sflag:s24] =	ssyncset.done $0x0  }
0x98: {  	s17 =	simm.s32 $0x4E20;
	[sflag:s24] =	ssyncadd.s32 $0xFFFFEC00  }
0x99: {  	[spmem:s3] =	stream.indirect.scatter.add.f32 [tilespmem:s22], [sflag:$0x6], $0x40, s17, s21, $0xb8;
	[tilespmem:$0x1C040] =	vst v63  }
0x9a: {  	s20 =	simm.s32 $0xA0  }
0x9b: {  	[tilespmem:s26], [sflag:$0x3] =	stream.indirect.gather [hbm4b:s1+s21], $0x40, s20, s21, $0xb8;
	[tilespmem:$0x1C040] =	vst v63  }
0x9c: {  	_ =	swait.ge [sflag:s28], $0x1400  }
0x9d: {  	[sflag:s28] =	ssyncset.done $0x0  }
0x9e: {  	s7 =	simm.s32 $0x4E70;
	[sflag:s28] =	ssyncadd.s32 $0xFFFFEC00  }
0x9f: {  	[spmem:s3] =	stream.indirect.scatter.add.f32 [tilespmem:s23], [sflag:$0x7], $0x40, s7, s21, $0xb8;
	[tilespmem:$0x1C040] =	vst v63  }
0xa0: {  	s16 =	simm.s32 $0xF0  }
0xa1: {  	[tilespmem:s31], [sflag:$0x4] =	stream.indirect.gather [hbm4b:s1+s21], $0x40, s16, s21, $0xb8;
	[tilespmem:$0x1C040] =	vst v63  }
0xa2: {  	_ =	swait.ge [sflag:s2], $0x1400  }
0xa3: {  	[sflag:s2] =	ssyncset.done $0x0  }
0xa4: {  	s17 =	simm.s32 $0x4EC0;
	[sflag:s2] =	ssyncadd.s32 $0xFFFFEC00  }
0xa5: {  	[spmem:s3] =	stream.indirect.scatter.add.f32 [tilespmem:s26], [sflag:$0x8], $0x40, s17, s21, $0xb8;
	[tilespmem:$0x1C040] =	vst v63  }
0xa6: {  	s20 =	simm.s32 $0x140  }
0xa7: {  	[tilespmem:s29], [sflag:$0x5] =	stream.indirect.gather [hbm4b:s1+s21], $0x40, s20, s21, $0xb8;
	[tilespmem:$0x1C040] =	vst v63  }
0xa8: {  	_ =	swait.ge [sflag:s30], $0x1400  }
0xa9: {  	[sflag:s30] =	ssyncset.done $0x0  }
0xaa: {  	s7 =	simm.s32 $0x4F10;
	[sflag:s30] =	ssyncadd.s32 $0xFFFFEC00  }
0xab: {  	[spmem:s3] =	stream.indirect.scatter.add.f32 [tilespmem:s31], [sflag:$0x9], $0x40, s7, s21, $0xb8;
	[tilespmem:$0x1C040] =	vst v63  }
0xac: {  	_ =	swait.ge [sflag:s25], $0x1400  }
0xad: {  	[sflag:s25] =	ssyncset.done $0x0  }
0xae: {  	s16 =	simm.s32 $0x190;
	[sflag:s25] =	ssyncadd.s32 $0xFFFFEC00  }
0xaf: {  	[tilespmem:s22], [sflag:$0x1] =	stream.indirect.gather [hbm4b:s1+s21], $0x40, s16, s21, $0xb8;
	[tilespmem:$0x1C040] =	vst v63  }
0xb0: {  	_ =	swait.ge [sflag:s0], $0x1400  }
0xb1: {  	[sflag:s0] =	ssyncset.done $0x0  }
0xb2: {  	s17 =	simm.s32 $0x4F60;
	[sflag:s0] =	ssyncadd.s32 $0xFFFFEC00  }
0xb3: {  	[spmem:s3] =	stream.indirect.scatter.add.f32 [tilespmem:s29], [sflag:$0xA], $0x40, s17, s21, $0xb8;
	[tilespmem:$0x1C040] =	vst v63  }
0xb4: {  	_ =	swait.ge [sflag:s10], $0x1400  }
0xb5: {  	[sflag:s10] =	ssyncset.done $0x0  }
0xb6: {  	s20 =	simm.s32 $0x1E0;
	s7 =	smov.u32 s9;
	[sflag:s10] =	ssyncadd.s32 $0xFFFFEC00  }
0xb7: {  	[tilespmem:s23], [sflag:$0x2] =	stream.indirect.gather [hbm4b:s1+s21], $0x40, s20, s21, $0xb8;
	[tilespmem:$0x1C040] =	vst v63  }
.LBB2_6:
0xb8: {  	_ =	swait.ge [sflag:s24], $0x1400  }
0xb9: {  	s20 =	sshra.s32 s15, $0x2;
	[sflag:s24] =	ssyncset.done $0x0  }
0xba: {  	s6 =	sadd.s32 $0x4FB0, s20;
	[sflag:s24] =	ssyncadd.s32 $0xFFFFEC00  }
0xbb: {  	[spmem:s3] =	stream.indirect.scatter.add.f32 [tilespmem:s22], [sflag:$0x6], $0x40, s6, s21, $0xb8;
	[tilespmem:$0x1C040] =	vst v63  }
0xbc: {  	_ =	swait.ge [sflag:s11], $0x1400  }
0xbd: {  	[sflag:s11] =	ssyncset.done $0x0  }
0xbe: {  	s9 =	sadd.s32 $0x230, s20;
	[sflag:s11] =	ssyncadd.s32 $0xFFFFEC00  }
0xbf: {  	[tilespmem:s26], [sflag:$0x3] =	stream.indirect.gather [hbm4b:s1+s21], $0x40, s9, s21, $0xb8;
	[tilespmem:$0x1C040] =	vst v63  }
0xc0: {  	_ =	swait.ge [sflag:s28], $0x1400  }
0xc1: {  	[sflag:s28] =	ssyncset.done $0x0  }
0xc2: {  	s16 =	sadd.s32 $0x5000, s20;
	[sflag:s28] =	ssyncadd.s32 $0xFFFFEC00  }
0xc3: {  	[spmem:s3] =	stream.indirect.scatter.add.f32 [tilespmem:s23], [sflag:$0x7], $0x40, s16, s21, $0xb8;
	[tilespmem:$0x1C040] =	vst v63  }
0xc4: {  	_ =	swait.ge [sflag:s12], $0x1400  }
0xc5: {  	[sflag:s12] =	ssyncset.done $0x0  }
0xc6: {  	s17 =	sadd.s32 $0x280, s20;
	[sflag:s12] =	ssyncadd.s32 $0xFFFFEC00  }
0xc7: {  	[tilespmem:s31], [sflag:$0x4] =	stream.indirect.gather [hbm4b:s1+s21], $0x40, s17, s21, $0xb8;
	[tilespmem:$0x1C040] =	vst v63  }
0xc8: {  	_ =	swait.ge [sflag:s2], $0x1400  }
0xc9: {  	[sflag:s2] =	ssyncset.done $0x0  }
0xca: {  	s9 =	sadd.s32 $0x5050, s20;
	[sflag:s2] =	ssyncadd.s32 $0xFFFFEC00  }
0xcb: {  	[spmem:s3] =	stream.indirect.scatter.add.f32 [tilespmem:s26], [sflag:$0x8], $0x40, s9, s21, $0xb8;
	[tilespmem:$0x1C040] =	vst v63  }
0xcc: {  	_ =	swait.ge [sflag:s13], $0x1400  }
0xcd: {  	[sflag:s13] =	ssyncset.done $0x0  }
0xce: {  	s16 =	sadd.s32 $0x2D0, s20;
	[sflag:s13] =	ssyncadd.s32 $0xFFFFEC00  }
0xcf: {  	[tilespmem:s29], [sflag:$0x5] =	stream.indirect.gather [hbm4b:s1+s21], $0x40, s16, s21, $0xb8;
	[tilespmem:$0x1C040] =	vst v63  }
0xd0: {  	_ =	swait.ge [sflag:s30], $0x1400  }
0xd1: {  	p0 =	seq.s32 s15, $0x12C00;
	[sflag:s30] =	ssyncset.done $0x0  }
.Ltmp4:
0xd2: {  	s17 =	sadd.s32 $0x50A0, s20;
	[sflag:s30] =	ssyncadd.s32 $0xFFFFEC00;
	(pc) =	sbr.rel @p0 .LBB2_8-.Ltmp4, $4  }
0xd3: {  	[spmem:s3] =	stream.indirect.scatter.add.f32 [tilespmem:s31], [sflag:$0x9], $0x40, s17, s21, $0xb8;
	[tilespmem:$0x1C040] =	vst v63  }
0xd4: {  	_ =	swait.ge [sflag:s25], $0x1400  }
0xd5: {  	[sflag:s25] =	ssyncset.done $0x0  }
0xd6: {  	s16 =	sadd.s32 $0x50F0, s20;
	[sflag:s25] =	ssyncadd.s32 $0xFFFFEC00  }
0xd7: {  	s6 =	sadd.s32 $0x320, s20  }
0xd8: {  	[tilespmem:s22], [sflag:$0x1] =	stream.indirect.gather [hbm4b:s1+s21], $0x40, s6, s21, $0xb8;
	[tilespmem:$0x1C040] =	vst v63  }
0xd9: {  	_ =	swait.ge [sflag:s0], $0x1400  }
0xda: {  	[sflag:s0] =	ssyncset.done $0x0  }
0xdb: {  	[sflag:s0] =	ssyncadd.s32 $0xFFFFEC00  }
0xdc: {  	[spmem:s3] =	stream.indirect.scatter.add.f32 [tilespmem:s29], [sflag:$0xA], $0x40, s16, s21, $0xb8;
	[tilespmem:$0x1C040] =	vst v63  }
.Ltmp5:
0xdd: {  	_ = 	snop;
	(pc) =	sbr.rel .LBB2_6-.Ltmp5, $4  }
0xde: {  	_ =	swait.ge [sflag:s10], $0x1400  }
0xdf: {  	[sflag:s10] =	ssyncset.done $0x0  }
0xe0: {  	s20 =	sadd.s32 $0x370, s20;
	s15 =	sadd.s32 $0x640, s15;
	[sflag:s10] =	ssyncadd.s32 $0xFFFFEC00  }
0xe1: {  	[tilespmem:s23], [sflag:$0x2] =	stream.indirect.gather [hbm4b:s1+s21], $0x40, s20, s21, $0xb8;
	[tilespmem:$0x1C040] =	vst v63  }
.LBB2_9:
0xe2: {  	_ =	sfence.sel $0x180000  }
0xe3: {  	[bflag:$0x0] =	sbarrier.arrive $0xFFFF  }
0xe4: {  	_ =	strace $0x90000047  }
0xe5: {  	s0 =	stileid.u32;
	[bflag:$0x2] =	sbarrier.arrive $0xFFFF  }
0xe6: {  	p0 =	sne.s32 s0, $0x0;
	s0 =	rddreg [dreg:$0x3]  }
0xe7: {  	s0 =	sadd.s32 @!p0 $0x100000, s0  }
0xe8: {  	[sflag:s0] =	ssyncadd.tile.s32 @!p0 $0x1;
	_ =	shalt  }
.Lfunc_end2:
_tile_overlayer_lowered:
.L_overlay_start_2:
0xe9: {  	(tag) =	ssettag $0x2  }
0xea: {  	s0 =	rddreg [dreg:$0x0];
	s2 =	stileid.u32  }
0xeb: {  	s1 =	rddreg [dreg:$0x1];
	p0 =	sne.s32 s2, $0x0  }
0xec: {  	s3 =	rddreg [dreg:$0x2];
	[bflag:$0x3] =	sbarrier.arrive $0xFFFF;
	s2 =	simm.s32 @!p0 $0x1C0B  }
0xed: {  	[timem:s3], [sflag:s2] =	dma.local @!p0 [hbm:s0], s1  }
0xee: {  	s0 =	simm.s32 @!p0 $0xB  }
0xef: {  	_ =	swait.ge @!p0 [sflag:s0], s1  }
0xf0: {  	s1 =	ssub.s32 @!p0 $0x0, s1;
	[sflag:s0] =	ssyncset.done @!p0 $0x0  }
0xf1: {  	[sflag:s0] =	ssyncadd.s32 @!p0 s1  }
0xf2: {  	[bflag:$0x3] =	sbarrier.arrive $0xFFFF  }
0xf3: {  	_ =	shalt  }

// kernel: kernel.13.cloned.1.call-start
scs
__scs_entry_jumppad:
0x0: {  	(pc) =	sbr.rel $0x88, $3  }
0x1: {  	(tag) =	ssettag $0x0;
	lr =	simm.s32 $0x1  }
0x2: {  	[smem:$0x3F95] =	sst lr;
	_ =	strace $0xD0000000  }
0x3: {  	_ = 	snop  }
0x4: {  	_ = 	snop  }
0x5: {  	_ = 	snop  }
0x6: {  	_ = 	snop  }
0x7: {  	_ = 	snop  }
__scs_overlays_trampoline_lowered:
0x8: {  	[smem:$0x3FA4] =	sst s0  }
0x9: {  	[smem:$0x3FA5] =	sst s1  }
0xa: {  	[smem:$0x3FA6] =	sst s2  }
0xb: {  	[smem:$0x3FA7] =	sst s3  }
0xc: {  	[smem:$0x3FA8] =	sst s4  }
0xd: {  	[smem:$0x3FA9] =	sst s5  }
0xe: {  	[smem:$0x3FAA] =	sst s6  }
0xf: {  	[smem:$0x3FAB] =	sst s7  }
0x10: {  	[smem:$0x3FAC] =	sst s8  }
0x11: {  	[smem:$0x3FAD] =	sst s9;
	s0 =	simm.s32 @!p0 $0x0  }
0x12: {  	s1 =	sld [smem:$0x3F93];
	s0 =	simm.s32 @p0 $0x1  }
0x13: {  	[smem:$0x3FAE] =	sst s0;
	s0 =	simm.s32 @!p1 $0x0  }
0x14: {  	s2 =	sld [smem:$0x3F92];
	s0 =	simm.s32 @p1 $0x1  }
0x15: {  	[smem:$0x3FAF] =	sst s0;
	s0 =	simm.s32 @!p2 $0x0  }
0x16: {  	s3 =	sld [smem:$0x3FDB];
	s0 =	simm.s32 @p2 $0x1  }
0x17: {  	s4 =	simm.s32 $0x1BF5;
	[smem:$0x3FB1] =	sst s0  }
0x18: {  	s0 =	sld [smem:$0x3F94];
	_ =	swait.ge [sflag:s4], $0x0  }
0x19: {  	s7 =	sld [smem:$0x3F95]  }
0x1a: {  	s8 =	sadd.s32 $0xFFFFE003, lr  }
0x1b: {  	s9 =	sadd.s32 $0xFFFFFEF7, lr;
	s5 =	simm.s32 $0xFFFFFFFF;
	p2 =	slt.u32 s8, $0xFFFFF086  }
0x1c: {  	p1 =	slt.u32 s9, $0xF7A;
	s5 =	simm.s32 @!p2 $0x0  }
0x1d: {  	s5 =	simm.s32 @p1 $0x1;
	p0 =	seq.s32 s7, s2  }
0x1e: {  	s7 =	smul.u32 @!p0 $0xF7A, s2;
	p2 =	seq.s32 @!p0 s5, $0x0  }
0x1f: {  	s9 =	smul.u32 $0xF7A, s1;
	s8 =	simm.s32 @!p0 $0x1BF5;
	p2 =	por !p2, p0  }
0x20: {  	[sflag:s8] =	ssyncset.s32 @!p0 $0xFFFFF086;
	s6 =	sadd.s32 @!p0 s3, s7;
	s7 =	simm.s32 @!p0 $0x108  }
0x21: {  	s3 =	sadd.s32 s3, s9;
	s6 =	sadd.s32 @!p0 $0x88, s6;
	s7 =	simm.s32 @p2 $0x1082  }
0x22: {  	[simem:s7], [sflag:s8] =	dma.local @!p0 [hbm:s6], $0xF7A  }
0x23: {  	s9 =	sor.u32 $0xD0000000, s2;
	s6 =	simm.s32 $0x108;
	_ =	swait.ge @!p0 [sflag:s8], $0x0  }
0x24: {  	s3 =	sadd.s32 $0x88, s3;
	s6 =	simm.s32 @!p1 $0x1082;
	[sflag:s4] =	ssyncset.s32 $0xFFFFF086  }
0x25: {  	[simem:s6], [sflag:s4] =	dma.local [hbm:s3], $0xF7A  }
0x26: {  	[smem:$0x3F95] =	sst s1;
	(tag) =	ssettag s2;
	_ =	strace s9  }
0x27: {  	s1 =	sld [smem:$0x3FA5]  }
0x28: {  	s2 =	sld [smem:$0x3FA6]  }
0x29: {  	s4 =	sld [smem:$0x3FA8]  }
0x2a: {  	p0 =	seq.s32 s5, $0x0;
	s5 =	sld [smem:$0x3FA9]  }
0x2b: {  	s6 =	sld [smem:$0x3FAA]  }
0x2c: {  	s7 =	sld [smem:$0x3FAB]  }
0x2d: {  	s3 =	simm.s32 $0x108;
	s8 =	sld [smem:$0x3FAC]  }
0x2e: {  	s3 =	simm.s32 @!p0 $0x1082;
	s9 =	sld [smem:$0x3FAD]  }
0x2f: {  	lr =	sadd.s32 s0, s3;
	s0 =	sld [smem:$0x3FA4]  }
0x30: {  	s3 =	sld [smem:$0x3FA7]  }
0x31: {  	[smem:$0x3FB0] =	sst s10  }
0x32: {  	s10 =	sld [smem:$0x3FAE];
	_ =	sdelay $0x3  }
0x33: {  	p0 =	seq.s32 s10, $0x1;
	s10 =	sld [smem:$0x3FB0];
	_ =	sdelay $0x3  }
0x34: {  	[smem:$0x3FB0] =	sst s10  }
0x35: {  	s10 =	sld [smem:$0x3FAF];
	_ =	sdelay $0x3  }
0x36: {  	p1 =	seq.s32 s10, $0x1;
	s10 =	sld [smem:$0x3FB0];
	_ =	sdelay $0x3  }
0x37: {  	[smem:$0x3FB0] =	sst s10  }
0x38: {  	s10 =	sld [smem:$0x3FB1]  }
0x39: {  	_ = 	snop;
	(pc) =	sbr.ind lr, $3  }
0x3a: {  	_ = 	snop  }
0x3b: {  	_ = 	snop  }
0x3c: {  	p2 =	seq.s32 s10, $0x1;
	s10 =	sld [smem:$0x3FB0]  }
0x3d: {  	_ =	shalt  }
0x3e: {  	_ =	shalt  }
0x3f: {  	_ =	shalt  }
0x40: {  	_ =	shalt  }
0x41: {  	_ =	shalt  }
0x42: {  	_ =	shalt  }
0x43: {  	_ =	shalt  }
0x44: {  	_ =	shalt  }
0x45: {  	_ =	shalt  }
0x46: {  	_ =	shalt  }
0x47: {  	_ =	shalt  }
0x48: {  	_ =	shalt  }
0x49: {  	_ =	shalt  }
0x4a: {  	_ =	shalt  }
0x4b: {  	_ =	shalt  }
0x4c: {  	_ =	shalt  }
0x4d: {  	_ =	shalt  }
0x4e: {  	_ =	shalt  }
0x4f: {  	_ =	shalt  }
0x50: {  	_ =	shalt  }
0x51: {  	_ =	shalt  }
0x52: {  	_ =	shalt  }
0x53: {  	_ =	shalt  }
0x54: {  	_ =	shalt  }
0x55: {  	_ =	shalt  }
0x56: {  	_ =	shalt  }
0x57: {  	_ =	shalt  }
0x58: {  	_ =	shalt  }
0x59: {  	_ =	shalt  }
0x5a: {  	_ =	shalt  }
0x5b: {  	_ =	shalt  }
0x5c: {  	_ =	shalt  }
0x5d: {  	_ =	shalt  }
0x5e: {  	_ =	shalt  }
0x5f: {  	_ =	shalt  }
0x60: {  	_ =	shalt  }
0x61: {  	_ =	shalt  }
0x62: {  	_ =	shalt  }
0x63: {  	_ =	shalt  }
0x64: {  	_ =	shalt  }
0x65: {  	_ =	shalt  }
0x66: {  	_ =	shalt  }
0x67: {  	_ =	shalt  }
0x68: {  	_ =	shalt  }
0x69: {  	_ =	shalt  }
0x6a: {  	_ =	shalt  }
0x6b: {  	_ =	shalt  }
0x6c: {  	_ =	shalt  }
0x6d: {  	_ =	shalt  }
0x6e: {  	_ =	shalt  }
0x6f: {  	_ =	shalt  }
0x70: {  	_ =	shalt  }
0x71: {  	_ =	shalt  }
0x72: {  	_ =	shalt  }
0x73: {  	_ =	shalt  }
0x74: {  	_ =	shalt  }
0x75: {  	_ =	shalt  }
0x76: {  	_ =	shalt  }
0x77: {  	_ =	shalt  }
0x78: {  	_ =	shalt  }
0x79: {  	_ =	shalt  }
0x7a: {  	_ =	shalt  }
0x7b: {  	_ =	shalt  }
0x7c: {  	_ =	shalt  }
0x7d: {  	_ =	shalt  }
0x7e: {  	_ =	shalt  }
0x7f: {  	_ =	shalt  }
0x80: {  	_ =	shalt  }
0x81: {  	_ =	shalt  }
0x82: {  	_ =	shalt  }
0x83: {  	_ =	shalt  }
0x84: {  	_ =	shalt  }
0x85: {  	_ =	shalt  }
0x86: {  	_ =	shalt  }
0x87: {  	_ =	shalt  }
.Lfunc_end0:
.L_simem_size_0:
called_computation.2_lowered:
.L_overlay_start_0:
0x88: {  	s2 =	sld [smem:$0x3FD9]  }
0x89: {  	s3 =	sld [smem:$0x3FFE];
	_ =	sdelay $0x1  }
0x8a: {  	s1 =	srdreg.scid  }
0x8b: {  	s0 =	sand.u32 $0x1, s1  }
0x8c: {  	s16 =	sshll.u32 s0, $0xA;
	s2 =	sadd.s32 s3, s2  }
0x8d: {  	s2 =	sadd.s32 s2, s16  }
0x8e: {  	[smem:$0x3FBC] =	sst s2  }
0x8f: {  	_ = 	snop  }
0x90: {  	(tm) =	ssettm $0x1  }
0x91: {  	s17 =	sld [smem:$0x3FFB];
	_ =	sdelay $0x3  }
0x92: {  	_ =	strace s17  }
0x93: {  	s2 =	sld [smem:$0x3FFC];
	_ =	sdelay $0x3  }
0x94: {  	_ =	strace s2  }
0x95: {  	s2 =	sld [smem:$0x3FFD];
	_ =	sdelay $0x3  }
0x96: {  	_ =	strace s2  }
0x97: {  	_ =	strace $0x8FFFFFFF  }
0x98: {  	s18 =	sld [smem:$0x3FDB];
	_ =	sdelay $0x1  }
0x99: {  	s19 =	simm.s32 $_scs_section_size  }
0x9a: {  	s4 =	simm.s32 $_size__tile_overlayer_lowered;
	s5 =	simm.s32 $_tile_overlayer_lowered  }
0x9b: {  	s22 =	simm.s32 $0x1BFF;
	s21 =	sshll.u32 s5, $0x1;
	s2 =	sadd.s32 s19, s18  }
0x9c: {  	s6 =	simm.s32 $0x0;
	s20 =	sshll.u32 s4, $0x1;
	s4 =	sadd.s32 s21, s2  }
0x9d: {  	[timem:s6], [sflag:s22] =	dma.local [hbm:s4], s20  }
0x9e: {  	_ =	swait.ge [sflag:s22], s20  }
0x9f: {  	s3 =	ssub.s32 $0x0, s20;
	[sflag:s22] =	ssyncset.done $0x0  }
0xa0: {  	[sflag:s22] =	ssyncadd.s32 s3;
	_ =	sdelay $0x1  }
0xa1: {  	s23 =	simm.s32 $0x1B8B  }
0xa2: {  	_ =	swait.ge [sflag:s23], $0x1  }
0xa3: {  	[sflag:s23] =	ssyncset.done $0x0  }
0xa4: {  	s25 =	simm.s32 $0x1B8E;
	s24 =	sld [smem:$0x3FFE];
	[sflag:s23] =	ssyncadd.s32 $0xFFFFFFFF  }
0xa5: {  	s26 =	simm.s32 $execute0_lowered;
	[smem:$0x3FD2] =	sst s25  }
0xa6: {  	s4 =	sshll.u32 s26, $0x1;
	_ =	strace $0x8000004C;
	[dreg:$0x1] =	wrdreg $0xFFFFFFFF  }
0xa7: {  	s28 =	simm.s32 $_size_execute0_lowered;
	s2 =	sadd.s32 s2, s4;
	[dreg:$0x0] =	wrdreg $0x0  }
0xa8: {  	s4 =	sshll.u32 s28, $0x1;
	[dreg:$0x2] =	wrdreg s2  }
0xa9: {  	[dreg:$0x3] =	wrdreg s4  }
0xaa: {  	[dreg:$0x4] =	wrdreg $0xC0  }
0xab: {  	_ =	task [dreg:s6], $0x5FFFF  }
0xac: {  	[dreg:$0x1] =	wrdreg $0xFFFFFFFF  }
0xad: {  	[dreg:$0x0] =	wrdreg $0x60  }
0xae: {  	[dreg:$0x2] =	wrdreg s24  }
0xaf: {  	[dreg:$0x3] =	wrdreg $0x120400  }
0xb0: {  	[dreg:$0x4] =	wrdreg $0x9  }
0xb1: {  	_ =	task.clear_ibuf [dreg:s6], $0x5FFFF;
	_ =	strace $0x9000004C  }
0xb2: {  	s29 =	simm.s32 $0x9;
	_ =	strace $0x8000004E  }
0xb3: {  	_ =	swait.ge [sflag:s29], $0x1  }
0xb4: {  	[sflag:s29] =	ssyncadd.s32 $0xFFFFFFFF  }
0xb5: {  	_ =	strace $0x9000004E  }
0xb6: {  	_ =	sfence  }
0xb7: {  	s30 =	sld [smem:$0x0];
	_ =	sdelay $0x2  }
0xb8: {  	s31 =	sshll.u32 s1, $0xD;
	s1 =	sshrl.u32 s1, $0x2  }
0xb9: {  	s3 =	sand.u32 $0x4000, s31;
	s1 =	sadd.s32 s1, s30  }
0xba: {  	s0 =	sor.u32 s3, s0;
	s1 =	sshll.u32 s1, $0x11  }
0xbb: {  	s0 =	sor.u32 s1, s0  }
0xbc: {  	s0 =	sadd.s32 $0x8F2B, s0  }
0xbd: {  	[sflag:s0] =	ssyncadd.remote.s32 $0x1  }
0xbe: {  	_ =	sfence.sel $0xFFFF  }
0xbf: {  	[dreg:$0x0] =	wrdreg $0xFFFFFFFF;
	(pc) =	sbr.abs _section_cstart, $3  }
0xc0: {  	[dreg:$0x1] =	wrdreg $0xFFFFFFFF  }
0xc1: {  	_ =	task.clear_ibuf [dreg:s6], $0x2FFFF;
	_ =	strace $0x9FFFFFFF  }
0xc2: {  	(tm) =	ssettm $0x7FFFFFFF  }
0xc3: {  	_ =	shalt  }
tec
execute0_lowered:
.L_overlay_start_1:
0x0: {  	(tag) =	ssettag $0x1  }
0x1: {  	s0 =	srdreg.scid;
	s1 =	rddreg [dreg:$0x0]  }
0x2: {  	s8 =	stileid.u32;
	s2 =	rddreg [dreg:$0x1]  }
0x3: {  	s3 =	simm.s32 $0x0;
	s18 =	simm.s32 $0x10040;
	s19 =	simm.s32 $0xB  }
0x4: {  	s28 =	simm.s32 $0x2;
	s31 =	simm.s32 $0xD840;
	s5 =	smul.u32 $0x9C4, s8  }
0x5: {  	s29 =	simm.s32 $0xEC40;
	s30 =	simm.s32 $0x4;
	s6 =	smul.u32 $0x280, s8  }
0x6: {  	s12 =	simm.s32 $0x9;
	s0 =	sand.u32 $0x1, s0;
	s20 =	smul.u32 $0x28000, s8  }
0x7: {  	s13 =	simm.s32 $0xA;
	s14 =	simm.s32 $0x0;
	s4 =	smul.u32 $0x13880, s0  }
0x8: {  	[smem:$0x7FF] =	sst s3;
	s7 =	smul.u32 $0x2800, s0;
	s0 =	ssub.s32 $0x2, s0  }
0x9: {  	_ =	strace $0x8000004D;
	s10 =	sadd.s32 s5, s1;
	s22 =	sshrl.u32 s0, $0x1  }
0xa: {  	s9 =	sadd.s32 s4, s1;
	s21 =	sadd.s32 s6, s7;
	s4 =	sshrl.u32 s20, $0x2  }
0xb: {  	s0 =	ssub.s32 s0, s22;
	s11 =	sadd.s32 $0xC200, s10;
	s10 =	sadd.s32 $0x2400, s10  }
0xc: {  	s22 =	simm.s32 $0x9C40;
	s5 =	sshll.u32 s21, $0x3;
	[dreg:$0x3] =	wrdreg s11  }
0xd: {  	s4 =	sadd.s32 s4, s2;
	[dreg:$0x4] =	wrdreg s10;
	s11 =	sadd.s32 $0x66000, s9  }
0xe: {  	s0 =	smax.u32 s0, $0x1;
	s21 =	simm.s32 $0x50;
	s9 =	simm.s32 $0x7  }
0xf: {  	s10 =	simm.s32 $0x8;
	s1 =	sadd.s32 s5, s1;
	s5 =	sadd.s32 $0x2000, s4  }
0x10: {  	s6 =	sadd.s32 $0x4000, s4;
	[dreg:$0xa] =	wrdreg s0;
	s23 =	sadd.s32 $0x8D200, s1  }
0x11: {  	s7 =	sadd.s32 $0x6000, s4;
	s24 =	sadd.s32 $0x8D600, s1;
	[dreg:$0x5] =	wrdreg s23  }
.Ltmp0:
0x12: {  	s25 =	sadd.s32 $0x8DA00, s1;
	[dreg:$0x6] =	wrdreg s24;
	(pc) =	sbr.rel .LBB2_1-.Ltmp0, $4  }
0x13: {  	s8 =	sadd.s32 $0x8000, s4;
	s26 =	sadd.s32 $0x8DE00, s1;
	[dreg:$0x7] =	wrdreg s25  }
0x14: {  	s0 =	simm.s32 $0x5;
	s1 =	sadd.s32 $0x8E200, s1;
	[dreg:$0x8] =	wrdreg s26  }
0x15: {  	[dreg:$0x9] =	wrdreg s1;
	s23 =	simm.s32 $0xB040;
	s24 =	simm.s32 $0x1  }
0x16: {  	v0 =	vimm.f32 $0.0e+00;
	s26 =	simm.s32 $0xC440;
	s1 =	simm.s32 $0x3;
	s25 =	simm.s32 $0x6  }
.LBB2_6:
0x17: {  	_ =	swait.ge [sflag:s0], $0x1400  }
0x18: {  	[sflag:s0] =	ssyncset.done $0x0  }
0x19: {  	[sflag:s0] =	ssyncadd.s32 $0xFFFFEC00  }
0x1a: {  	[spmem:s2] =	stream.indirect.scatter.add.f32 [tilespmem:s29], [sflag:$0xA], $0x40, s16, s21, $0xb8;
	[tilespmem:$0x1C040] =	vst v63  }
0x1b: {  	_ =	swait.ge [sflag:s9], $0x1400  }
0x1c: {  	[sflag:s9] =	ssyncset.done $0x0  }
0x1d: {  	[sflag:s9] =	ssyncadd.s32 $0xFFFFEC00  }
0x1e: {  	_ =	swait.ge [sflag:s10], $0x1400  }
0x1f: {  	[sflag:s10] =	ssyncset.done $0x0  }
0x20: {  	[sflag:s10] =	ssyncadd.s32 $0xFFFFEC00  }
0x21: {  	_ =	swait.ge [sflag:s12], $0x1400  }
0x22: {  	[sflag:s12] =	ssyncset.done $0x0  }
0x23: {  	[sflag:s12] =	ssyncadd.s32 $0xFFFFEC00  }
0x24: {  	_ =	swait.ge [sflag:s13], $0x1400  }
0x25: {  	[sflag:s13] =	ssyncset.done $0x0  }
0x26: {  	[sflag:s13] =	ssyncadd.s32 $0xFFFFEC00  }
0x27: {  	[bflag:$0x0] =	sbarrier.arrive $0xFFFF  }
0x28: {  	[tilespmem:s18], [sflag:$0xB] =	stream.linear.gather [spmem:s4], $0x2000, $0x38;
	[tilespmem:$0x1C040] =	vst v63  }
0x29: {  	_ =	swait.ge [sflag:s19], $0x2000  }
0x2a: {  	[sflag:s19] =	ssyncset.done $0x0  }
0x2b: {  	s15 =	rddreg [dreg:$0x5];
	[sflag:s19] =	ssyncadd.s32 $0xFFFFE000  }
0x2c: {  	[hbm4b:s15+s3] =	stream.linear.scatter [tilespmem:s18], [sflag:$0xB], $0x2000, $0x38;
	[tilespmem:$0x1C040] =	vst v63  }
0x2d: {  	_ =	swait.ge [sflag:s19], $0x2000  }
0x2e: {  	[sflag:s19] =	ssyncset.done $0x0  }
0x2f: {  	[sflag:s19] =	ssyncadd.s32 $0xFFFFE000  }
0x30: {  	[tilespmem:s18], [sflag:$0xB] =	stream.linear.gather [spmem:s5], $0x2000, $0x38;
	[tilespmem:$0x1C040] =	vst v63  }
0x31: {  	_ =	swait.ge [sflag:s19], $0x2000  }
0x32: {  	[sflag:s19] =	ssyncset.done $0x0  }
0x33: {  	s17 =	rddreg [dreg:$0x6];
	[sflag:s19] =	ssyncadd.s32 $0xFFFFE000  }
0x34: {  	[hbm4b:s17+s3] =	stream.linear.scatter [tilespmem:s18], [sflag:$0xB], $0x2000, $0x38;
	[tilespmem:$0x1C040] =	vst v63  }
0x35: {  	_ =	swait.ge [sflag:s19], $0x2000  }
0x36: {  	[sflag:s19] =	ssyncset.done $0x0  }
0x37: {  	[sflag:s19] =	ssyncadd.s32 $0xFFFFE000  }
0x38: {  	[tilespmem:s18], [sflag:$0xB] =	stream.linear.gather [spmem:s6], $0x2000, $0x38;
	[tilespmem:$0x1C040] =	vst v63  }
0x39: {  	_ =	swait.ge [sflag:s19], $0x2000  }
0x3a: {  	[sflag:s19] =	ssyncset.done $0x0  }
0x3b: {  	s20 =	rddreg [dreg:$0x7];
	[sflag:s19] =	ssyncadd.s32 $0xFFFFE000  }
0x3c: {  	[hbm4b:s20+s3] =	stream.linear.scatter [tilespmem:s18], [sflag:$0xB], $0x2000, $0x38;
	[tilespmem:$0x1C040] =	vst v63  }
0x3d: {  	_ =	swait.ge [sflag:s19], $0x2000  }
0x3e: {  	[sflag:s19] =	ssyncset.done $0x0  }
0x3f: {  	[sflag:s19] =	ssyncadd.s32 $0xFFFFE000  }
0x40: {  	[tilespmem:s18], [sflag:$0xB] =	stream.linear.gather [spmem:s7], $0x2000, $0x38;
	[tilespmem:$0x1C040] =	vst v63  }
0x41: {  	_ =	swait.ge [sflag:s19], $0x2000  }
0x42: {  	[sflag:s19] =	ssyncset.done $0x0  }
0x43: {  	s16 =	rddreg [dreg:$0x8];
	[sflag:s19] =	ssyncadd.s32 $0xFFFFE000  }
0x44: {  	[hbm4b:s16+s3] =	stream.linear.scatter [tilespmem:s18], [sflag:$0xB], $0x2000, $0x38;
	[tilespmem:$0x1C040] =	vst v63  }
0x45: {  	_ =	swait.ge [sflag:s19], $0x2000  }
0x46: {  	[sflag:s19] =	ssyncset.done $0x0  }
0x47: {  	[sflag:s19] =	ssyncadd.s32 $0xFFFFE000  }
0x48: {  	[tilespmem:s18], [sflag:$0xB] =	stream.linear.gather [spmem:s8], $0x2000, $0x38;
	[tilespmem:$0x1C040] =	vst v63  }
0x49: {  	_ =	swait.ge [sflag:s19], $0x2000  }
0x4a: {  	[sflag:s19] =	ssyncset.done $0x0  }
0x4b: {  	s17 =	rddreg [dreg:$0x9];
	[sflag:s19] =	ssyncadd.s32 $0xFFFFE000  }
0x4c: {  	[hbm4b:s17+s3] =	stream.linear.scatter [tilespmem:s18], [sflag:$0xB], $0x2000, $0x38;
	[tilespmem:$0x1C040] =	vst v63  }
0x4d: {  	_ =	swait.ge [sflag:s19], $0x2000  }
0x4e: {  	s14 =	sadd.s32 $0x1, s14;
	s20 =	rddreg [dreg:$0xa]  }
0x4f: {  	p0 =	sne.s32 s14, s20  }
.Ltmp1:
0x50: {  	_ = 	snop;
	(pc) =	sbr.rel @!p0 .LBB2_7-.Ltmp1, $3  }
0x51: {  	_ =	sdelay $0x1  }
0x52: {  	[sflag:s19] =	ssyncset.done $0x0  }
0x53: {  	[sflag:s19] =	ssyncadd.s32 $0xFFFFE000  }
.LBB2_1:
0x54: {  	s15 =	sand.u32 $0x7F00, s3  }
0x55: {  	s16 =	sand.u32 $0x30, s3;
	s20 =	sshrl.u32 s15, $0x2  }
0x56: {  	s15 =	simm.s32 $0x40;
	s16 =	sor.u32 s16, s20;
	s20 =	simm.s32 $0x0  }
.LBB2_2:
0x57: {  	p0 =	sne.s32 s15, $0x7FC0  }
0x58: {  	[tilespmem:s16+$0x10040] =	vst v0;
	s20 =	sadd.s32 $0x10, s20;
	s16 =	smov.u32 s15;
	s15 =	sadd.s32 $0x40, s15  }
.Ltmp2:
0x59: {  	(pc) =	sbr.rel @p0 .LBB2_2-.Ltmp2, $4  }
0x5a: {  	_ = 	snop  }
0x5b: {  	s16 =	sand.u32 $0x7F00, s16  }
0x5c: {  	s17 =	sand.u32 $0x30, s20;
	s16 =	sshrl.u32 s16, $0x2  }
0x5d: {  	s16 =	sor.u32 s17, s16  }
0x5e: {  	[tilespmem:s16+$0x10040] =	vst v0  }
0x5f: {  	[spmem:s4] =	stream.linear.scatter [tilespmem:s18], [sflag:$0xB], $0x2000, $0x38;
	[tilespmem:$0x1C040] =	vst v63  }
0x60: {  	_ =	swait.ge [sflag:s19], $0x2000  }
0x61: {  	[sflag:s19] =	ssyncset.done $0x0  }
0x62: {  	[sflag:s19] =	ssyncadd.s32 $0xFFFFE000  }
0x63: {  	[spmem:s5] =	stream.linear.scatter [tilespmem:s18], [sflag:$0xB], $0x2000, $0x38;
	[tilespmem:$0x1C040] =	vst v63  }
0x64: {  	_ =	swait.ge [sflag:s19], $0x2000  }
0x65: {  	[sflag:s19] =	ssyncset.done $0x0  }
0x66: {  	[sflag:s19] =	ssyncadd.s32 $0xFFFFE000  }
0x67: {  	[spmem:s6] =	stream.linear.scatter [tilespmem:s18], [sflag:$0xB], $0x2000, $0x38;
	[tilespmem:$0x1C040] =	vst v63  }
0x68: {  	_ =	swait.ge [sflag:s19], $0x2000  }
0x69: {  	[sflag:s19] =	ssyncset.done $0x0  }
0x6a: {  	[sflag:s19] =	ssyncadd.s32 $0xFFFFE000  }
0x6b: {  	[spmem:s7] =	stream.linear.scatter [tilespmem:s18], [sflag:$0xB], $0x2000, $0x38;
	[tilespmem:$0x1C040] =	vst v63  }
0x6c: {  	_ =	swait.ge [sflag:s19], $0x2000  }
0x6d: {  	[sflag:s19] =	ssyncset.done $0x0  }
0x6e: {  	[sflag:s19] =	ssyncadd.s32 $0xFFFFE000  }
0x6f: {  	[spmem:s8] =	stream.linear.scatter [tilespmem:s18], [sflag:$0xB], $0x2000, $0x38;
	[tilespmem:$0x1C040] =	vst v63  }
0x70: {  	_ =	swait.ge [sflag:s19], $0x2000  }
0x71: {  	[sflag:s19] =	ssyncset.done $0x0  }
0x72: {  	[sflag:s19] =	ssyncadd.s32 $0xFFFFE000  }
0x73: {  	[bflag:$0x0] =	sbarrier.arrive $0xFFFF  }
0x74: {  	s15 =	simm.s32 $0x0;
	s17 =	rddreg [dreg:$0x3]  }
0x75: {  	[tilespmem:s15], [sflag:$0xB] =	stream.linear.gather [hbm4b:s17+s15], $0x4E20, $0x38;
	[tilespmem:$0x1C040] =	vst v63  }
0x76: {  	_ =	swait.ge [sflag:s19], $0x4E20  }
0x77: {  	[sflag:s19] =	ssyncset.done $0x0  }
0x78: {  	s17 =	simm.s32 $0x4E20;
	s20 =	rddreg [dreg:$0x4];
	[sflag:s19] =	ssyncadd.s32 $0xFFFFB1E0  }
0x79: {  	[tilespmem:s17], [sflag:$0xB] =	stream.linear.gather [hbm4b:s20+s15], $0x4E20, $0x38;
	[tilespmem:$0x1C040] =	vst v63  }
0x7a: {  	_ =	swait.ge [sflag:s19], $0x4E20  }
0x7b: {  	[sflag:s19] =	ssyncset.done $0x0  }
0x7c: {  	[sflag:s19] =	ssyncadd.s32 $0xFFFFB1E0  }
0x7d: {  	[tilespmem:s22], [sflag:$0x1] =	stream.indirect.gather [hbm4b:s11+s21], $0x40, s15, s21, $0xb8;
	[tilespmem:$0x1C040] =	vst v63  }
0x7e: {  	_ = 	snop  }
0x7f: {  	[tilespmem:s23], [sflag:$0x2] =	stream.indirect.gather [hbm4b:s11+s21], $0x40, s21, s21, $0xb8;
	[tilespmem:$0x1C040] =	vst v63  }
0x80: {  	_ =	swait.ge [sflag:s24], $0x1400  }
0x81: {  	[sflag:s24] =	ssyncset.done $0x0  }
0x82: {  	[sflag:s24] =	ssyncadd.s32 $0xFFFFEC00  }
0x83: {  	[spmem:s2] =	stream.indirect.scatter.add.f32 [tilespmem:s22], [sflag:$0x6], $0x40, s17, s21, $0xb8;
	[tilespmem:$0x1C040] =	vst v63  }
0x84: {  	s20 =	simm.s32 $0xA0  }
0x85: {  	[tilespmem:s26], [sflag:$0x3] =	stream.indirect.gather [hbm4b:s11+s21], $0x40, s20, s21, $0xb8;
	[tilespmem:$0x1C040] =	vst v63  }
0x86: {  	_ =	swait.ge [sflag:s28], $0x1400  }
0x87: {  	[sflag:s28] =	ssyncset.done $0x0  }
0x88: {  	s17 =	simm.s32 $0x4E70;
	[sflag:s28] =	ssyncadd.s32 $0xFFFFEC00  }
0x89: {  	[spmem:s2] =	stream.indirect.scatter.add.f32 [tilespmem:s23], [sflag:$0x7], $0x40, s17, s21, $0xb8;
	[tilespmem:$0x1C040] =	vst v63  }
0x8a: {  	s20 =	simm.s32 $0xF0  }
0x8b: {  	[tilespmem:s31], [sflag:$0x4] =	stream.indirect.gather [hbm4b:s11+s21], $0x40, s20, s21, $0xb8;
	[tilespmem:$0x1C040] =	vst v63  }
0x8c: {  	_ =	swait.ge [sflag:s1], $0x1400  }
0x8d: {  	[sflag:s1] =	ssyncset.done $0x0  }
0x8e: {  	s17 =	simm.s32 $0x4EC0;
	[sflag:s1] =	ssyncadd.s32 $0xFFFFEC00  }
0x8f: {  	[spmem:s2] =	stream.indirect.scatter.add.f32 [tilespmem:s26], [sflag:$0x8], $0x40, s17, s21, $0xb8;
	[tilespmem:$0x1C040] =	vst v63  }
0x90: {  	s20 =	simm.s32 $0x140  }
0x91: {  	[tilespmem:s29], [sflag:$0x5] =	stream.indirect.gather [hbm4b:s11+s21], $0x40, s20, s21, $0xb8;
	[tilespmem:$0x1C040] =	vst v63  }
0x92: {  	_ =	swait.ge [sflag:s30], $0x1400  }
0x93: {  	[sflag:s30] =	ssyncset.done $0x0  }
0x94: {  	s17 =	simm.s32 $0x4F10;
	[sflag:s30] =	ssyncadd.s32 $0xFFFFEC00  }
0x95: {  	[spmem:s2] =	stream.indirect.scatter.add.f32 [tilespmem:s31], [sflag:$0x9], $0x40, s17, s21, $0xb8;
	[tilespmem:$0x1C040] =	vst v63  }
0x96: {  	_ =	swait.ge [sflag:s25], $0x1400  }
0x97: {  	[sflag:s25] =	ssyncset.done $0x0  }
0x98: {  	s20 =	simm.s32 $0x190;
	[sflag:s25] =	ssyncadd.s32 $0xFFFFEC00  }
0x99: {  	[tilespmem:s22], [sflag:$0x1] =	stream.indirect.gather [hbm4b:s11+s21], $0x40, s20, s21, $0xb8;
	[tilespmem:$0x1C040] =	vst v63  }
0x9a: {  	_ =	swait.ge [sflag:s0], $0x1400  }
0x9b: {  	[sflag:s0] =	ssyncset.done $0x0  }
0x9c: {  	s17 =	simm.s32 $0x4F60;
	[sflag:s0] =	ssyncadd.s32 $0xFFFFEC00  }
0x9d: {  	[spmem:s2] =	stream.indirect.scatter.add.f32 [tilespmem:s29], [sflag:$0xA], $0x40, s17, s21, $0xb8;
	[tilespmem:$0x1C040] =	vst v63  }
0x9e: {  	_ =	swait.ge [sflag:s9], $0x1400  }
0x9f: {  	[sflag:s9] =	ssyncset.done $0x0  }
0xa0: {  	s20 =	simm.s32 $0x1E0;
	[sflag:s9] =	ssyncadd.s32 $0xFFFFEC00  }
0xa1: {  	[tilespmem:s23], [sflag:$0x2] =	stream.indirect.gather [hbm4b:s11+s21], $0x40, s20, s21, $0xb8;
	[tilespmem:$0x1C040] =	vst v63  }
.LBB2_4:
0xa2: {  	_ =	swait.ge [sflag:s24], $0x1400  }
0xa3: {  	s20 =	sshra.s32 s15, $0x2;
	[sflag:s24] =	ssyncset.done $0x0  }
0xa4: {  	s16 =	sadd.s32 $0x4FB0, s20;
	[sflag:s24] =	ssyncadd.s32 $0xFFFFEC00  }
0xa5: {  	[spmem:s2] =	stream.indirect.scatter.add.f32 [tilespmem:s22], [sflag:$0x6], $0x40, s16, s21, $0xb8;
	[tilespmem:$0x1C040] =	vst v63  }
0xa6: {  	_ =	swait.ge [sflag:s10], $0x1400  }
0xa7: {  	[sflag:s10] =	ssyncset.done $0x0  }
0xa8: {  	s17 =	sadd.s32 $0x230, s20;
	[sflag:s10] =	ssyncadd.s32 $0xFFFFEC00  }
0xa9: {  	[tilespmem:s26], [sflag:$0x3] =	stream.indirect.gather [hbm4b:s11+s21], $0x40, s17, s21, $0xb8;
	[tilespmem:$0x1C040] =	vst v63  }
0xaa: {  	_ =	swait.ge [sflag:s28], $0x1400  }
0xab: {  	[sflag:s28] =	ssyncset.done $0x0  }
0xac: {  	s17 =	sadd.s32 $0x5000, s20;
	[sflag:s28] =	ssyncadd.s32 $0xFFFFEC00  }
0xad: {  	[spmem:s2] =	stream.indirect.scatter.add.f32 [tilespmem:s23], [sflag:$0x7], $0x40, s17, s21, $0xb8;
	[tilespmem:$0x1C040] =	vst v63  }
0xae: {  	_ =	swait.ge [sflag:s12], $0x1400  }
0xaf: {  	[sflag:s12] =	ssyncset.done $0x0  }
0xb0: {  	s17 =	sadd.s32 $0x280, s20;
	[sflag:s12] =	ssyncadd.s32 $0xFFFFEC00  }
0xb1: {  	[tilespmem:s31], [sflag:$0x4] =	stream.indirect.gather [hbm4b:s11+s21], $0x40, s17, s21, $0xb8;
	[tilespmem:$0x1C040] =	vst v63  }
0xb2: {  	_ =	swait.ge [sflag:s1], $0x1400  }
0xb3: {  	[sflag:s1] =	ssyncset.done $0x0  }
0xb4: {  	s17 =	sadd.s32 $0x5050, s20;
	[sflag:s1] =	ssyncadd.s32 $0xFFFFEC00  }
0xb5: {  	[spmem:s2] =	stream.indirect.scatter.add.f32 [tilespmem:s26], [sflag:$0x8], $0x40, s17, s21, $0xb8;
	[tilespmem:$0x1C040] =	vst v63  }
0xb6: {  	_ =	swait.ge [sflag:s13], $0x1400  }
0xb7: {  	[sflag:s13] =	ssyncset.done $0x0  }
0xb8: {  	s17 =	sadd.s32 $0x2D0, s20;
	[sflag:s13] =	ssyncadd.s32 $0xFFFFEC00  }
0xb9: {  	[tilespmem:s29], [sflag:$0x5] =	stream.indirect.gather [hbm4b:s11+s21], $0x40, s17, s21, $0xb8;
	[tilespmem:$0x1C040] =	vst v63  }
0xba: {  	_ =	swait.ge [sflag:s30], $0x1400  }
0xbb: {  	p0 =	seq.s32 s15, $0x12C00;
	[sflag:s30] =	ssyncset.done $0x0  }
.Ltmp3:
0xbc: {  	s17 =	sadd.s32 $0x50A0, s20;
	[sflag:s30] =	ssyncadd.s32 $0xFFFFEC00;
	(pc) =	sbr.rel @p0 .LBB2_6-.Ltmp3, $4  }
0xbd: {  	[spmem:s2] =	stream.indirect.scatter.add.f32 [tilespmem:s31], [sflag:$0x9], $0x40, s17, s21, $0xb8;
	[tilespmem:$0x1C040] =	vst v63  }
0xbe: {  	_ =	swait.ge [sflag:s25], $0x1400  }
0xbf: {  	[sflag:s25] =	ssyncset.done $0x0  }
0xc0: {  	s16 =	sadd.s32 $0x50F0, s20;
	[sflag:s25] =	ssyncadd.s32 $0xFFFFEC00  }
0xc1: {  	s17 =	sadd.s32 $0x320, s20  }
0xc2: {  	[tilespmem:s22], [sflag:$0x1] =	stream.indirect.gather [hbm4b:s11+s21], $0x40, s17, s21, $0xb8;
	[tilespmem:$0x1C040] =	vst v63  }
0xc3: {  	_ =	swait.ge [sflag:s0], $0x1400  }
0xc4: {  	[sflag:s0] =	ssyncset.done $0x0  }
0xc5: {  	[sflag:s0] =	ssyncadd.s32 $0xFFFFEC00  }
0xc6: {  	[spmem:s2] =	stream.indirect.scatter.add.f32 [tilespmem:s29], [sflag:$0xA], $0x40, s16, s21, $0xb8;
	[tilespmem:$0x1C040] =	vst v63  }
.Ltmp4:
0xc7: {  	_ = 	snop;
	(pc) =	sbr.rel .LBB2_4-.Ltmp4, $4  }
0xc8: {  	_ =	swait.ge [sflag:s9], $0x1400  }
0xc9: {  	[sflag:s9] =	ssyncset.done $0x0  }
0xca: {  	s20 =	sadd.s32 $0x370, s20;
	s15 =	sadd.s32 $0x640, s15;
	[sflag:s9] =	ssyncadd.s32 $0xFFFFEC00  }
0xcb: {  	[tilespmem:s23], [sflag:$0x2] =	stream.indirect.gather [hbm4b:s11+s21], $0x40, s20, s21, $0xb8;
	[tilespmem:$0x1C040] =	vst v63  }
.LBB2_7:
0xcc: {  	_ =	sfence.sel $0x180000  }
0xcd: {  	[bflag:$0x0] =	sbarrier.arrive $0xFFFF  }
0xce: {  	_ =	strace $0x9000004D  }
0xcf: {  	s0 =	stileid.u32;
	[bflag:$0x2] =	sbarrier.arrive $0xFFFF  }
0xd0: {  	p0 =	sne.s32 s0, $0x0;
	s0 =	rddreg [dreg:$0x2]  }
0xd1: {  	s0 =	sadd.s32 @!p0 $0x100000, s0  }
0xd2: {  	[sflag:s0] =	ssyncadd.tile.s32 @!p0 $0x1;
	_ =	shalt  }
.Lfunc_end2:
_tile_overlayer_lowered:
.L_overlay_start_2:
0xd3: {  	(tag) =	ssettag $0x2  }
0xd4: {  	s0 =	rddreg [dreg:$0x0];
	s2 =	stileid.u32  }
0xd5: {  	s1 =	rddreg [dreg:$0x1];
	p0 =	sne.s32 s2, $0x0  }
0xd6: {  	s3 =	rddreg [dreg:$0x2];
	[bflag:$0x3] =	sbarrier.arrive $0xFFFF;
	s2 =	simm.s32 @!p0 $0x1C0B  }
0xd7: {  	[timem:s3], [sflag:s2] =	dma.local @!p0 [hbm:s0], s1  }
0xd8: {  	s0 =	simm.s32 @!p0 $0xB  }
0xd9: {  	_ =	swait.ge @!p0 [sflag:s0], s1  }
0xda: {  	s1 =	ssub.s32 @!p0 $0x0, s1;
	[sflag:s0] =	ssyncset.done @!p0 $0x0  }
0xdb: {  	[sflag:s0] =	ssyncadd.s32 @!p0 s1  }
0xdc: {  	[bflag:$0x3] =	sbarrier.arrive $0xFFFF  }
0xdd: {  	_ =	shalt  }

// kernel: kernel.7.cloned.1.call-start
scs
__scs_entry_jumppad:
0x0: {  	(pc) =	sbr.rel $0x88, $3  }
0x1: {  	(tag) =	ssettag $0x0;
	lr =	simm.s32 $0x1  }
0x2: {  	[smem:$0x3F95] =	sst lr;
	_ =	strace $0xD0000000  }
0x3: {  	_ = 	snop  }
0x4: {  	_ = 	snop  }
0x5: {  	_ = 	snop  }
0x6: {  	_ = 	snop  }
0x7: {  	_ = 	snop  }
__scs_overlays_trampoline_lowered:
0x8: {  	[smem:$0x3FA4] =	sst s0  }
0x9: {  	[smem:$0x3FA5] =	sst s1  }
0xa: {  	[smem:$0x3FA6] =	sst s2  }
0xb: {  	[smem:$0x3FA7] =	sst s3  }
0xc: {  	[smem:$0x3FA8] =	sst s4  }
0xd: {  	[smem:$0x3FA9] =	sst s5  }
0xe: {  	[smem:$0x3FAA] =	sst s6  }
0xf: {  	[smem:$0x3FAB] =	sst s7  }
0x10: {  	[smem:$0x3FAC] =	sst s8  }
0x11: {  	[smem:$0x3FAD] =	sst s9;
	s0 =	simm.s32 @!p0 $0x0  }
0x12: {  	s1 =	sld [smem:$0x3F93];
	s0 =	simm.s32 @p0 $0x1  }
0x13: {  	[smem:$0x3FAE] =	sst s0;
	s0 =	simm.s32 @!p1 $0x0  }
0x14: {  	s2 =	sld [smem:$0x3F92];
	s0 =	simm.s32 @p1 $0x1  }
0x15: {  	[smem:$0x3FAF] =	sst s0;
	s0 =	simm.s32 @!p2 $0x0  }
0x16: {  	s3 =	sld [smem:$0x3FDB];
	s0 =	simm.s32 @p2 $0x1  }
0x17: {  	s4 =	simm.s32 $0x1BF5;
	[smem:$0x3FB1] =	sst s0  }
0x18: {  	s0 =	sld [smem:$0x3F94];
	_ =	swait.ge [sflag:s4], $0x0  }
0x19: {  	s7 =	sld [smem:$0x3F95]  }
0x1a: {  	s8 =	sadd.s32 $0xFFFFE003, lr  }
0x1b: {  	s9 =	sadd.s32 $0xFFFFFEF7, lr;
	s5 =	simm.s32 $0xFFFFFFFF;
	p2 =	slt.u32 s8, $0xFFFFF086  }
0x1c: {  	p1 =	slt.u32 s9, $0xF7A;
	s5 =	simm.s32 @!p2 $0x0  }
0x1d: {  	s5 =	simm.s32 @p1 $0x1;
	p0 =	seq.s32 s7, s2  }
0x1e: {  	s7 =	smul.u32 @!p0 $0xF7A, s2;
	p2 =	seq.s32 @!p0 s5, $0x0  }
0x1f: {  	s9 =	smul.u32 $0xF7A, s1;
	s8 =	simm.s32 @!p0 $0x1BF5;
	p2 =	por !p2, p0  }
0x20: {  	[sflag:s8] =	ssyncset.s32 @!p0 $0xFFFFF086;
	s6 =	sadd.s32 @!p0 s3, s7;
	s7 =	simm.s32 @!p0 $0x108  }
0x21: {  	s3 =	sadd.s32 s3, s9;
	s6 =	sadd.s32 @!p0 $0x88, s6;
	s7 =	simm.s32 @p2 $0x1082  }
0x22: {  	[simem:s7], [sflag:s8] =	dma.local @!p0 [hbm:s6], $0xF7A  }
0x23: {  	s9 =	sor.u32 $0xD0000000, s2;
	s6 =	simm.s32 $0x108;
	_ =	swait.ge @!p0 [sflag:s8], $0x0  }
0x24: {  	s3 =	sadd.s32 $0x88, s3;
	s6 =	simm.s32 @!p1 $0x1082;
	[sflag:s4] =	ssyncset.s32 $0xFFFFF086  }
0x25: {  	[simem:s6], [sflag:s4] =	dma.local [hbm:s3], $0xF7A  }
0x26: {  	[smem:$0x3F95] =	sst s1;
	(tag) =	ssettag s2;
	_ =	strace s9  }
0x27: {  	s1 =	sld [smem:$0x3FA5]  }
0x28: {  	s2 =	sld [smem:$0x3FA6]  }
0x29: {  	s4 =	sld [smem:$0x3FA8]  }
0x2a: {  	p0 =	seq.s32 s5, $0x0;
	s5 =	sld [smem:$0x3FA9]  }
0x2b: {  	s6 =	sld [smem:$0x3FAA]  }
0x2c: {  	s7 =	sld [smem:$0x3FAB]  }
0x2d: {  	s3 =	simm.s32 $0x108;
	s8 =	sld [smem:$0x3FAC]  }
0x2e: {  	s3 =	simm.s32 @!p0 $0x1082;
	s9 =	sld [smem:$0x3FAD]  }
0x2f: {  	lr =	sadd.s32 s0, s3;
	s0 =	sld [smem:$0x3FA4]  }
0x30: {  	s3 =	sld [smem:$0x3FA7]  }
0x31: {  	[smem:$0x3FB0] =	sst s10  }
0x32: {  	s10 =	sld [smem:$0x3FAE];
	_ =	sdelay $0x3  }
0x33: {  	p0 =	seq.s32 s10, $0x1;
	s10 =	sld [smem:$0x3FB0];
	_ =	sdelay $0x3  }
0x34: {  	[smem:$0x3FB0] =	sst s10  }
0x35: {  	s10 =	sld [smem:$0x3FAF];
	_ =	sdelay $0x3  }
0x36: {  	p1 =	seq.s32 s10, $0x1;
	s10 =	sld [smem:$0x3FB0];
	_ =	sdelay $0x3  }
0x37: {  	[smem:$0x3FB0] =	sst s10  }
0x38: {  	s10 =	sld [smem:$0x3FB1]  }
0x39: {  	_ = 	snop;
	(pc) =	sbr.ind lr, $3  }
0x3a: {  	_ = 	snop  }
0x3b: {  	_ = 	snop  }
0x3c: {  	p2 =	seq.s32 s10, $0x1;
	s10 =	sld [smem:$0x3FB0]  }
0x3d: {  	_ =	shalt  }
0x3e: {  	_ =	shalt  }
0x3f: {  	_ =	shalt  }
0x40: {  	_ =	shalt  }
0x41: {  	_ =	shalt  }
0x42: {  	_ =	shalt  }
0x43: {  	_ =	shalt  }
0x44: {  	_ =	shalt  }
0x45: {  	_ =	shalt  }
0x46: {  	_ =	shalt  }
0x47: {  	_ =	shalt  }
0x48: {  	_ =	shalt  }
0x49: {  	_ =	shalt  }
0x4a: {  	_ =	shalt  }
0x4b: {  	_ =	shalt  }
0x4c: {  	_ =	shalt  }
0x4d: {  	_ =	shalt  }
0x4e: {  	_ =	shalt  }
0x4f: {  	_ =	shalt  }
0x50: {  	_ =	shalt  }
0x51: {  	_ =	shalt  }
0x52: {  	_ =	shalt  }
0x53: {  	_ =	shalt  }
0x54: {  	_ =	shalt  }
0x55: {  	_ =	shalt  }
0x56: {  	_ =	shalt  }
0x57: {  	_ =	shalt  }
0x58: {  	_ =	shalt  }
0x59: {  	_ =	shalt  }
0x5a: {  	_ =	shalt  }
0x5b: {  	_ =	shalt  }
0x5c: {  	_ =	shalt  }
0x5d: {  	_ =	shalt  }
0x5e: {  	_ =	shalt  }
0x5f: {  	_ =	shalt  }
0x60: {  	_ =	shalt  }
0x61: {  	_ =	shalt  }
0x62: {  	_ =	shalt  }
0x63: {  	_ =	shalt  }
0x64: {  	_ =	shalt  }
0x65: {  	_ =	shalt  }
0x66: {  	_ =	shalt  }
0x67: {  	_ =	shalt  }
0x68: {  	_ =	shalt  }
0x69: {  	_ =	shalt  }
0x6a: {  	_ =	shalt  }
0x6b: {  	_ =	shalt  }
0x6c: {  	_ =	shalt  }
0x6d: {  	_ =	shalt  }
0x6e: {  	_ =	shalt  }
0x6f: {  	_ =	shalt  }
0x70: {  	_ =	shalt  }
0x71: {  	_ =	shalt  }
0x72: {  	_ =	shalt  }
0x73: {  	_ =	shalt  }
0x74: {  	_ =	shalt  }
0x75: {  	_ =	shalt  }
0x76: {  	_ =	shalt  }
0x77: {  	_ =	shalt  }
0x78: {  	_ =	shalt  }
0x79: {  	_ =	shalt  }
0x7a: {  	_ =	shalt  }
0x7b: {  	_ =	shalt  }
0x7c: {  	_ =	shalt  }
0x7d: {  	_ =	shalt  }
0x7e: {  	_ =	shalt  }
0x7f: {  	_ =	shalt  }
0x80: {  	_ =	shalt  }
0x81: {  	_ =	shalt  }
0x82: {  	_ =	shalt  }
0x83: {  	_ =	shalt  }
0x84: {  	_ =	shalt  }
0x85: {  	_ =	shalt  }
0x86: {  	_ =	shalt  }
0x87: {  	_ =	shalt  }
.Lfunc_end0:
.L_simem_size_0:
called_computation_lowered:
.L_overlay_start_0:
0x88: {  	s2 =	sld [smem:$0x3FD9]  }
0x89: {  	s3 =	sld [smem:$0x3FFE];
	_ =	sdelay $0x1  }
0x8a: {  	s1 =	srdreg.scid  }
0x8b: {  	s0 =	sand.u32 $0x1, s1  }
0x8c: {  	s17 =	sshll.u32 s0, $0xA;
	s2 =	sadd.s32 s3, s2  }
0x8d: {  	s2 =	sadd.s32 s2, s17  }
0x8e: {  	[smem:$0x3FBC] =	sst s2  }
0x8f: {  	_ = 	snop  }
0x90: {  	s18 =	sld [smem:$0x3FD0];
	(tm) =	ssettm $0x1  }
0x91: {  	s19 =	sld [smem:$0x3FFB];
	_ =	sdelay $0x3  }
0x92: {  	_ =	strace s19  }
0x93: {  	s2 =	sld [smem:$0x3FFC];
	_ =	sdelay $0x3  }
0x94: {  	_ =	strace s2  }
0x95: {  	s2 =	sld [smem:$0x3FFD];
	_ =	sdelay $0x3  }
0x96: {  	_ =	strace s2  }
0x97: {  	_ =	strace $0x8FFFFFFF  }
0x98: {  	s20 =	sld [smem:$0x3FDB];
	_ =	sdelay $0x1  }
0x99: {  	s4 =	simm.s32 $_scs_section_size  }
0x9a: {  	s5 =	simm.s32 $_size__tile_overlayer_lowered;
	s6 =	simm.s32 $_tile_overlayer_lowered  }
0x9b: {  	s7 =	simm.s32 $0x1BFF;
	s21 =	sshll.u32 s6, $0x1;
	s4 =	sadd.s32 s4, s20  }
0x9c: {  	s22 =	simm.s32 $0x0;
	s5 =	sshll.u32 s5, $0x1;
	s6 =	sadd.s32 s21, s4  }
0x9d: {  	[timem:s22], [sflag:s7] =	dma.local [hbm:s6], s5  }
0x9e: {  	_ =	swait.ge [sflag:s7], s5  }
0x9f: {  	s5 =	ssub.s32 $0x0, s5;
	[sflag:s7] =	ssyncset.done $0x0  }
0xa0: {  	[sflag:s7] =	ssyncadd.s32 s5;
	_ =	sdelay $0x1  }
0xa1: {  	s23 =	simm.s32 $0x1B8B  }
0xa2: {  	_ =	swait.ge [sflag:s23], $0x1  }
0xa3: {  	[sflag:s23] =	ssyncset.done $0x0  }
0xa4: {  	[sflag:s23] =	ssyncadd.s32 $0xFFFFFFFF  }
0xa5: {  	s5 =	sld [smem:$0x0]  }
0xa6: {  	s6 =	sand.u32 $0xFFFFFFFE, s1  }
0xa7: {  	p0 =	sne.s32 s1, s6  }
0xa8: {  	s6 =	sshll.u32 @p0 s6, $0xE  }
0xa9: {  	s6 =	sadd.s32 @p0 $0x11B8D, s6;
	s7 =	sshll.u32 @p0 s5, $0x11  }
0xaa: {  	s6 =	sor.u32 @p0 s7, s6  }
0xab: {  	[sflag:s6] =	ssyncadd.remote.s32 @p0 $0x1;
	_ =	sdelay $0x1  }
0xac: {  	s6 =	simm.s32 @p0 $0x1B8D  }
0xad: {  	_ =	swait.eq @p0 [sflag:s6], $0x1  }
0xae: {  	[sflag:s6] =	ssyncadd.s32 @p0 $0xFFFFFFFF  }
0xaf: {  	s7 =	sshll.u32 @!p0 s1, $0xE  }
0xb0: {  	s7 =	sor.u32 @!p0 $0x4000, s7;
	s6 =	simm.s32 @!p0 $0x1B8D  }
0xb1: {  	s5 =	sshll.u32 @!p0 s5, $0x11;
	s7 =	sadd.s32 @!p0 $0x11B8D, s7;
	_ =	swait.eq @!p0 [sflag:s6], $0x1  }
0xb2: {  	s5 =	sor.u32 @!p0 s5, s7;
	[sflag:s6] =	ssyncadd.s32 @!p0 $0xFFFFFFFF  }
0xb3: {  	s25 =	simm.s32 $0x1B8E;
	s24 =	sld [smem:$0x3FFE];
	[sflag:s5] =	ssyncadd.remote.s32 @!p0 $0x1  }
0xb4: {  	s26 =	simm.s32 $execute0_lowered;
	[smem:$0x3FD2] =	sst s25  }
0xb5: {  	s6 =	sshll.u32 s26, $0x1;
	_ =	strace $0x80000049;
	[dreg:$0x1] =	wrdreg $0xFFFFFFFF  }
0xb6: {  	s28 =	simm.s32 $_size_execute0_lowered;
	s4 =	sadd.s32 s4, s6;
	[dreg:$0x0] =	wrdreg $0x0  }
0xb7: {  	s6 =	sshll.u32 s28, $0x1;
	[dreg:$0x2] =	wrdreg s4  }
0xb8: {  	[dreg:$0x3] =	wrdreg s6  }
0xb9: {  	[dreg:$0x4] =	wrdreg $0xC0  }
0xba: {  	_ =	task [dreg:s22], $0x5FFFF  }
0xbb: {  	[dreg:$0x1] =	wrdreg $0xFFFFFFFF  }
0xbc: {  	[dreg:$0x0] =	wrdreg $0x60  }
0xbd: {  	[dreg:$0x2] =	wrdreg s24  }
0xbe: {  	[dreg:$0x3] =	wrdreg s18  }
0xbf: {  	[dreg:$0x4] =	wrdreg $0x7B200  }
0xc0: {  	[dreg:$0x5] =	wrdreg $0x9  }
0xc1: {  	_ =	task.clear_ibuf [dreg:s22], $0x6FFFF;
	_ =	strace $0x90000049  }
0xc2: {  	s29 =	simm.s32 $0x9;
	_ =	strace $0x8000004B  }
0xc3: {  	_ =	swait.ge [sflag:s29], $0x1  }
0xc4: {  	[sflag:s29] =	ssyncadd.s32 $0xFFFFFFFF  }
0xc5: {  	_ =	strace $0x9000004B  }
0xc6: {  	_ =	sfence  }
0xc7: {  	s30 =	sld [smem:$0x0];
	_ =	sdelay $0x2  }
0xc8: {  	s31 =	sshll.u32 s1, $0xD;
	s1 =	sshrl.u32 s1, $0x2  }
0xc9: {  	s4 =	sand.u32 $0x4000, s31;
	s1 =	sadd.s32 s1, s30  }
0xca: {  	s0 =	sor.u32 s4, s0;
	s1 =	sshll.u32 s1, $0x11  }
0xcb: {  	s0 =	sor.u32 s1, s0  }
0xcc: {  	s0 =	sadd.s32 $0x8F2B, s0  }
0xcd: {  	[sflag:s0] =	ssyncadd.remote.s32 $0x1  }
0xce: {  	_ =	sfence.sel $0xFFFF  }
0xcf: {  	[dreg:$0x0] =	wrdreg $0xFFFFFFFF;
	(pc) =	sbr.abs _section_cstart, $3  }
0xd0: {  	[dreg:$0x1] =	wrdreg $0xFFFFFFFF  }
0xd1: {  	_ =	task.clear_ibuf [dreg:s22], $0x2FFFF;
	_ =	strace $0x9FFFFFFF  }
0xd2: {  	(tm) =	ssettm $0x7FFFFFFF  }
0xd3: {  	_ =	shalt  }
tec
execute0_lowered:
.L_overlay_start_1:
0x0: {  	(tag) =	ssettag $0x1  }
0x1: {  	s4 =	rddreg [dreg:$0x0]  }
0x2: {  	s6 =	rddreg [dreg:$0x1]  }
0x3: {  	s2 =	rddreg [dreg:$0x2]  }
0x4: {  	s0 =	rddreg [dreg:$0x3];
	s1 =	stileid.u32  }
0x5: {  	s3 =	simm.s32 $0x0;
	s7 =	srdreg.scid;
	s5 =	smul.u32 $0x9C4, s1  }
0x6: {  	s12 =	simm.s32 $0x4E20;
	s13 =	simm.s32 $0x1;
	s8 =	smul.u32 $0x500, s1  }
0x7: {  	[smem:$0x7FF] =	sst s3;
	s7 =	sand.u32 $0x1, s7;
	s10 =	smul.u32 $0xA000, s1  }
0x8: {  	s14 =	simm.s32 $0x0;
	_ =	strace $0x8000004A;
	s11 =	smul.u32 $0x5000, s7  }
0x9: {  	s9 =	ssub.s32 $0x2, s7;
	s30 =	smul.u32 $0x9C40, s7;
	s5 =	sadd.s32 s5, s4  }
0xa: {  	s28 =	sshrl.u32 s9, $0x1;
	s29 =	sshrl.u32 s10, $0x2;
	s10 =	simm.s32 $0x2  }
0xb: {  	s9 =	ssub.s32 s9, s28;
	s4 =	sadd.s32 s29, s2;
	s5 =	sadd.s32 $0x2400, s5  }
0xc: {  	s31 =	sadd.s32 s8, s11;
	s8 =	sshrl.u32 s30, $0x2;
	s11 =	simm.s32 $0x50  }
0xd: {  	v0 =	vimm.f32 $0.0e+00;
	v1 =	vimm.f32 $1.000000000e+00;
	s6 =	sadd.s32 s6, s31;
	s7 =	smax.u32 s9, $0x1;
	s9 =	simm.s32 $0x5320  }
.LBB2_1:
0xe: {  	s15 =	simm.s32 $0x0  }
.LBB2_2:
0xf: {  	p0 =	sne.s32 s15, $0x9FC0  }
.Ltmp0:
0x10: {  	_ = 	snop;
	(pc) =	sbr.rel @p0 .LBB2_2-.Ltmp0, $3  }
0x11: {  	_ =	sdelay $0x1  }
0x12: {  	s16 =	sshra.s32 s15, $0x2  }
0x13: {  	s15 =	sadd.s32 $0x40, s15;
	[tilespmem:s16+$0x5320] =	vst v0  }
0x14: {  	s15 =	simm.s32 $0x40;
	s16 =	simm.s32 $0x0  }
.LBB2_4:
0x15: {  	p0 =	sne.s32 s15, $0x13C0;
	[tilespmem:s16+$0x4E20] =	vst v1;
	s16 =	smov.u32 s15;
	s15 =	sadd.s32 $0x40, s15  }
.Ltmp1:
0x16: {  	(pc) =	sbr.rel @p0 .LBB2_4-.Ltmp1, $2  }
0x17: {  	_ =	sdelay $0x2  }
0x18: {  	s16 =	sshra.s32 s16, $0x2  }
0x19: {  	[tilespmem:s16+$0x4E20] =	vst v1  }
0x1a: {  	[spmem:s4] =	stream.linear.scatter [tilespmem:s9], [sflag:$0x2], $0x2800, $0x38;
	[tilespmem:$0xA320] =	vst v63  }
0x1b: {  	_ =	swait.ge [sflag:s10], $0x2800  }
0x1c: {  	[sflag:s10] =	ssyncset.done $0x0  }
0x1d: {  	[sflag:s10] =	ssyncadd.s32 $0xFFFFD800  }
0x1e: {  	s15 =	simm.s32 $0x0;
	[bflag:$0x0] =	sbarrier.arrive $0xFFFF  }
0x1f: {  	[tilespmem:s15], [sflag:$0x2] =	stream.linear.gather [hbm4b:s5+s15], $0x4E20, $0x38;
	[tilespmem:$0xA320] =	vst v63  }
0x20: {  	_ =	swait.ge [sflag:s10], $0x4E20  }
0x21: {  	[sflag:s10] =	ssyncset.done $0x0  }
0x22: {  	s15 =	sadd.s32 $0x0, s8;
	[sflag:s10] =	ssyncadd.s32 $0xFFFFB1E0  }
0x23: {  	[spmem:s2] =	stream.indirect.scatter.add.f32 [tilespmem:s12], [sflag:$0x1], $0x10, s15, s11, $0xb8;
	[tilespmem:$0xA320] =	vst v63  }
0x24: {  	s22 =	sadd.s32 $0x50, s15  }
0x25: {  	[spmem:s2] =	stream.indirect.scatter.add.f32 [tilespmem:s12], [sflag:$0x1], $0x10, s22, s11, $0xb8;
	[tilespmem:$0xA320] =	vst v63  }
0x26: {  	s23 =	sadd.s32 $0xA0, s15  }
0x27: {  	[spmem:s2] =	stream.indirect.scatter.add.f32 [tilespmem:s12], [sflag:$0x1], $0x10, s23, s11, $0xb8;
	[tilespmem:$0xA320] =	vst v63  }
0x28: {  	s24 =	sadd.s32 $0xF0, s15  }
0x29: {  	[spmem:s2] =	stream.indirect.scatter.add.f32 [tilespmem:s12], [sflag:$0x1], $0x10, s24, s11, $0xb8;
	[tilespmem:$0xA320] =	vst v63  }
0x2a: {  	s25 =	sadd.s32 $0x140, s15  }
0x2b: {  	[spmem:s2] =	stream.indirect.scatter.add.f32 [tilespmem:s12], [sflag:$0x1], $0x10, s25, s11, $0xb8;
	[tilespmem:$0xA320] =	vst v63  }
0x2c: {  	s26 =	sadd.s32 $0x190, s15  }
0x2d: {  	[spmem:s2] =	stream.indirect.scatter.add.f32 [tilespmem:s12], [sflag:$0x1], $0x10, s26, s11, $0xb8;
	[tilespmem:$0xA320] =	vst v63  }
0x2e: {  	s28 =	sadd.s32 $0x1E0, s15  }
0x2f: {  	[spmem:s2] =	stream.indirect.scatter.add.f32 [tilespmem:s12], [sflag:$0x1], $0x10, s28, s11, $0xb8;
	[tilespmem:$0xA320] =	vst v63  }
0x30: {  	s29 =	sadd.s32 $0x230, s15  }
0x31: {  	[spmem:s2] =	stream.indirect.scatter.add.f32 [tilespmem:s12], [sflag:$0x1], $0x10, s29, s11, $0xb8;
	[tilespmem:$0xA320] =	vst v63  }
0x32: {  	s30 =	sadd.s32 $0x280, s15  }
0x33: {  	[spmem:s2] =	stream.indirect.scatter.add.f32 [tilespmem:s12], [sflag:$0x1], $0x10, s30, s11, $0xb8;
	[tilespmem:$0xA320] =	vst v63  }
0x34: {  	s31 =	sadd.s32 $0x2D0, s15  }
0x35: {  	[spmem:s2] =	stream.indirect.scatter.add.f32 [tilespmem:s12], [sflag:$0x1], $0x10, s31, s11, $0xb8;
	[tilespmem:$0xA320] =	vst v63  }
0x36: {  	s17 =	sadd.s32 $0x320, s15  }
0x37: {  	[spmem:s2] =	stream.indirect.scatter.add.f32 [tilespmem:s12], [sflag:$0x1], $0x10, s17, s11, $0xb8;
	[tilespmem:$0xA320] =	vst v63  }
0x38: {  	s18 =	sadd.s32 $0x370, s15  }
0x39: {  	[spmem:s2] =	stream.indirect.scatter.add.f32 [tilespmem:s12], [sflag:$0x1], $0x10, s18, s11, $0xb8;
	[tilespmem:$0xA320] =	vst v63  }
0x3a: {  	s19 =	sadd.s32 $0x3C0, s15  }
0x3b: {  	[spmem:s2] =	stream.indirect.scatter.add.f32 [tilespmem:s12], [sflag:$0x1], $0x10, s19, s11, $0xb8;
	[tilespmem:$0xA320] =	vst v63  }
0x3c: {  	s20 =	sadd.s32 $0x410, s15  }
0x3d: {  	[spmem:s2] =	stream.indirect.scatter.add.f32 [tilespmem:s12], [sflag:$0x1], $0x10, s20, s11, $0xb8;
	[tilespmem:$0xA320] =	vst v63  }
0x3e: {  	s21 =	sadd.s32 $0x460, s15  }
0x3f: {  	[spmem:s2] =	stream.indirect.scatter.add.f32 [tilespmem:s12], [sflag:$0x1], $0x10, s21, s11, $0xb8;
	[tilespmem:$0xA320] =	vst v63  }
0x40: {  	s22 =	sadd.s32 $0x4B0, s15  }
0x41: {  	[spmem:s2] =	stream.indirect.scatter.add.f32 [tilespmem:s12], [sflag:$0x1], $0x10, s22, s11, $0xb8;
	[tilespmem:$0xA320] =	vst v63  }
0x42: {  	s23 =	sadd.s32 $0x500, s15  }
0x43: {  	[spmem:s2] =	stream.indirect.scatter.add.f32 [tilespmem:s12], [sflag:$0x1], $0x10, s23, s11, $0xb8;
	[tilespmem:$0xA320] =	vst v63  }
0x44: {  	s24 =	sadd.s32 $0x550, s15  }
0x45: {  	[spmem:s2] =	stream.indirect.scatter.add.f32 [tilespmem:s12], [sflag:$0x1], $0x10, s24, s11, $0xb8;
	[tilespmem:$0xA320] =	vst v63  }
0x46: {  	s25 =	sadd.s32 $0x5A0, s15  }
0x47: {  	[spmem:s2] =	stream.indirect.scatter.add.f32 [tilespmem:s12], [sflag:$0x1], $0x10, s25, s11, $0xb8;
	[tilespmem:$0xA320] =	vst v63  }
0x48: {  	s26 =	sadd.s32 $0x5F0, s15  }
0x49: {  	[spmem:s2] =	stream.indirect.scatter.add.f32 [tilespmem:s12], [sflag:$0x1], $0x10, s26, s11, $0xb8;
	[tilespmem:$0xA320] =	vst v63  }
0x4a: {  	s28 =	sadd.s32 $0x640, s15  }
0x4b: {  	[spmem:s2] =	stream.indirect.scatter.add.f32 [tilespmem:s12], [sflag:$0x1], $0x10, s28, s11, $0xb8;
	[tilespmem:$0xA320] =	vst v63  }
0x4c: {  	s29 =	sadd.s32 $0x690, s15  }
0x4d: {  	[spmem:s2] =	stream.indirect.scatter.add.f32 [tilespmem:s12], [sflag:$0x1], $0x10, s29, s11, $0xb8;
	[tilespmem:$0xA320] =	vst v63  }
0x4e: {  	s30 =	sadd.s32 $0x6E0, s15  }
0x4f: {  	[spmem:s2] =	stream.indirect.scatter.add.f32 [tilespmem:s12], [sflag:$0x1], $0x10, s30, s11, $0xb8;
	[tilespmem:$0xA320] =	vst v63  }
0x50: {  	s31 =	sadd.s32 $0x730, s15  }
0x51: {  	[spmem:s2] =	stream.indirect.scatter.add.f32 [tilespmem:s12], [sflag:$0x1], $0x10, s31, s11, $0xb8;
	[tilespmem:$0xA320] =	vst v63  }
0x52: {  	s15 =	sadd.s32 $0x780, s15  }
0x53: {  	[spmem:s2] =	stream.indirect.scatter.add.f32 [tilespmem:s12], [sflag:$0x1], $0x10, s15, s11, $0xb8;
	[tilespmem:$0xA320] =	vst v63  }
0x54: {  	_ =	swait.ge [sflag:s13], $0x500  }
0x55: {  	[sflag:s13] =	ssyncset.done $0x0  }
0x56: {  	[sflag:s13] =	ssyncadd.s32 $0xFFFFFB00  }
0x57: {  	_ =	swait.ge [sflag:s13], $0x500  }
0x58: {  	[sflag:s13] =	ssyncset.done $0x0  }
0x59: {  	[sflag:s13] =	ssyncadd.s32 $0xFFFFFB00  }
0x5a: {  	_ =	swait.ge [sflag:s13], $0x500  }
0x5b: {  	[sflag:s13] =	ssyncset.done $0x0  }
0x5c: {  	[sflag:s13] =	ssyncadd.s32 $0xFFFFFB00  }
0x5d: {  	_ =	swait.ge [sflag:s13], $0x500  }
0x5e: {  	[sflag:s13] =	ssyncset.done $0x0  }
0x5f: {  	[sflag:s13] =	ssyncadd.s32 $0xFFFFFB00  }
0x60: {  	_ =	swait.ge [sflag:s13], $0x500  }
0x61: {  	[sflag:s13] =	ssyncset.done $0x0  }
0x62: {  	[sflag:s13] =	ssyncadd.s32 $0xFFFFFB00  }
0x63: {  	_ =	swait.ge [sflag:s13], $0x500  }
0x64: {  	[sflag:s13] =	ssyncset.done $0x0  }
0x65: {  	[sflag:s13] =	ssyncadd.s32 $0xFFFFFB00  }
0x66: {  	_ =	swait.ge [sflag:s13], $0x500  }
0x67: {  	[sflag:s13] =	ssyncset.done $0x0  }
0x68: {  	[sflag:s13] =	ssyncadd.s32 $0xFFFFFB00  }
0x69: {  	_ =	swait.ge [sflag:s13], $0x500  }
0x6a: {  	[sflag:s13] =	ssyncset.done $0x0  }
0x6b: {  	[sflag:s13] =	ssyncadd.s32 $0xFFFFFB00  }
0x6c: {  	_ =	swait.ge [sflag:s13], $0x500  }
0x6d: {  	[sflag:s13] =	ssyncset.done $0x0  }
0x6e: {  	[sflag:s13] =	ssyncadd.s32 $0xFFFFFB00  }
0x6f: {  	_ =	swait.ge [sflag:s13], $0x500  }
0x70: {  	[sflag:s13] =	ssyncset.done $0x0  }
0x71: {  	[sflag:s13] =	ssyncadd.s32 $0xFFFFFB00  }
0x72: {  	_ =	swait.ge [sflag:s13], $0x500  }
0x73: {  	[sflag:s13] =	ssyncset.done $0x0  }
0x74: {  	[sflag:s13] =	ssyncadd.s32 $0xFFFFFB00  }
0x75: {  	_ =	swait.ge [sflag:s13], $0x500  }
0x76: {  	[sflag:s13] =	ssyncset.done $0x0  }
0x77: {  	[sflag:s13] =	ssyncadd.s32 $0xFFFFFB00  }
0x78: {  	_ =	swait.ge [sflag:s13], $0x500  }
0x79: {  	[sflag:s13] =	ssyncset.done $0x0  }
0x7a: {  	[sflag:s13] =	ssyncadd.s32 $0xFFFFFB00  }
0x7b: {  	_ =	swait.ge [sflag:s13], $0x500  }
0x7c: {  	[sflag:s13] =	ssyncset.done $0x0  }
0x7d: {  	[sflag:s13] =	ssyncadd.s32 $0xFFFFFB00  }
0x7e: {  	_ =	swait.ge [sflag:s13], $0x500  }
0x7f: {  	[sflag:s13] =	ssyncset.done $0x0  }
0x80: {  	[sflag:s13] =	ssyncadd.s32 $0xFFFFFB00  }
0x81: {  	_ =	swait.ge [sflag:s13], $0x500  }
0x82: {  	[sflag:s13] =	ssyncset.done $0x0  }
0x83: {  	[sflag:s13] =	ssyncadd.s32 $0xFFFFFB00  }
0x84: {  	_ =	swait.ge [sflag:s13], $0x500  }
0x85: {  	[sflag:s13] =	ssyncset.done $0x0  }
0x86: {  	[sflag:s13] =	ssyncadd.s32 $0xFFFFFB00  }
0x87: {  	_ =	swait.ge [sflag:s13], $0x500  }
0x88: {  	[sflag:s13] =	ssyncset.done $0x0  }
0x89: {  	[sflag:s13] =	ssyncadd.s32 $0xFFFFFB00  }
0x8a: {  	_ =	swait.ge [sflag:s13], $0x500  }
0x8b: {  	[sflag:s13] =	ssyncset.done $0x0  }
0x8c: {  	[sflag:s13] =	ssyncadd.s32 $0xFFFFFB00  }
0x8d: {  	_ =	swait.ge [sflag:s13], $0x500  }
0x8e: {  	[sflag:s13] =	ssyncset.done $0x0  }
0x8f: {  	[sflag:s13] =	ssyncadd.s32 $0xFFFFFB00  }
0x90: {  	_ =	swait.ge [sflag:s13], $0x500  }
0x91: {  	[sflag:s13] =	ssyncset.done $0x0  }
0x92: {  	[sflag:s13] =	ssyncadd.s32 $0xFFFFFB00  }
0x93: {  	_ =	swait.ge [sflag:s13], $0x500  }
0x94: {  	[sflag:s13] =	ssyncset.done $0x0  }
0x95: {  	[sflag:s13] =	ssyncadd.s32 $0xFFFFFB00  }
0x96: {  	_ =	swait.ge [sflag:s13], $0x500  }
0x97: {  	[sflag:s13] =	ssyncset.done $0x0  }
0x98: {  	[sflag:s13] =	ssyncadd.s32 $0xFFFFFB00  }
0x99: {  	_ =	swait.ge [sflag:s13], $0x500  }
0x9a: {  	[sflag:s13] =	ssyncset.done $0x0  }
0x9b: {  	[sflag:s13] =	ssyncadd.s32 $0xFFFFFB00  }
0x9c: {  	_ =	swait.ge [sflag:s13], $0x500  }
0x9d: {  	s16 =	simm.s32 $0x7D0;
	s18 =	simm.s32 $0x3E80;
	[sflag:s13] =	ssyncset.done $0x0  }
.LBB2_6:
0x9e: {  	s17 =	sadd.s32 s16, s8  }
0x9f: {  	[sflag:s13] =	ssyncadd.s32 $0xFFFFFB00;
	s16 =	smov.u32 s18;
	s15 =	sadd.s32 $0x1F40, s18  }
0xa0: {  	[spmem:s2] =	stream.indirect.scatter.add.f32 [tilespmem:s12], [sflag:$0x1], $0x10, s17, s11, $0xb8;
	[tilespmem:$0xA320] =	vst v63  }
0xa1: {  	p0 =	sne.s32 s18, $0x7D00;
	s18 =	sadd.s32 $0x50, s17  }
0xa2: {  	[spmem:s2] =	stream.indirect.scatter.add.f32 [tilespmem:s12], [sflag:$0x1], $0x10, s18, s11, $0xb8;
	[tilespmem:$0xA320] =	vst v63  }
0xa3: {  	s18 =	sadd.s32 $0xA0, s17  }
0xa4: {  	[spmem:s2] =	stream.indirect.scatter.add.f32 [tilespmem:s12], [sflag:$0x1], $0x10, s18, s11, $0xb8;
	[tilespmem:$0xA320] =	vst v63  }
0xa5: {  	s18 =	sadd.s32 $0xF0, s17  }
0xa6: {  	[spmem:s2] =	stream.indirect.scatter.add.f32 [tilespmem:s12], [sflag:$0x1], $0x10, s18, s11, $0xb8;
	[tilespmem:$0xA320] =	vst v63  }
0xa7: {  	s18 =	sadd.s32 $0x140, s17  }
0xa8: {  	[spmem:s2] =	stream.indirect.scatter.add.f32 [tilespmem:s12], [sflag:$0x1], $0x10, s18, s11, $0xb8;
	[tilespmem:$0xA320] =	vst v63  }
0xa9: {  	s18 =	sadd.s32 $0x190, s17  }
0xaa: {  	[spmem:s2] =	stream.indirect.scatter.add.f32 [tilespmem:s12], [sflag:$0x1], $0x10, s18, s11, $0xb8;
	[tilespmem:$0xA320] =	vst v63  }
0xab: {  	s18 =	sadd.s32 $0x1E0, s17  }
0xac: {  	[spmem:s2] =	stream.indirect.scatter.add.f32 [tilespmem:s12], [sflag:$0x1], $0x10, s18, s11, $0xb8;
	[tilespmem:$0xA320] =	vst v63  }
0xad: {  	s18 =	sadd.s32 $0x230, s17  }
0xae: {  	[spmem:s2] =	stream.indirect.scatter.add.f32 [tilespmem:s12], [sflag:$0x1], $0x10, s18, s11, $0xb8;
	[tilespmem:$0xA320] =	vst v63  }
0xaf: {  	s18 =	sadd.s32 $0x280, s17  }
0xb0: {  	[spmem:s2] =	stream.indirect.scatter.add.f32 [tilespmem:s12], [sflag:$0x1], $0x10, s18, s11, $0xb8;
	[tilespmem:$0xA320] =	vst v63  }
0xb1: {  	s18 =	sadd.s32 $0x2D0, s17  }
0xb2: {  	[spmem:s2] =	stream.indirect.scatter.add.f32 [tilespmem:s12], [sflag:$0x1], $0x10, s18, s11, $0xb8;
	[tilespmem:$0xA320] =	vst v63  }
0xb3: {  	s18 =	sadd.s32 $0x320, s17  }
0xb4: {  	[spmem:s2] =	stream.indirect.scatter.add.f32 [tilespmem:s12], [sflag:$0x1], $0x10, s18, s11, $0xb8;
	[tilespmem:$0xA320] =	vst v63  }
0xb5: {  	s18 =	sadd.s32 $0x370, s17  }
0xb6: {  	[spmem:s2] =	stream.indirect.scatter.add.f32 [tilespmem:s12], [sflag:$0x1], $0x10, s18, s11, $0xb8;
	[tilespmem:$0xA320] =	vst v63  }
0xb7: {  	s18 =	sadd.s32 $0x3C0, s17  }
0xb8: {  	[spmem:s2] =	stream.indirect.scatter.add.f32 [tilespmem:s12], [sflag:$0x1], $0x10, s18, s11, $0xb8;
	[tilespmem:$0xA320] =	vst v63  }
0xb9: {  	s18 =	sadd.s32 $0x410, s17  }
0xba: {  	[spmem:s2] =	stream.indirect.scatter.add.f32 [tilespmem:s12], [sflag:$0x1], $0x10, s18, s11, $0xb8;
	[tilespmem:$0xA320] =	vst v63  }
0xbb: {  	s18 =	sadd.s32 $0x460, s17  }
0xbc: {  	[spmem:s2] =	stream.indirect.scatter.add.f32 [tilespmem:s12], [sflag:$0x1], $0x10, s18, s11, $0xb8;
	[tilespmem:$0xA320] =	vst v63  }
0xbd: {  	s18 =	sadd.s32 $0x4B0, s17  }
0xbe: {  	[spmem:s2] =	stream.indirect.scatter.add.f32 [tilespmem:s12], [sflag:$0x1], $0x10, s18, s11, $0xb8;
	[tilespmem:$0xA320] =	vst v63  }
0xbf: {  	s18 =	sadd.s32 $0x500, s17  }
0xc0: {  	[spmem:s2] =	stream.indirect.scatter.add.f32 [tilespmem:s12], [sflag:$0x1], $0x10, s18, s11, $0xb8;
	[tilespmem:$0xA320] =	vst v63  }
0xc1: {  	s18 =	sadd.s32 $0x550, s17  }
0xc2: {  	[spmem:s2] =	stream.indirect.scatter.add.f32 [tilespmem:s12], [sflag:$0x1], $0x10, s18, s11, $0xb8;
	[tilespmem:$0xA320] =	vst v63  }
0xc3: {  	s18 =	sadd.s32 $0x5A0, s17  }
0xc4: {  	[spmem:s2] =	stream.indirect.scatter.add.f32 [tilespmem:s12], [sflag:$0x1], $0x10, s18, s11, $0xb8;
	[tilespmem:$0xA320] =	vst v63  }
0xc5: {  	s18 =	sadd.s32 $0x5F0, s17  }
0xc6: {  	[spmem:s2] =	stream.indirect.scatter.add.f32 [tilespmem:s12], [sflag:$0x1], $0x10, s18, s11, $0xb8;
	[tilespmem:$0xA320] =	vst v63  }
0xc7: {  	s18 =	sadd.s32 $0x640, s17  }
0xc8: {  	[spmem:s2] =	stream.indirect.scatter.add.f32 [tilespmem:s12], [sflag:$0x1], $0x10, s18, s11, $0xb8;
	[tilespmem:$0xA320] =	vst v63  }
0xc9: {  	s18 =	sadd.s32 $0x690, s17  }
0xca: {  	[spmem:s2] =	stream.indirect.scatter.add.f32 [tilespmem:s12], [sflag:$0x1], $0x10, s18, s11, $0xb8;
	[tilespmem:$0xA320] =	vst v63  }
0xcb: {  	s18 =	sadd.s32 $0x6E0, s17  }
0xcc: {  	[spmem:s2] =	stream.indirect.scatter.add.f32 [tilespmem:s12], [sflag:$0x1], $0x10, s18, s11, $0xb8;
	[tilespmem:$0xA320] =	vst v63  }
0xcd: {  	s18 =	sadd.s32 $0x730, s17  }
0xce: {  	[spmem:s2] =	stream.indirect.scatter.add.f32 [tilespmem:s12], [sflag:$0x1], $0x10, s18, s11, $0xb8;
	[tilespmem:$0xA320] =	vst v63  }
0xcf: {  	s17 =	sadd.s32 $0x780, s17  }
0xd0: {  	[spmem:s2] =	stream.indirect.scatter.add.f32 [tilespmem:s12], [sflag:$0x1], $0x10, s17, s11, $0xb8;
	[tilespmem:$0xA320] =	vst v63  }
0xd1: {  	_ =	swait.ge [sflag:s13], $0x500  }
0xd2: {  	[sflag:s13] =	ssyncset.done $0x0  }
0xd3: {  	[sflag:s13] =	ssyncadd.s32 $0xFFFFFB00  }
0xd4: {  	_ =	swait.ge [sflag:s13], $0x500  }
0xd5: {  	[sflag:s13] =	ssyncset.done $0x0  }
0xd6: {  	[sflag:s13] =	ssyncadd.s32 $0xFFFFFB00  }
0xd7: {  	_ =	swait.ge [sflag:s13], $0x500  }
0xd8: {  	[sflag:s13] =	ssyncset.done $0x0  }
0xd9: {  	[sflag:s13] =	ssyncadd.s32 $0xFFFFFB00  }
0xda: {  	_ =	swait.ge [sflag:s13], $0x500  }
0xdb: {  	[sflag:s13] =	ssyncset.done $0x0  }
0xdc: {  	[sflag:s13] =	ssyncadd.s32 $0xFFFFFB00  }
0xdd: {  	_ =	swait.ge [sflag:s13], $0x500  }
0xde: {  	[sflag:s13] =	ssyncset.done $0x0  }
0xdf: {  	[sflag:s13] =	ssyncadd.s32 $0xFFFFFB00  }
0xe0: {  	_ =	swait.ge [sflag:s13], $0x500  }
0xe1: {  	[sflag:s13] =	ssyncset.done $0x0  }
0xe2: {  	[sflag:s13] =	ssyncadd.s32 $0xFFFFFB00  }
0xe3: {  	_ =	swait.ge [sflag:s13], $0x500  }
0xe4: {  	[sflag:s13] =	ssyncset.done $0x0  }
0xe5: {  	[sflag:s13] =	ssyncadd.s32 $0xFFFFFB00  }
0xe6: {  	_ =	swait.ge [sflag:s13], $0x500  }
0xe7: {  	[sflag:s13] =	ssyncset.done $0x0  }
0xe8: {  	[sflag:s13] =	ssyncadd.s32 $0xFFFFFB00  }
0xe9: {  	_ =	swait.ge [sflag:s13], $0x500  }
0xea: {  	[sflag:s13] =	ssyncset.done $0x0  }
0xeb: {  	[sflag:s13] =	ssyncadd.s32 $0xFFFFFB00  }
0xec: {  	_ =	swait.ge [sflag:s13], $0x500  }
0xed: {  	[sflag:s13] =	ssyncset.done $0x0  }
0xee: {  	[sflag:s13] =	ssyncadd.s32 $0xFFFFFB00  }
0xef: {  	_ =	swait.ge [sflag:s13], $0x500  }
0xf0: {  	[sflag:s13] =	ssyncset.done $0x0  }
0xf1: {  	[sflag:s13] =	ssyncadd.s32 $0xFFFFFB00  }
0xf2: {  	_ =	swait.ge [sflag:s13], $0x500  }
0xf3: {  	[sflag:s13] =	ssyncset.done $0x0  }
0xf4: {  	[sflag:s13] =	ssyncadd.s32 $0xFFFFFB00  }
0xf5: {  	_ =	swait.ge [sflag:s13], $0x500  }
0xf6: {  	[sflag:s13] =	ssyncset.done $0x0  }
0xf7: {  	[sflag:s13] =	ssyncadd.s32 $0xFFFFFB00  }
0xf8: {  	_ =	swait.ge [sflag:s13], $0x500  }
0xf9: {  	[sflag:s13] =	ssyncset.done $0x0  }
0xfa: {  	[sflag:s13] =	ssyncadd.s32 $0xFFFFFB00  }
0xfb: {  	_ =	swait.ge [sflag:s13], $0x500  }
0xfc: {  	[sflag:s13] =	ssyncset.done $0x0  }
0xfd: {  	[sflag:s13] =	ssyncadd.s32 $0xFFFFFB00  }
0xfe: {  	_ =	swait.ge [sflag:s13], $0x500  }
0xff: {  	[sflag:s13] =	ssyncset.done $0x0  }
0x100: {  	[sflag:s13] =	ssyncadd.s32 $0xFFFFFB00  }
0x101: {  	_ =	swait.ge [sflag:s13], $0x500  }
0x102: {  	[sflag:s13] =	ssyncset.done $0x0  }
0x103: {  	[sflag:s13] =	ssyncadd.s32 $0xFFFFFB00  }
0x104: {  	_ =	swait.ge [sflag:s13], $0x500  }
0x105: {  	[sflag:s13] =	ssyncset.done $0x0  }
0x106: {  	[sflag:s13] =	ssyncadd.s32 $0xFFFFFB00  }
0x107: {  	_ =	swait.ge [sflag:s13], $0x500  }
0x108: {  	[sflag:s13] =	ssyncset.done $0x0  }
0x109: {  	[sflag:s13] =	ssyncadd.s32 $0xFFFFFB00  }
0x10a: {  	_ =	swait.ge [sflag:s13], $0x500  }
0x10b: {  	[sflag:s13] =	ssyncset.done $0x0  }
0x10c: {  	[sflag:s13] =	ssyncadd.s32 $0xFFFFFB00  }
0x10d: {  	_ =	swait.ge [sflag:s13], $0x500  }
0x10e: {  	[sflag:s13] =	ssyncset.done $0x0  }
0x10f: {  	[sflag:s13] =	ssyncadd.s32 $0xFFFFFB00  }
0x110: {  	_ =	swait.ge [sflag:s13], $0x500  }
0x111: {  	[sflag:s13] =	ssyncset.done $0x0  }
0x112: {  	[sflag:s13] =	ssyncadd.s32 $0xFFFFFB00  }
0x113: {  	_ =	swait.ge [sflag:s13], $0x500  }
0x114: {  	[sflag:s13] =	ssyncset.done $0x0  }
0x115: {  	[sflag:s13] =	ssyncadd.s32 $0xFFFFFB00  }
.Ltmp2:
0x116: {  	_ =	swait.ge [sflag:s13], $0x500;
	(pc) =	sbr.rel @p0 .LBB2_6-.Ltmp2, $4  }
0x117: {  	[sflag:s13] =	ssyncset.done $0x0  }
0x118: {  	[sflag:s13] =	ssyncadd.s32 $0xFFFFFB00  }
0x119: {  	_ =	swait.ge [sflag:s13], $0x500  }
0x11a: {  	s16 =	sshra.s32 s16, $0x2;
	s18 =	smov.u32 s15;
	[sflag:s13] =	ssyncset.done $0x0  }
0x11b: {  	s15 =	sadd.s32 s16, s8;
	[sflag:s13] =	ssyncadd.s32 $0xFFFFFB00  }
0x11c: {  	[spmem:s2] =	stream.indirect.scatter.add.f32 [tilespmem:s12], [sflag:$0x1], $0x10, s15, s11, $0xb8;
	[tilespmem:$0xA320] =	vst v63  }
0x11d: {  	s16 =	sadd.s32 $0x50, s15  }
0x11e: {  	[spmem:s2] =	stream.indirect.scatter.add.f32 [tilespmem:s12], [sflag:$0x1], $0x10, s16, s11, $0xb8;
	[tilespmem:$0xA320] =	vst v63  }
0x11f: {  	s23 =	sadd.s32 $0xA0, s15  }
0x120: {  	[spmem:s2] =	stream.indirect.scatter.add.f32 [tilespmem:s12], [sflag:$0x1], $0x10, s23, s11, $0xb8;
	[tilespmem:$0xA320] =	vst v63  }
0x121: {  	s24 =	sadd.s32 $0xF0, s15  }
0x122: {  	[spmem:s2] =	stream.indirect.scatter.add.f32 [tilespmem:s12], [sflag:$0x1], $0x10, s24, s11, $0xb8;
	[tilespmem:$0xA320] =	vst v63  }
0x123: {  	s25 =	sadd.s32 $0x140, s15  }
0x124: {  	[spmem:s2] =	stream.indirect.scatter.add.f32 [tilespmem:s12], [sflag:$0x1], $0x10, s25, s11, $0xb8;
	[tilespmem:$0xA320] =	vst v63  }
0x125: {  	s26 =	sadd.s32 $0x190, s15  }
0x126: {  	[spmem:s2] =	stream.indirect.scatter.add.f32 [tilespmem:s12], [sflag:$0x1], $0x10, s26, s11, $0xb8;
	[tilespmem:$0xA320] =	vst v63  }
0x127: {  	s28 =	sadd.s32 $0x1E0, s15  }
0x128: {  	[spmem:s2] =	stream.indirect.scatter.add.f32 [tilespmem:s12], [sflag:$0x1], $0x10, s28, s11, $0xb8;
	[tilespmem:$0xA320] =	vst v63  }
0x129: {  	s29 =	sadd.s32 $0x230, s15  }
0x12a: {  	[spmem:s2] =	stream.indirect.scatter.add.f32 [tilespmem:s12], [sflag:$0x1], $0x10, s29, s11, $0xb8;
	[tilespmem:$0xA320] =	vst v63  }
0x12b: {  	s30 =	sadd.s32 $0x280, s15  }
0x12c: {  	[spmem:s2] =	stream.indirect.scatter.add.f32 [tilespmem:s12], [sflag:$0x1], $0x10, s30, s11, $0xb8;
	[tilespmem:$0xA320] =	vst v63  }
0x12d: {  	s31 =	sadd.s32 $0x2D0, s15  }
0x12e: {  	[spmem:s2] =	stream.indirect.scatter.add.f32 [tilespmem:s12], [sflag:$0x1], $0x10, s31, s11, $0xb8;
	[tilespmem:$0xA320] =	vst v63  }
0x12f: {  	s17 =	sadd.s32 $0x320, s15  }
0x130: {  	[spmem:s2] =	stream.indirect.scatter.add.f32 [tilespmem:s12], [sflag:$0x1], $0x10, s17, s11, $0xb8;
	[tilespmem:$0xA320] =	vst v63  }
0x131: {  	s18 =	sadd.s32 $0x370, s15  }
0x132: {  	[spmem:s2] =	stream.indirect.scatter.add.f32 [tilespmem:s12], [sflag:$0x1], $0x10, s18, s11, $0xb8;
	[tilespmem:$0xA320] =	vst v63  }
0x133: {  	s19 =	sadd.s32 $0x3C0, s15  }
0x134: {  	[spmem:s2] =	stream.indirect.scatter.add.f32 [tilespmem:s12], [sflag:$0x1], $0x10, s19, s11, $0xb8;
	[tilespmem:$0xA320] =	vst v63  }
0x135: {  	s20 =	sadd.s32 $0x410, s15  }
0x136: {  	[spmem:s2] =	stream.indirect.scatter.add.f32 [tilespmem:s12], [sflag:$0x1], $0x10, s20, s11, $0xb8;
	[tilespmem:$0xA320] =	vst v63  }
0x137: {  	s21 =	sadd.s32 $0x460, s15  }
0x138: {  	[spmem:s2] =	stream.indirect.scatter.add.f32 [tilespmem:s12], [sflag:$0x1], $0x10, s21, s11, $0xb8;
	[tilespmem:$0xA320] =	vst v63  }
0x139: {  	s22 =	sadd.s32 $0x4B0, s15  }
0x13a: {  	[spmem:s2] =	stream.indirect.scatter.add.f32 [tilespmem:s12], [sflag:$0x1], $0x10, s22, s11, $0xb8;
	[tilespmem:$0xA320] =	vst v63  }
0x13b: {  	s23 =	sadd.s32 $0x500, s15  }
0x13c: {  	[spmem:s2] =	stream.indirect.scatter.add.f32 [tilespmem:s12], [sflag:$0x1], $0x10, s23, s11, $0xb8;
	[tilespmem:$0xA320] =	vst v63  }
0x13d: {  	s24 =	sadd.s32 $0x550, s15  }
0x13e: {  	[spmem:s2] =	stream.indirect.scatter.add.f32 [tilespmem:s12], [sflag:$0x1], $0x10, s24, s11, $0xb8;
	[tilespmem:$0xA320] =	vst v63  }
0x13f: {  	s25 =	sadd.s32 $0x5A0, s15  }
0x140: {  	[spmem:s2] =	stream.indirect.scatter.add.f32 [tilespmem:s12], [sflag:$0x1], $0x10, s25, s11, $0xb8;
	[tilespmem:$0xA320] =	vst v63  }
0x141: {  	s26 =	sadd.s32 $0x5F0, s15  }
0x142: {  	[spmem:s2] =	stream.indirect.scatter.add.f32 [tilespmem:s12], [sflag:$0x1], $0x10, s26, s11, $0xb8;
	[tilespmem:$0xA320] =	vst v63  }
0x143: {  	s28 =	sadd.s32 $0x640, s15  }
0x144: {  	[spmem:s2] =	stream.indirect.scatter.add.f32 [tilespmem:s12], [sflag:$0x1], $0x10, s28, s11, $0xb8;
	[tilespmem:$0xA320] =	vst v63  }
0x145: {  	s29 =	sadd.s32 $0x690, s15  }
0x146: {  	[spmem:s2] =	stream.indirect.scatter.add.f32 [tilespmem:s12], [sflag:$0x1], $0x10, s29, s11, $0xb8;
	[tilespmem:$0xA320] =	vst v63  }
0x147: {  	s30 =	sadd.s32 $0x6E0, s15  }
0x148: {  	[spmem:s2] =	stream.indirect.scatter.add.f32 [tilespmem:s12], [sflag:$0x1], $0x10, s30, s11, $0xb8;
	[tilespmem:$0xA320] =	vst v63  }
0x149: {  	s31 =	sadd.s32 $0x730, s15  }
0x14a: {  	[spmem:s2] =	stream.indirect.scatter.add.f32 [tilespmem:s12], [sflag:$0x1], $0x10, s31, s11, $0xb8;
	[tilespmem:$0xA320] =	vst v63  }
0x14b: {  	s15 =	sadd.s32 $0x780, s15  }
0x14c: {  	[spmem:s2] =	stream.indirect.scatter.add.f32 [tilespmem:s12], [sflag:$0x1], $0x10, s15, s11, $0xb8;
	[tilespmem:$0xA320] =	vst v63  }
0x14d: {  	_ =	swait.ge [sflag:s13], $0x500  }
0x14e: {  	[sflag:s13] =	ssyncset.done $0x0  }
0x14f: {  	[sflag:s13] =	ssyncadd.s32 $0xFFFFFB00  }
0x150: {  	_ =	swait.ge [sflag:s13], $0x500  }
0x151: {  	[sflag:s13] =	ssyncset.done $0x0  }
0x152: {  	[sflag:s13] =	ssyncadd.s32 $0xFFFFFB00  }
0x153: {  	_ =	swait.ge [sflag:s13], $0x500  }
0x154: {  	[sflag:s13] =	ssyncset.done $0x0  }
0x155: {  	[sflag:s13] =	ssyncadd.s32 $0xFFFFFB00  }
0x156: {  	_ =	swait.ge [sflag:s13], $0x500  }
0x157: {  	[sflag:s13] =	ssyncset.done $0x0  }
0x158: {  	[sflag:s13] =	ssyncadd.s32 $0xFFFFFB00  }
0x159: {  	_ =	swait.ge [sflag:s13], $0x500  }
0x15a: {  	[sflag:s13] =	ssyncset.done $0x0  }
0x15b: {  	[sflag:s13] =	ssyncadd.s32 $0xFFFFFB00  }
0x15c: {  	_ =	swait.ge [sflag:s13], $0x500  }
0x15d: {  	[sflag:s13] =	ssyncset.done $0x0  }
0x15e: {  	[sflag:s13] =	ssyncadd.s32 $0xFFFFFB00  }
0x15f: {  	_ =	swait.ge [sflag:s13], $0x500  }
0x160: {  	[sflag:s13] =	ssyncset.done $0x0  }
0x161: {  	[sflag:s13] =	ssyncadd.s32 $0xFFFFFB00  }
0x162: {  	_ =	swait.ge [sflag:s13], $0x500  }
0x163: {  	[sflag:s13] =	ssyncset.done $0x0  }
0x164: {  	[sflag:s13] =	ssyncadd.s32 $0xFFFFFB00  }
0x165: {  	_ =	swait.ge [sflag:s13], $0x500  }
0x166: {  	[sflag:s13] =	ssyncset.done $0x0  }
0x167: {  	[sflag:s13] =	ssyncadd.s32 $0xFFFFFB00  }
0x168: {  	_ =	swait.ge [sflag:s13], $0x500  }
0x169: {  	[sflag:s13] =	ssyncset.done $0x0  }
0x16a: {  	[sflag:s13] =	ssyncadd.s32 $0xFFFFFB00  }
0x16b: {  	_ =	swait.ge [sflag:s13], $0x500  }
0x16c: {  	[sflag:s13] =	ssyncset.done $0x0  }
0x16d: {  	[sflag:s13] =	ssyncadd.s32 $0xFFFFFB00  }
0x16e: {  	_ =	swait.ge [sflag:s13], $0x500  }
0x16f: {  	[sflag:s13] =	ssyncset.done $0x0  }
0x170: {  	[sflag:s13] =	ssyncadd.s32 $0xFFFFFB00  }
0x171: {  	_ =	swait.ge [sflag:s13], $0x500  }
0x172: {  	[sflag:s13] =	ssyncset.done $0x0  }
0x173: {  	[sflag:s13] =	ssyncadd.s32 $0xFFFFFB00  }
0x174: {  	_ =	swait.ge [sflag:s13], $0x500  }
0x175: {  	[sflag:s13] =	ssyncset.done $0x0  }
0x176: {  	[sflag:s13] =	ssyncadd.s32 $0xFFFFFB00  }
0x177: {  	_ =	swait.ge [sflag:s13], $0x500  }
0x178: {  	[sflag:s13] =	ssyncset.done $0x0  }
0x179: {  	[sflag:s13] =	ssyncadd.s32 $0xFFFFFB00  }
0x17a: {  	_ =	swait.ge [sflag:s13], $0x500  }
0x17b: {  	[sflag:s13] =	ssyncset.done $0x0  }
0x17c: {  	[sflag:s13] =	ssyncadd.s32 $0xFFFFFB00  }
0x17d: {  	_ =	swait.ge [sflag:s13], $0x500  }
0x17e: {  	[sflag:s13] =	ssyncset.done $0x0  }
0x17f: {  	[sflag:s13] =	ssyncadd.s32 $0xFFFFFB00  }
0x180: {  	_ =	swait.ge [sflag:s13], $0x500  }
0x181: {  	[sflag:s13] =	ssyncset.done $0x0  }
0x182: {  	[sflag:s13] =	ssyncadd.s32 $0xFFFFFB00  }
0x183: {  	_ =	swait.ge [sflag:s13], $0x500  }
0x184: {  	[sflag:s13] =	ssyncset.done $0x0  }
0x185: {  	[sflag:s13] =	ssyncadd.s32 $0xFFFFFB00  }
0x186: {  	_ =	swait.ge [sflag:s13], $0x500  }
0x187: {  	[sflag:s13] =	ssyncset.done $0x0  }
0x188: {  	[sflag:s13] =	ssyncadd.s32 $0xFFFFFB00  }
0x189: {  	_ =	swait.ge [sflag:s13], $0x500  }
0x18a: {  	[sflag:s13] =	ssyncset.done $0x0  }
0x18b: {  	[sflag:s13] =	ssyncadd.s32 $0xFFFFFB00  }
0x18c: {  	_ =	swait.ge [sflag:s13], $0x500  }
0x18d: {  	[sflag:s13] =	ssyncset.done $0x0  }
0x18e: {  	[sflag:s13] =	ssyncadd.s32 $0xFFFFFB00  }
0x18f: {  	_ =	swait.ge [sflag:s13], $0x500  }
0x190: {  	[sflag:s13] =	ssyncset.done $0x0  }
0x191: {  	[sflag:s13] =	ssyncadd.s32 $0xFFFFFB00  }
0x192: {  	_ =	swait.ge [sflag:s13], $0x500  }
0x193: {  	[sflag:s13] =	ssyncset.done $0x0  }
0x194: {  	[sflag:s13] =	ssyncadd.s32 $0xFFFFFB00  }
0x195: {  	_ =	swait.ge [sflag:s13], $0x500  }
0x196: {  	[sflag:s13] =	ssyncset.done $0x0  }
0x197: {  	[sflag:s13] =	ssyncadd.s32 $0xFFFFFB00  }
0x198: {  	[bflag:$0x0] =	sbarrier.arrive $0xFFFF  }
0x199: {  	[tilespmem:s9], [sflag:$0x2] =	stream.linear.gather [spmem:s4], $0x2800, $0x38;
	[tilespmem:$0xA320] =	vst v63  }
0x19a: {  	s14 =	sadd.s32 $0x1, s14;
	_ =	swait.ge [sflag:s10], $0x2800  }
0x19b: {  	p0 =	sne.s32 s14, s7;
	[sflag:s10] =	ssyncset.done $0x0  }
.Ltmp3:
0x19c: {  	[sflag:s10] =	ssyncadd.s32 $0xFFFFD800;
	(pc) =	sbr.rel @p0 .LBB2_1-.Ltmp3, $4  }
0x19d: {  	[hbm4b:s6+s3] =	stream.linear.scatter [tilespmem:s9], [sflag:$0x2], $0x2800, $0x38;
	[tilespmem:$0xA320] =	vst v63  }
0x19e: {  	_ =	swait.ge [sflag:s10], $0x2800  }
0x19f: {  	[sflag:s10] =	ssyncset.done $0x0  }
0x1a0: {  	[sflag:s10] =	ssyncadd.s32 $0xFFFFD800  }
0x1a1: {  	_ =	sfence.sel $0x180000  }
0x1a2: {  	[bflag:$0x0] =	sbarrier.arrive $0xFFFF  }
0x1a3: {  	p0 =	sne.s32 s1, $0x0;
	_ =	strace $0x9000004A  }
0x1a4: {  	s0 =	sadd.s32 @!p0 $0x100000, s0;
	[bflag:$0x2] =	sbarrier.arrive $0xFFFF  }
0x1a5: {  	[sflag:s0] =	ssyncadd.tile.s32 @!p0 $0x1;
	_ =	shalt  }
.Lfunc_end2:
_tile_overlayer_lowered:
.L_overlay_start_2:
0x1a6: {  	(tag) =	ssettag $0x2  }
0x1a7: {  	s0 =	rddreg [dreg:$0x0];
	s2 =	stileid.u32  }
0x1a8: {  	s1 =	rddreg [dreg:$0x1];
	p0 =	sne.s32 s2, $0x0  }
0x1a9: {  	s3 =	rddreg [dreg:$0x2];
	[bflag:$0x3] =	sbarrier.arrive $0xFFFF;
	s2 =	simm.s32 @!p0 $0x1C02  }
0x1aa: {  	[timem:s3], [sflag:s2] =	dma.local @!p0 [hbm:s0], s1  }
0x1ab: {  	s0 =	simm.s32 @!p0 $0x2  }
0x1ac: {  	_ =	swait.ge @!p0 [sflag:s0], s1  }
0x1ad: {  	s1 =	ssub.s32 @!p0 $0x0, s1;
	[sflag:s0] =	ssyncset.done @!p0 $0x0  }
0x1ae: {  	[sflag:s0] =	ssyncadd.s32 @!p0 s1  }
0x1af: {  	[bflag:$0x3] =	sbarrier.arrive $0xFFFF  }
0x1b0: {  	_ =	shalt  }

</sc_bundles>
